<compile_context>
chip_gen: v7x
topology: tpu7x:2x2x1
jax: 0.10.2.dev20260603
libtpu: 0.0.44.dev20260713+nightly
codegen_flags: <defaults>
</compile_context>

<pallas_src>
import jax
import jax.numpy as jnp
from jax import lax
from jax.experimental import pallas as pl
from jax.experimental.pallas import tpu as pltpu
from jax.experimental.pallas import tpu_sc as plsc

B = 16384
H = 64
C = 20
NC = 2
NS = 16
NW = NC * NS
BPW = B // NW
CB = 16
NCHUNK = BPW // CB
SUBW = 4
IDXW = CB * C // SUBW

_mesh = plsc.VectorSubcoreMesh(
    core_axis_name="c", subcore_axis_name="s", num_cores=NC, num_subcores=NS
)


def _sc_body(cidx_hbm, t_hbm, oe_hbm, out_hbm,
             cidx_v, t_rows, c_buf, stage_v, out_v, sem_c0, sem_c1):
    wid = lax.axis_index("s") * NC + lax.axis_index("c")
    lane = lax.iota(jnp.int32, 16)

    pltpu.sync_copy(cidx_hbm.at[wid], cidx_v)
    pltpu.sync_copy(t_hbm.at[pl.ds(wid * BPW * H, BPW * H)], t_rows)

    sems = (sem_c0, sem_c1)
    for b2 in range(2):
        for i in range(SUBW):
            pltpu.async_copy(oe_hbm.at[cidx_v.at[b2, i]], c_buf.at[b2, i],
                             sems[b2])

    def compute_chunk(ci, b2):
        for i in range(SUBW):
            pltpu.make_async_copy(oe_hbm.at[pl.ds(0, IDXW)], c_buf.at[b2, i],
                                  sems[b2]).wait()

        def u_body(u, carry):
            sub = u // SUBW
            r0 = (u % SUBW) * C
            bb = ci * CB + u
            accs = [jnp.zeros((16,), jnp.float32) for _ in range(4)]
            for j in range(C):
                for k in range(4):
                    accs[k] = accs[k] + c_buf[b2, sub, r0 + j,
                                              pl.ds(k * 16, 16)]
            s = jnp.zeros((16,), jnp.float32)
            for k in range(4):
                s = s + accs[k] * t_rows[pl.ds(bb * H + k * 16, 16)]
            stage_v[u, :] = s
            return carry

        lax.fori_loop(0, CB, u_body, 0)
        total = jnp.zeros((16,), jnp.float32)
        for col in range(16):
            total = total + plsc.load_gather(
                stage_v, [lane, jnp.full((16,), col, jnp.int32)])
        out_v[pl.ds(ci * CB, CB)] = total * (1.0 / C)

        @pl.when(ci + 2 < NCHUNK)
        def _():
            for i in range(SUBW):
                pltpu.async_copy(oe_hbm.at[cidx_v.at[ci + 2, i]],
                                 c_buf.at[b2, i], sems[b2])

    def outer(g, carry):
        for b2 in range(2):
            compute_chunk(2 * g + b2, b2)
        return carry

    lax.fori_loop(0, NCHUNK // 2, outer, 0)
    pltpu.sync_copy(out_v, out_hbm.at[pl.ds(wid * BPW, BPW)])


_skipgram_sc = pl.kernel(
    _sc_body,
    out_type=jax.ShapeDtypeStruct((B,), jnp.float32),
    mesh=_mesh,
    compiler_params=pltpu.CompilerParams(
        needs_layout_passes=False, use_tc_tiling_on_sc=False),
    scratch_types=[
        pltpu.VMEM((NCHUNK, SUBW, IDXW), jnp.int32),
        pltpu.VMEM((BPW * H,), jnp.float32),
        pltpu.VMEM((2, SUBW, IDXW, H), jnp.float32),
        pltpu.VMEM((16, 16), jnp.float32),
        pltpu.VMEM((BPW,), jnp.float32),
        pltpu.SemaphoreType.DMA,
        pltpu.SemaphoreType.DMA,
    ],
)


def kernel(x, in_embedding, out_embedding):
    xi = x.astype(jnp.int32)
    ctx_idx = xi[:, 1:].reshape(NW, NCHUNK, SUBW, IDXW)
    t_rows = jnp.take(in_embedding, xi[:, 0], axis=0).reshape(B * H)
    out = _skipgram_sc(ctx_idx, t_rows, out_embedding)
    return out.reshape(B, 1)

# --- scband reference (transcript-rebuilt; emitter-appended) ---
"""Pipeline reference for scband-skipgram-19997367730582 (READ-ONLY COPY).

The authoritative reference and input builder live on the scoring server;
editing this copy changes nothing except your own understanding.
"""

import jax, jax.numpy as jnp
import numpy as np

VOCAB = 1000000
HIDDEN = 64
BATCH = 16384
COLS = 21  # 1 target + 20 context


def setup_inputs(seed: int = 0) -> dict:
    key = jax.random.key(seed)
    k1, k2, k3 = jax.random.split(key, 3)
    x = jax.random.randint(k1, (BATCH, COLS), 0, VOCAB, dtype=jnp.int64 if jax.config.read('jax_enable_x64') else jnp.int32)
    in_embedding = jax.random.normal(k2, (VOCAB, HIDDEN), dtype=jnp.float32) * 0.02
    out_embedding = jax.random.normal(k3, (VOCAB, HIDDEN), dtype=jnp.float32) * 0.02
    return {"x": x, "in_embedding": in_embedding, "out_embedding": out_embedding}


def reference(x, in_embedding, out_embedding):
    # target = x[:, 0].unsqueeze(1); context = x[:, 1:]
    target_idx = x[:, 0:1]            # [B, 1]
    context_idx = x[:, 1:]            # [B, 20]
    target = jnp.take(in_embedding, target_idx, axis=0)    # [B, 1, H]
    context = jnp.take(out_embedding, context_idx, axis=0)  # [B, 20, H]
    # torch.bmm(target, context.transpose(1, 2)) -> [B, 1, 20]
    scores = jnp.einsum('bik,bjk->bij', target, context)
    # torch.mean(x, dim=-1) -> [B, 1]
    out = jnp.mean(scores, axis=-1)
    return out

if __name__ == "__main__":
    import jax
    _d = setup_inputs()
    print(jax.jit(kernel)(*tuple(_d.values())))

</pallas_src>

<mosaic_0001>
#map = affine_map<(d0, d1) -> (0, 0, 0, 0)>
#map1 = affine_map<(d0, d1) -> (0)>
#map2 = affine_map<(d0, d1) -> (0, 0)>
module attributes {stable_mosaic.version = 14 : i64} {
  func.func @_sc_body(%arg0: i32, %arg1: i32, %arg2: memref<32x32x4x80xi32, #tpu.memory_space<hbm>>, %arg3: memref<1048576xf32, #tpu.memory_space<hbm>>, %arg4: memref<1000000x64xf32, #tpu.memory_space<hbm>>, %arg5: memref<16384xf32, #tpu.memory_space<hbm>>, %arg6: memref<32x4x80xi32, #tpu.memory_space<vmem>>, %arg7: memref<32768xf32, #tpu.memory_space<vmem>>, %arg8: memref<2x4x80x64xf32, #tpu.memory_space<vmem>>, %arg9: memref<16x16xf32, #tpu.memory_space<vmem>>, %arg10: memref<512xf32, #tpu.memory_space<vmem>>, %arg11: memref<!tpu.dma_semaphore, #tpu.memory_space<semaphore_mem>>, %arg12: memref<!tpu.dma_semaphore, #tpu.memory_space<semaphore_mem>>) attributes {dimension_semantics = [#tpu.dimension_semantics<core_parallel>, #tpu.dimension_semantics<subcore_parallel>], iteration_bounds = array<i64: 2, 16>, scalar_prefetch = 0 : i64, scratch_operands = 7 : i64, tpu.core_type = #tpu.core_type<sc_vector_subcore>, window_params = [{transform_indices = #map}, {transform_indices = #map1}, {transform_indices = #map2}, {transform_indices = #map1}]} {
    %mul3A = arith.constant 2 : i32
    %mul3A_0 = arith.muli %arg1, %mul3A : i32
    %add3A = arith.addi %mul3A_0, %arg0 : i32
    %iota3A = tpu.iota {dimensions = array<i32: 0>} : vector<16xi32>
    "tpu.region"() ({
      %run_scoped3A = tpu.sem_alloc : memref<!tpu.dma_semaphore, #tpu.memory_space<semaphore_mem>>
      %dma_start3A_123 = arith.constant 0 : i32
      %dma_start3A_124 = arith.constant 0 : i32
      %dma_start3A_125 = arith.constant 0 : i32
      %dma_start3A_126 = tpu.memref_slice %arg2[%add3A, %dma_start3A_123, %dma_start3A_124, %dma_start3A_125] : memref<32x32x4x80xi32, #tpu.memory_space<hbm>> -> memref<1x32x4x80xi32, #tpu.memory_space<hbm>>
      %dma_start3A_127 = tpu.memref_squeeze %dma_start3A_126 : memref<1x32x4x80xi32, #tpu.memory_space<hbm>> -> memref<32x4x80xi32, #tpu.memory_space<hbm>>
      %dma_start3A_128 = arith.constant 0 : i32
      %dma_start3A_129 = arith.constant 0 : i32
      %dma_start3A_130 = arith.constant 0 : i32
      %dma_start3A_131 = tpu.memref_slice %arg2[%add3A, %dma_start3A_128, %dma_start3A_129, %dma_start3A_130] : memref<32x32x4x80xi32, #tpu.memory_space<hbm>> -> memref<1x32x4x80xi32, #tpu.memory_space<hbm>>
      %dma_start3A_132 = tpu.memref_squeeze %dma_start3A_131 : memref<1x32x4x80xi32, #tpu.memory_space<hbm>> -> memref<32x4x80xi32, #tpu.memory_space<hbm>>
      tpu.enqueue_dma source(%dma_start3A_132 : memref<32x4x80xi32, #tpu.memory_space<hbm>>) target(%arg6 : memref<32x4x80xi32, #tpu.memory_space<vmem>>) target_semaphore(%run_scoped3A : memref<!tpu.dma_semaphore, #tpu.memory_space<semaphore_mem>>)
      %dma_wait3A = arith.constant 0 : i32
      %dma_wait3A_133 = arith.constant 0 : i32
      %dma_wait3A_134 = arith.constant 0 : i32
      %dma_wait3A_135 = tpu.memref_slice %arg2[%add3A, %dma_wait3A, %dma_wait3A_133, %dma_wait3A_134] : memref<32x32x4x80xi32, #tpu.memory_space<hbm>> -> memref<1x32x4x80xi32, #tpu.memory_space<hbm>>
      %dma_wait3A_136 = tpu.memref_squeeze %dma_wait3A_135 : memref<1x32x4x80xi32, #tpu.memory_space<hbm>> -> memref<32x4x80xi32, #tpu.memory_space<hbm>>
      %dma_wait3A_137 = arith.constant 0 : i32
      %dma_wait3A_138 = arith.constant 0 : i32
      %dma_wait3A_139 = arith.constant 0 : i32
      %dma_wait3A_140 = tpu.memref_slice %arg2[%add3A, %dma_wait3A_137, %dma_wait3A_138, %dma_wait3A_139] : memref<32x32x4x80xi32, #tpu.memory_space<hbm>> -> memref<1x32x4x80xi32, #tpu.memory_space<hbm>>
      %dma_wait3A_141 = tpu.memref_squeeze %dma_wait3A_140 : memref<1x32x4x80xi32, #tpu.memory_space<hbm>> -> memref<32x4x80xi32, #tpu.memory_space<hbm>>
      tpu.wait_dma2 semaphore(%run_scoped3A : memref<!tpu.dma_semaphore, #tpu.memory_space<semaphore_mem>>) src(%dma_wait3A_141 : memref<32x4x80xi32, #tpu.memory_space<hbm>>) dst(%arg6 : memref<32x4x80xi32, #tpu.memory_space<vmem>>)
      tpu.yield
    }) : () -> ()
    %mul3A_1 = arith.constant 512 : i32
    %mul3A_2 = arith.muli %add3A, %mul3A_1 : i32
    %mul3A_3 = arith.constant 64 : i32
    %mul3A_4 = arith.muli %mul3A_2, %mul3A_3 : i32
    "tpu.region"() ({
      %run_scoped3A = tpu.sem_alloc : memref<!tpu.dma_semaphore, #tpu.memory_space<semaphore_mem>>
      %dma_start3A_123 = tpu.memref_slice %arg3[%mul3A_4] : memref<1048576xf32, #tpu.memory_space<hbm>> -> memref<32768xf32, #tpu.memory_space<hbm>>
      %dma_start3A_124 = tpu.memref_slice %arg3[%mul3A_4] : memref<1048576xf32, #tpu.memory_space<hbm>> -> memref<32768xf32, #tpu.memory_space<hbm>>
      tpu.enqueue_dma source(%dma_start3A_124 : memref<32768xf32, #tpu.memory_space<hbm>>) target(%arg7 : memref<32768xf32, #tpu.memory_space<vmem>>) target_semaphore(%run_scoped3A : memref<!tpu.dma_semaphore, #tpu.memory_space<semaphore_mem>>)
      %dma_wait3A = tpu.memref_slice %arg3[%mul3A_4] : memref<1048576xf32, #tpu.memory_space<hbm>> -> memref<32768xf32, #tpu.memory_space<hbm>>
      %dma_wait3A_125 = tpu.memref_slice %arg3[%mul3A_4] : memref<1048576xf32, #tpu.memory_space<hbm>> -> memref<32768xf32, #tpu.memory_space<hbm>>
      tpu.wait_dma2 semaphore(%run_scoped3A : memref<!tpu.dma_semaphore, #tpu.memory_space<semaphore_mem>>) src(%dma_wait3A_125 : memref<32768xf32, #tpu.memory_space<hbm>>) dst(%arg7 : memref<32768xf32, #tpu.memory_space<vmem>>)
      tpu.yield
    }) : () -> ()
    %dma_start3A = arith.constant 0 : i32
    %dma_start3A_5 = arith.constant 0 : i32
    %dma_start3A_6 = arith.constant 0 : i32
    %dma_start3A_7 = arith.constant 0 : i32
    %dma_start3A_8 = arith.constant 0 : i32
    %dma_start3A_9 = arith.constant 0 : i32
    %dma_start3A_10 = tpu.memref_slice %arg8[%dma_start3A_6, %dma_start3A_7, %dma_start3A_8, %dma_start3A_9] : memref<2x4x80x64xf32, #tpu.memory_space<vmem>> -> memref<1x1x80x64xf32, #tpu.memory_space<vmem>>
    %dma_start3A_11 = tpu.memref_squeeze %dma_start3A_10 : memref<1x1x80x64xf32, #tpu.memory_space<vmem>> -> memref<80x64xf32, #tpu.memory_space<vmem>>
    %dma_start3A_12 = arith.constant 0 : i32
    %dma_start3A_13 = tpu.memref_slice %arg6[%dma_start3A, %dma_start3A_5, %dma_start3A_12] : memref<32x4x80xi32, #tpu.memory_space<vmem>> -> memref<1x1x80xi32, #tpu.memory_space<vmem>>
    %dma_start3A_14 = tpu.memref_squeeze %dma_start3A_13 : memref<1x1x80xi32, #tpu.memory_space<vmem>> -> memref<80xi32, #tpu.memory_space<vmem>>
    %dma_start3A_15 = arith.constant 0 : i32
    %dma_start3A_16 = arith.constant 0 : i32
    %dma_start3A_17 = tpu.memref_slice %arg4[%dma_start3A_15, %dma_start3A_16] : memref<1000000x64xf32, #tpu.memory_space<hbm>> -> memref<1000000x64xf32, #tpu.memory_space<hbm>>
    tpu.enqueue_indirect_dma source(%dma_start3A_17 : memref<1000000x64xf32, #tpu.memory_space<hbm>>) target(%dma_start3A_11 : memref<80x64xf32, #tpu.memory_space<vmem>>) offsets(%dma_start3A_14 : memref<80xi32, #tpu.memory_space<vmem>>) semaphore(%arg11 : memref<!tpu.dma_semaphore, #tpu.memory_space<semaphore_mem>>)
    %dma_start3A_18 = arith.constant 0 : i32
    %dma_start3A_19 = arith.constant 1 : i32
    %dma_start3A_20 = arith.constant 0 : i32
    %dma_start3A_21 = arith.constant 1 : i32
    %dma_start3A_22 = arith.constant 0 : i32
    %dma_start3A_23 = arith.constant 0 : i32
    %dma_start3A_24 = tpu.memref_slice %arg8[%dma_start3A_20, %dma_start3A_21, %dma_start3A_22, %dma_start3A_23] : memref<2x4x80x64xf32, #tpu.memory_space<vmem>> -> memref<1x1x80x64xf32, #tpu.memory_space<vmem>>
    %dma_start3A_25 = tpu.memref_squeeze %dma_start3A_24 : memref<1x1x80x64xf32, #tpu.memory_space<vmem>> -> memref<80x64xf32, #tpu.memory_space<vmem>>
    %dma_start3A_26 = arith.constant 0 : i32
    %dma_start3A_27 = tpu.memref_slice %arg6[%dma_start3A_18, %dma_start3A_19, %dma_start3A_26] : memref<32x4x80xi32, #tpu.memory_space<vmem>> -> memref<1x1x80xi32, #tpu.memory_space<vmem>>
    %dma_start3A_28 = tpu.memref_squeeze %dma_start3A_27 : memref<1x1x80xi32, #tpu.memory_space<vmem>> -> memref<80xi32, #tpu.memory_space<vmem>>
    %dma_start3A_29 = arith.constant 0 : i32
    %dma_start3A_30 = arith.constant 0 : i32
    %dma_start3A_31 = tpu.memref_slice %arg4[%dma_start3A_29, %dma_start3A_30] : memref<1000000x64xf32, #tpu.memory_space<hbm>> -> memref<1000000x64xf32, #tpu.memory_space<hbm>>
    tpu.enqueue_indirect_dma source(%dma_start3A_31 : memref<1000000x64xf32, #tpu.memory_space<hbm>>) target(%dma_start3A_25 : memref<80x64xf32, #tpu.memory_space<vmem>>) offsets(%dma_start3A_28 : memref<80xi32, #tpu.memory_space<vmem>>) semaphore(%arg11 : memref<!tpu.dma_semaphore, #tpu.memory_space<semaphore_mem>>)
    %dma_start3A_32 = arith.constant 0 : i32
    %dma_start3A_33 = arith.constant 2 : i32
    %dma_start3A_34 = arith.constant 0 : i32
    %dma_start3A_35 = arith.constant 2 : i32
    %dma_start3A_36 = arith.constant 0 : i32
    %dma_start3A_37 = arith.constant 0 : i32
    %dma_start3A_38 = tpu.memref_slice %arg8[%dma_start3A_34, %dma_start3A_35, %dma_start3A_36, %dma_start3A_37] : memref<2x4x80x64xf32, #tpu.memory_space<vmem>> -> memref<1x1x80x64xf32, #tpu.memory_space<vmem>>
    %dma_start3A_39 = tpu.memref_squeeze %dma_start3A_38 : memref<1x1x80x64xf32, #tpu.memory_space<vmem>> -> memref<80x64xf32, #tpu.memory_space<vmem>>
    %dma_start3A_40 = arith.constant 0 : i32
    %dma_start3A_41 = tpu.memref_slice %arg6[%dma_start3A_32, %dma_start3A_33, %dma_start3A_40] : memref<32x4x80xi32, #tpu.memory_space<vmem>> -> memref<1x1x80xi32, #tpu.memory_space<vmem>>
    %dma_start3A_42 = tpu.memref_squeeze %dma_start3A_41 : memref<1x1x80xi32, #tpu.memory_space<vmem>> -> memref<80xi32, #tpu.memory_space<vmem>>
    %dma_start3A_43 = arith.constant 0 : i32
    %dma_start3A_44 = arith.constant 0 : i32
    %dma_start3A_45 = tpu.memref_slice %arg4[%dma_start3A_43, %dma_start3A_44] : memref<1000000x64xf32, #tpu.memory_space<hbm>> -> memref<1000000x64xf32, #tpu.memory_space<hbm>>
    tpu.enqueue_indirect_dma source(%dma_start3A_45 : memref<1000000x64xf32, #tpu.memory_space<hbm>>) target(%dma_start3A_39 : memref<80x64xf32, #tpu.memory_space<vmem>>) offsets(%dma_start3A_42 : memref<80xi32, #tpu.memory_space<vmem>>) semaphore(%arg11 : memref<!tpu.dma_semaphore, #tpu.memory_space<semaphore_mem>>)
    %dma_start3A_46 = arith.constant 0 : i32
    %dma_start3A_47 = arith.constant 3 : i32
    %dma_start3A_48 = arith.constant 0 : i32
    %dma_start3A_49 = arith.constant 3 : i32
    %dma_start3A_50 = arith.constant 0 : i32
    %dma_start3A_51 = arith.constant 0 : i32
    %dma_start3A_52 = tpu.memref_slice %arg8[%dma_start3A_48, %dma_start3A_49, %dma_start3A_50, %dma_start3A_51] : memref<2x4x80x64xf32, #tpu.memory_space<vmem>> -> memref<1x1x80x64xf32, #tpu.memory_space<vmem>>
    %dma_start3A_53 = tpu.memref_squeeze %dma_start3A_52 : memref<1x1x80x64xf32, #tpu.memory_space<vmem>> -> memref<80x64xf32, #tpu.memory_space<vmem>>
    %dma_start3A_54 = arith.constant 0 : i32
    %dma_start3A_55 = tpu.memref_slice %arg6[%dma_start3A_46, %dma_start3A_47, %dma_start3A_54] : memref<32x4x80xi32, #tpu.memory_space<vmem>> -> memref<1x1x80xi32, #tpu.memory_space<vmem>>
    %dma_start3A_56 = tpu.memref_squeeze %dma_start3A_55 : memref<1x1x80xi32, #tpu.memory_space<vmem>> -> memref<80xi32, #tpu.memory_space<vmem>>
    %dma_start3A_57 = arith.constant 0 : i32
    %dma_start3A_58 = arith.constant 0 : i32
    %dma_start3A_59 = tpu.memref_slice %arg4[%dma_start3A_57, %dma_start3A_58] : memref<1000000x64xf32, #tpu.memory_space<hbm>> -> memref<1000000x64xf32, #tpu.memory_space<hbm>>
    tpu.enqueue_indirect_dma source(%dma_start3A_59 : memref<1000000x64xf32, #tpu.memory_space<hbm>>) target(%dma_start3A_53 : memref<80x64xf32, #tpu.memory_space<vmem>>) offsets(%dma_start3A_56 : memref<80xi32, #tpu.memory_space<vmem>>) semaphore(%arg11 : memref<!tpu.dma_semaphore, #tpu.memory_space<semaphore_mem>>)
    %dma_start3A_60 = arith.constant 1 : i32
    %dma_start3A_61 = arith.constant 0 : i32
    %dma_start3A_62 = arith.constant 1 : i32
    %dma_start3A_63 = arith.constant 0 : i32
    %dma_start3A_64 = arith.constant 0 : i32
    %dma_start3A_65 = arith.constant 0 : i32
    %dma_start3A_66 = tpu.memref_slice %arg8[%dma_start3A_62, %dma_start3A_63, %dma_start3A_64, %dma_start3A_65] : memref<2x4x80x64xf32, #tpu.memory_space<vmem>> -> memref<1x1x80x64xf32, #tpu.memory_space<vmem>>
    %dma_start3A_67 = tpu.memref_squeeze %dma_start3A_66 : memref<1x1x80x64xf32, #tpu.memory_space<vmem>> -> memref<80x64xf32, #tpu.memory_space<vmem>>
    %dma_start3A_68 = arith.constant 0 : i32
    %dma_start3A_69 = tpu.memref_slice %arg6[%dma_start3A_60, %dma_start3A_61, %dma_start3A_68] : memref<32x4x80xi32, #tpu.memory_space<vmem>> -> memref<1x1x80xi32, #tpu.memory_space<vmem>>
    %dma_start3A_70 = tpu.memref_squeeze %dma_start3A_69 : memref<1x1x80xi32, #tpu.memory_space<vmem>> -> memref<80xi32, #tpu.memory_space<vmem>>
    %dma_start3A_71 = arith.constant 0 : i32
    %dma_start3A_72 = arith.constant 0 : i32
    %dma_start3A_73 = tpu.memref_slice %arg4[%dma_start3A_71, %dma_start3A_72] : memref<1000000x64xf32, #tpu.memory_space<hbm>> -> memref<1000000x64xf32, #tpu.memory_space<hbm>>
    tpu.enqueue_indirect_dma source(%dma_start3A_73 : memref<1000000x64xf32, #tpu.memory_space<hbm>>) target(%dma_start3A_67 : memref<80x64xf32, #tpu.memory_space<vmem>>) offsets(%dma_start3A_70 : memref<80xi32, #tpu.memory_space<vmem>>) semaphore(%arg12 : memref<!tpu.dma_semaphore, #tpu.memory_space<semaphore_mem>>)
    %dma_start3A_74 = arith.constant 1 : i32
    %dma_start3A_75 = arith.constant 1 : i32
    %dma_start3A_76 = arith.constant 1 : i32
    %dma_start3A_77 = arith.constant 1 : i32
    %dma_start3A_78 = arith.constant 0 : i32
    %dma_start3A_79 = arith.constant 0 : i32
    %dma_start3A_80 = tpu.memref_slice %arg8[%dma_start3A_76, %dma_start3A_77, %dma_start3A_78, %dma_start3A_79] : memref<2x4x80x64xf32, #tpu.memory_space<vmem>> -> memref<1x1x80x64xf32, #tpu.memory_space<vmem>>
    %dma_start3A_81 = tpu.memref_squeeze %dma_start3A_80 : memref<1x1x80x64xf32, #tpu.memory_space<vmem>> -> memref<80x64xf32, #tpu.memory_space<vmem>>
    %dma_start3A_82 = arith.constant 0 : i32
    %dma_start3A_83 = tpu.memref_slice %arg6[%dma_start3A_74, %dma_start3A_75, %dma_start3A_82] : memref<32x4x80xi32, #tpu.memory_space<vmem>> -> memref<1x1x80xi32, #tpu.memory_space<vmem>>
    %dma_start3A_84 = tpu.memref_squeeze %dma_start3A_83 : memref<1x1x80xi32, #tpu.memory_space<vmem>> -> memref<80xi32, #tpu.memory_space<vmem>>
    %dma_start3A_85 = arith.constant 0 : i32
    %dma_start3A_86 = arith.constant 0 : i32
    %dma_start3A_87 = tpu.memref_slice %arg4[%dma_start3A_85, %dma_start3A_86] : memref<1000000x64xf32, #tpu.memory_space<hbm>> -> memref<1000000x64xf32, #tpu.memory_space<hbm>>
    tpu.enqueue_indirect_dma source(%dma_start3A_87 : memref<1000000x64xf32, #tpu.memory_space<hbm>>) target(%dma_start3A_81 : memref<80x64xf32, #tpu.memory_space<vmem>>) offsets(%dma_start3A_84 : memref<80xi32, #tpu.memory_space<vmem>>) semaphore(%arg12 : memref<!tpu.dma_semaphore, #tpu.memory_space<semaphore_mem>>)
    %dma_start3A_88 = arith.constant 1 : i32
    %dma_start3A_89 = arith.constant 2 : i32
    %dma_start3A_90 = arith.constant 1 : i32
    %dma_start3A_91 = arith.constant 2 : i32
    %dma_start3A_92 = arith.constant 0 : i32
    %dma_start3A_93 = arith.constant 0 : i32
    %dma_start3A_94 = tpu.memref_slice %arg8[%dma_start3A_90, %dma_start3A_91, %dma_start3A_92, %dma_start3A_93] : memref<2x4x80x64xf32, #tpu.memory_space<vmem>> -> memref<1x1x80x64xf32, #tpu.memory_space<vmem>>
    %dma_start3A_95 = tpu.memref_squeeze %dma_start3A_94 : memref<1x1x80x64xf32, #tpu.memory_space<vmem>> -> memref<80x64xf32, #tpu.memory_space<vmem>>
    %dma_start3A_96 = arith.constant 0 : i32
    %dma_start3A_97 = tpu.memref_slice %arg6[%dma_start3A_88, %dma_start3A_89, %dma_start3A_96] : memref<32x4x80xi32, #tpu.memory_space<vmem>> -> memref<1x1x80xi32, #tpu.memory_space<vmem>>
    %dma_start3A_98 = tpu.memref_squeeze %dma_start3A_97 : memref<1x1x80xi32, #tpu.memory_space<vmem>> -> memref<80xi32, #tpu.memory_space<vmem>>
    %dma_start3A_99 = arith.constant 0 : i32
    %dma_start3A_100 = arith.constant 0 : i32
    %dma_start3A_101 = tpu.memref_slice %arg4[%dma_start3A_99, %dma_start3A_100] : memref<1000000x64xf32, #tpu.memory_space<hbm>> -> memref<1000000x64xf32, #tpu.memory_space<hbm>>
    tpu.enqueue_indirect_dma source(%dma_start3A_101 : memref<1000000x64xf32, #tpu.memory_space<hbm>>) target(%dma_start3A_95 : memref<80x64xf32, #tpu.memory_space<vmem>>) offsets(%dma_start3A_98 : memref<80xi32, #tpu.memory_space<vmem>>) semaphore(%arg12 : memref<!tpu.dma_semaphore, #tpu.memory_space<semaphore_mem>>)
    %dma_start3A_102 = arith.constant 1 : i32
    %dma_start3A_103 = arith.constant 3 : i32
    %dma_start3A_104 = arith.constant 1 : i32
    %dma_start3A_105 = arith.constant 3 : i32
    %dma_start3A_106 = arith.constant 0 : i32
    %dma_start3A_107 = arith.constant 0 : i32
    %dma_start3A_108 = tpu.memref_slice %arg8[%dma_start3A_104, %dma_start3A_105, %dma_start3A_106, %dma_start3A_107] : memref<2x4x80x64xf32, #tpu.memory_space<vmem>> -> memref<1x1x80x64xf32, #tpu.memory_space<vmem>>
    %dma_start3A_109 = tpu.memref_squeeze %dma_start3A_108 : memref<1x1x80x64xf32, #tpu.memory_space<vmem>> -> memref<80x64xf32, #tpu.memory_space<vmem>>
    %dma_start3A_110 = arith.constant 0 : i32
    %dma_start3A_111 = tpu.memref_slice %arg6[%dma_start3A_102, %dma_start3A_103, %dma_start3A_110] : memref<32x4x80xi32, #tpu.memory_space<vmem>> -> memref<1x1x80xi32, #tpu.memory_space<vmem>>
    %dma_start3A_112 = tpu.memref_squeeze %dma_start3A_111 : memref<1x1x80xi32, #tpu.memory_space<vmem>> -> memref<80xi32, #tpu.memory_space<vmem>>
    %dma_start3A_113 = arith.constant 0 : i32
    %dma_start3A_114 = arith.constant 0 : i32
    %dma_start3A_115 = tpu.memref_slice %arg4[%dma_start3A_113, %dma_start3A_114] : memref<1000000x64xf32, #tpu.memory_space<hbm>> -> memref<1000000x64xf32, #tpu.memory_space<hbm>>
    tpu.enqueue_indirect_dma source(%dma_start3A_115 : memref<1000000x64xf32, #tpu.memory_space<hbm>>) target(%dma_start3A_109 : memref<80x64xf32, #tpu.memory_space<vmem>>) offsets(%dma_start3A_112 : memref<80xi32, #tpu.memory_space<vmem>>) semaphore(%arg12 : memref<!tpu.dma_semaphore, #tpu.memory_space<semaphore_mem>>)
    %scan3A = arith.constant 0 : i32
    %scan3A_116 = arith.constant 0 : i32
    %scan3A_117 = arith.constant 16 : i32
    %scan3A_118 = arith.addi %scan3A_116, %scan3A_117 : i32
    %scan3A_119 = arith.constant 1 : i32
    scf.for %scan3A_123 = %scan3A_116 to %scan3A_118 step %scan3A_119  : i32 {
      %mul3A_124 = arith.constant 2 : i32
      %mul3A_125 = arith.muli %mul3A_124, %scan3A_123 : i32
      %add3A_126 = arith.constant 0 : i32
      %add3A_127 = arith.addi %mul3A_125, %add3A_126 : i32
      %dma_wait3A = arith.constant 0 : i32
      %dma_wait3A_128 = arith.constant 0 : i32
      %dma_wait3A_129 = arith.constant 0 : i32
      %dma_wait3A_130 = arith.constant 0 : i32
      %dma_wait3A_131 = tpu.memref_slice %arg8[%dma_wait3A, %dma_wait3A_128, %dma_wait3A_129, %dma_wait3A_130] : memref<2x4x80x64xf32, #tpu.memory_space<vmem>> -> memref<1x1x80x64xf32, #tpu.memory_space<vmem>>
      %dma_wait3A_132 = tpu.memref_squeeze %dma_wait3A_131 : memref<1x1x80x64xf32, #tpu.memory_space<vmem>> -> memref<80x64xf32, #tpu.memory_space<vmem>>
      %dma_wait3A_133 = arith.constant 0 : i32
      %dma_wait3A_134 = arith.constant 0 : i32
      %dma_wait3A_135 = tpu.memref_slice %arg4[%dma_wait3A_133, %dma_wait3A_134] : memref<1000000x64xf32, #tpu.memory_space<hbm>> -> memref<80x64xf32, #tpu.memory_space<hbm>>
      %dma_wait3A_136 = arith.constant 0 : i32
      %dma_wait3A_137 = arith.constant 0 : i32
      %dma_wait3A_138 = tpu.memref_slice %arg8[%dma_wait3A, %dma_wait3A_128, %dma_wait3A_136, %dma_wait3A_137] : memref<2x4x80x64xf32, #tpu.memory_space<vmem>> -> memref<1x1x80x64xf32, #tpu.memory_space<vmem>>
      %dma_wait3A_139 = tpu.memref_squeeze %dma_wait3A_138 : memref<1x1x80x64xf32, #tpu.memory_space<vmem>> -> memref<80x64xf32, #tpu.memory_space<vmem>>
      %dma_wait3A_140 = arith.constant 0 : i32
      %dma_wait3A_141 = arith.constant 0 : i32
      %dma_wait3A_142 = tpu.memref_slice %arg4[%dma_wait3A_140, %dma_wait3A_141] : memref<1000000x64xf32, #tpu.memory_space<hbm>> -> memref<80x64xf32, #tpu.memory_space<hbm>>
      tpu.wait_dma2 semaphore(%arg11 : memref<!tpu.dma_semaphore, #tpu.memory_space<semaphore_mem>>) src(%dma_wait3A_142 : memref<80x64xf32, #tpu.memory_space<hbm>>) dst(%dma_wait3A_139 : memref<80x64xf32, #tpu.memory_space<vmem>>)
      %dma_wait3A_143 = arith.constant 0 : i32
      %dma_wait3A_144 = arith.constant 1 : i32
      %dma_wait3A_145 = arith.constant 0 : i32
      %dma_wait3A_146 = arith.constant 0 : i32
      %dma_wait3A_147 = tpu.memref_slice %arg8[%dma_wait3A_143, %dma_wait3A_144, %dma_wait3A_145, %dma_wait3A_146] : memref<2x4x80x64xf32, #tpu.memory_space<vmem>> -> memref<1x1x80x64xf32, #tpu.memory_space<vmem>>
      %dma_wait3A_148 = tpu.memref_squeeze %dma_wait3A_147 : memref<1x1x80x64xf32, #tpu.memory_space<vmem>> -> memref<80x64xf32, #tpu.memory_space<vmem>>
      %dma_wait3A_149 = arith.constant 0 : i32
      %dma_wait3A_150 = arith.constant 0 : i32
      %dma_wait3A_151 = tpu.memref_slice %arg4[%dma_wait3A_149, %dma_wait3A_150] : memref<1000000x64xf32, #tpu.memory_space<hbm>> -> memref<80x64xf32, #tpu.memory_space<hbm>>
      %dma_wait3A_152 = arith.constant 0 : i32
      %dma_wait3A_153 = arith.constant 0 : i32
      %dma_wait3A_154 = tpu.memref_slice %arg8[%dma_wait3A_143, %dma_wait3A_144, %dma_wait3A_152, %dma_wait3A_153] : memref<2x4x80x64xf32, #tpu.memory_space<vmem>> -> memref<1x1x80x64xf32, #tpu.memory_space<vmem>>
      %dma_wait3A_155 = tpu.memref_squeeze %dma_wait3A_154 : memref<1x1x80x64xf32, #tpu.memory_space<vmem>> -> memref<80x64xf32, #tpu.memory_space<vmem>>
      %dma_wait3A_156 = arith.constant 0 : i32
      %dma_wait3A_157 = arith.constant 0 : i32
      %dma_wait3A_158 = tpu.memref_slice %arg4[%dma_wait3A_156, %dma_wait3A_157] : memref<1000000x64xf32, #tpu.memory_space<hbm>> -> memref<80x64xf32, #tpu.memory_space<hbm>>
      tpu.wait_dma2 semaphore(%arg11 : memref<!tpu.dma_semaphore, #tpu.memory_space<semaphore_mem>>) src(%dma_wait3A_158 : memref<80x64xf32, #tpu.memory_space<hbm>>) dst(%dma_wait3A_155 : memref<80x64xf32, #tpu.memory_space<vmem>>)
      %dma_wait3A_159 = arith.constant 0 : i32
      %dma_wait3A_160 = arith.constant 2 : i32
      %dma_wait3A_161 = arith.constant 0 : i32
      %dma_wait3A_162 = arith.constant 0 : i32
      %dma_wait3A_163 = tpu.memref_slice %arg8[%dma_wait3A_159, %dma_wait3A_160, %dma_wait3A_161, %dma_wait3A_162] : memref<2x4x80x64xf32, #tpu.memory_space<vmem>> -> memref<1x1x80x64xf32, #tpu.memory_space<vmem>>
      %dma_wait3A_164 = tpu.memref_squeeze %dma_wait3A_163 : memref<1x1x80x64xf32, #tpu.memory_space<vmem>> -> memref<80x64xf32, #tpu.memory_space<vmem>>
      %dma_wait3A_165 = arith.constant 0 : i32
      %dma_wait3A_166 = arith.constant 0 : i32
      %dma_wait3A_167 = tpu.memref_slice %arg4[%dma_wait3A_165, %dma_wait3A_166] : memref<1000000x64xf32, #tpu.memory_space<hbm>> -> memref<80x64xf32, #tpu.memory_space<hbm>>
      %dma_wait3A_168 = arith.constant 0 : i32
      %dma_wait3A_169 = arith.constant 0 : i32
      %dma_wait3A_170 = tpu.memref_slice %arg8[%dma_wait3A_159, %dma_wait3A_160, %dma_wait3A_168, %dma_wait3A_169] : memref<2x4x80x64xf32, #tpu.memory_space<vmem>> -> memref<1x1x80x64xf32, #tpu.memory_space<vmem>>
      %dma_wait3A_171 = tpu.memref_squeeze %dma_wait3A_170 : memref<1x1x80x64xf32, #tpu.memory_space<vmem>> -> memref<80x64xf32, #tpu.memory_space<vmem>>
      %dma_wait3A_172 = arith.constant 0 : i32
      %dma_wait3A_173 = arith.constant 0 : i32
      %dma_wait3A_174 = tpu.memref_slice %arg4[%dma_wait3A_172, %dma_wait3A_173] : memref<1000000x64xf32, #tpu.memory_space<hbm>> -> memref<80x64xf32, #tpu.memory_space<hbm>>
      tpu.wait_dma2 semaphore(%arg11 : memref<!tpu.dma_semaphore, #tpu.memory_space<semaphore_mem>>) src(%dma_wait3A_174 : memref<80x64xf32, #tpu.memory_space<hbm>>) dst(%dma_wait3A_171 : memref<80x64xf32, #tpu.memory_space<vmem>>)
      %dma_wait3A_175 = arith.constant 0 : i32
      %dma_wait3A_176 = arith.constant 3 : i32
      %dma_wait3A_177 = arith.constant 0 : i32
      %dma_wait3A_178 = arith.constant 0 : i32
      %dma_wait3A_179 = tpu.memref_slice %arg8[%dma_wait3A_175, %dma_wait3A_176, %dma_wait3A_177, %dma_wait3A_178] : memref<2x4x80x64xf32, #tpu.memory_space<vmem>> -> memref<1x1x80x64xf32, #tpu.memory_space<vmem>>
      %dma_wait3A_180 = tpu.memref_squeeze %dma_wait3A_179 : memref<1x1x80x64xf32, #tpu.memory_space<vmem>> -> memref<80x64xf32, #tpu.memory_space<vmem>>
      %dma_wait3A_181 = arith.constant 0 : i32
      %dma_wait3A_182 = arith.constant 0 : i32
      %dma_wait3A_183 = tpu.memref_slice %arg4[%dma_wait3A_181, %dma_wait3A_182] : memref<1000000x64xf32, #tpu.memory_space<hbm>> -> memref<80x64xf32, #tpu.memory_space<hbm>>
      %dma_wait3A_184 = arith.constant 0 : i32
      %dma_wait3A_185 = arith.constant 0 : i32
      %dma_wait3A_186 = tpu.memref_slice %arg8[%dma_wait3A_175, %dma_wait3A_176, %dma_wait3A_184, %dma_wait3A_185] : memref<2x4x80x64xf32, #tpu.memory_space<vmem>> -> memref<1x1x80x64xf32, #tpu.memory_space<vmem>>
      %dma_wait3A_187 = tpu.memref_squeeze %dma_wait3A_186 : memref<1x1x80x64xf32, #tpu.memory_space<vmem>> -> memref<80x64xf32, #tpu.memory_space<vmem>>
      %dma_wait3A_188 = arith.constant 0 : i32
      %dma_wait3A_189 = arith.constant 0 : i32
      %dma_wait3A_190 = tpu.memref_slice %arg4[%dma_wait3A_188, %dma_wait3A_189] : memref<1000000x64xf32, #tpu.memory_space<hbm>> -> memref<80x64xf32, #tpu.memory_space<hbm>>
      tpu.wait_dma2 semaphore(%arg11 : memref<!tpu.dma_semaphore, #tpu.memory_space<semaphore_mem>>) src(%dma_wait3A_190 : memref<80x64xf32, #tpu.memory_space<hbm>>) dst(%dma_wait3A_187 : memref<80x64xf32, #tpu.memory_space<vmem>>)
      %scan3A_191 = arith.constant 0 : i32
      %scan3A_192 = arith.constant 0 : i32
      %scan3A_193 = arith.constant 16 : i32
      %scan3A_194 = arith.addi %scan3A_192, %scan3A_193 : i32
      %scan3A_195 = arith.constant 1 : i32
      scf.for %scan3A_425 = %scan3A_192 to %scan3A_194 step %scan3A_195  : i32 {
        %jit3A = arith.constant 4 : i32
        %div3A = arith.divsi %scan3A_425, %jit3A : i32
        %sign3A = arith.constant 0 : i32
        %sign3A_426 = arith.cmpi sgt, %scan3A_425, %sign3A : i32
        %sign3A_427 = arith.extui %sign3A_426 : i1 to i32
        %sign3A_428 = arith.constant 0 : i32
        %sign3A_429 = arith.cmpi slt, %scan3A_425, %sign3A_428 : i32
        %sign3A_430 = arith.extui %sign3A_429 : i1 to i32
        %sign3A_431 = arith.subi %sign3A_427, %sign3A_430 : i32
        %sign3A_432 = arith.constant 0 : i32
        %sign3A_433 = arith.cmpi sgt, %jit3A, %sign3A_432 : i32
        %sign3A_434 = arith.extui %sign3A_433 : i1 to i32
        %sign3A_435 = arith.constant 0 : i32
        %sign3A_436 = arith.cmpi slt, %jit3A, %sign3A_435 : i32
        %sign3A_437 = arith.extui %sign3A_436 : i1 to i32
        %sign3A_438 = arith.subi %sign3A_434, %sign3A_437 : i32
        %ne3A = arith.cmpi ne, %sign3A_431, %sign3A_438 : i32
        %rem3A = arith.remsi %scan3A_425, %jit3A : i32
        %ne3A_439 = arith.constant 0 : i32
        %ne3A_440 = arith.cmpi ne, %rem3A, %ne3A_439 : i32
        %and3A = arith.andi %ne3A, %ne3A_440 : i1
        %sub3A = arith.constant 1 : i32
        %sub3A_441 = arith.subi %div3A, %sub3A : i32
        %select_n3A = arith.select %and3A, %sub3A_441, %div3A : i32
        %jit3A_442 = arith.constant 4 : i32
        %eq3A = arith.constant 0 : i32
        %eq3A_443 = arith.cmpi eq, %jit3A_442, %eq3A : i32
        %jit3A_444 = arith.constant 1 : i32
        %select_n3A_445 = arith.select %eq3A_443, %jit3A_444, %jit3A_442 : i32
        %rem3A_446 = arith.remsi %scan3A_425, %select_n3A_445 : i32
        %ne3A_447 = arith.constant 0 : i32
        %ne3A_448 = arith.cmpi ne, %rem3A_446, %ne3A_447 : i32
        %lt3A_449 = arith.constant 0 : i32
        %lt3A_450 = arith.cmpi slt, %rem3A_446, %lt3A_449 : i32
        %lt3A_451 = arith.constant 0 : i32
        %lt3A_452 = arith.cmpi slt, %select_n3A_445, %lt3A_451 : i32
        %ne3A_453 = arith.xori %lt3A_450, %lt3A_452 : i1
        %and3A_454 = arith.andi %ne3A_453, %ne3A_448 : i1
        %add3A_455 = arith.addi %rem3A_446, %select_n3A_445 : i32
        %select_n3A_456 = arith.select %and3A_454, %add3A_455, %rem3A_446 : i32
        %mul3A_457 = arith.constant 20 : i32
        %mul3A_458 = arith.muli %select_n3A_456, %mul3A_457 : i32
        %mul3A_459 = arith.constant 16 : i32
        %mul3A_460 = arith.muli %add3A_127, %mul3A_459 : i32
        %add3A_461 = arith.addi %mul3A_460, %scan3A_425 : i32
        %broadcast_in_dim3A_462 = arith.constant 0.000000e+00 : f32
        %broadcast_in_dim3A_463 = vector.broadcast %broadcast_in_dim3A_462 : f32 to vector<16xf32>
        %broadcast_in_dim3A_464 = arith.constant 0.000000e+00 : f32
        %broadcast_in_dim3A_465 = vector.broadcast %broadcast_in_dim3A_464 : f32 to vector<16xf32>
        %broadcast_in_dim3A_466 = arith.constant 0.000000e+00 : f32
        %broadcast_in_dim3A_467 = vector.broadcast %broadcast_in_dim3A_466 : f32 to vector<16xf32>
        %broadcast_in_dim3A_468 = arith.constant 0.000000e+00 : f32
        %broadcast_in_dim3A_469 = vector.broadcast %broadcast_in_dim3A_468 : f32 to vector<16xf32>
        %add3A_470 = arith.constant 0 : i32
        %add3A_471 = arith.addi %mul3A_458, %add3A_470 : i32
        %get3A = arith.constant 0 : i32
        %get3A_472 = arith.index_cast %get3A : i32 to index
        %get3A_473 = arith.index_cast %select_n3A : i32 to index
        %get3A_474 = arith.index_cast %add3A_471 : i32 to index
        %get3A_475 = arith.constant 0 : index
        %get3A_476 = tpu.vector_load %arg8[%get3A_472, %get3A_473, %get3A_474, %get3A_475] {strides = array<i32>} : memref<2x4x80x64xf32, #tpu.memory_space<vmem>>, vector<16xf32>,
        %add3A_477 = arith.addf %broadcast_in_dim3A_463, %get3A_476 : vector<16xf32>
        %add3A_478 = arith.constant 0 : i32
        %add3A_479 = arith.addi %mul3A_458, %add3A_478 : i32
        %get3A_480 = arith.constant 0 : i32
        %get3A_481 = arith.index_cast %get3A_480 : i32 to index
        %get3A_482 = arith.index_cast %select_n3A : i32 to index
        %get3A_483 = arith.index_cast %add3A_479 : i32 to index
        %get3A_484 = arith.constant 16 : index
        %get3A_485 = tpu.vector_load %arg8[%get3A_481, %get3A_482, %get3A_483, %get3A_484] {strides = array<i32>} : memref<2x4x80x64xf32, #tpu.memory_space<vmem>>, vector<16xf32>,
        %add3A_486 = arith.addf %broadcast_in_dim3A_465, %get3A_485 : vector<16xf32>
        %add3A_487 = arith.constant 0 : i32
        %add3A_488 = arith.addi %mul3A_458, %add3A_487 : i32
        %get3A_489 = arith.constant 0 : i32
        %get3A_490 = arith.index_cast %get3A_489 : i32 to index
        %get3A_491 = arith.index_cast %select_n3A : i32 to index
        %get3A_492 = arith.index_cast %add3A_488 : i32 to index
        %get3A_493 = arith.constant 32 : index
        %get3A_494 = tpu.vector_load %arg8[%get3A_490, %get3A_491, %get3A_492, %get3A_493] {strides = array<i32>} : memref<2x4x80x64xf32, #tpu.memory_space<vmem>>, vector<16xf32>,
        %add3A_495 = arith.addf %broadcast_in_dim3A_467, %get3A_494 : vector<16xf32>
        %add3A_496 = arith.constant 0 : i32
        %add3A_497 = arith.addi %mul3A_458, %add3A_496 : i32
        %get3A_498 = arith.constant 0 : i32
        %get3A_499 = arith.index_cast %get3A_498 : i32 to index
        %get3A_500 = arith.index_cast %select_n3A : i32 to index
        %get3A_501 = arith.index_cast %add3A_497 : i32 to index
        %get3A_502 = arith.constant 48 : index
        %get3A_503 = tpu.vector_load %arg8[%get3A_499, %get3A_500, %get3A_501, %get3A_502] {strides = array<i32>} : memref<2x4x80x64xf32, #tpu.memory_space<vmem>>, vector<16xf32>,
        %add3A_504 = arith.addf %broadcast_in_dim3A_469, %get3A_503 : vector<16xf32>
        %add3A_505 = arith.constant 1 : i32
        %add3A_506 = arith.addi %mul3A_458, %add3A_505 : i32
        %get3A_507 = arith.constant 0 : i32
        %get3A_508 = arith.index_cast %get3A_507 : i32 to index
        %get3A_509 = arith.index_cast %select_n3A : i32 to index
        %get3A_510 = arith.index_cast %add3A_506 : i32 to index
        %get3A_511 = arith.constant 0 : index
        %get3A_512 = tpu.vector_load %arg8[%get3A_508, %get3A_509, %get3A_510, %get3A_511] {strides = array<i32>} : memref<2x4x80x64xf32, #tpu.memory_space<vmem>>, vector<16xf32>,
        %add3A_513 = arith.addf %add3A_477, %get3A_512 : vector<16xf32>
        %add3A_514 = arith.constant 1 : i32
        %add3A_515 = arith.addi %mul3A_458, %add3A_514 : i32
        %get3A_516 = arith.constant 0 : i32
        %get3A_517 = arith.index_cast %get3A_516 : i32 to index
        %get3A_518 = arith.index_cast %select_n3A : i32 to index
        %get3A_519 = arith.index_cast %add3A_515 : i32 to index
        %get3A_520 = arith.constant 16 : index
        %get3A_521 = tpu.vector_load %arg8[%get3A_517, %get3A_518, %get3A_519, %get3A_520] {strides = array<i32>} : memref<2x4x80x64xf32, #tpu.memory_space<vmem>>, vector<16xf32>,
        %add3A_522 = arith.addf %add3A_486, %get3A_521 : vector<16xf32>
        %add3A_523 = arith.constant 1 : i32
        %add3A_524 = arith.addi %mul3A_458, %add3A_523 : i32
        %get3A_525 = arith.constant 0 : i32
        %get3A_526 = arith.index_cast %get3A_525 : i32 to index
        %get3A_527 = arith.index_cast %select_n3A : i32 to index
        %get3A_528 = arith.index_cast %add3A_524 : i32 to index
        %get3A_529 = arith.constant 32 : index
        %get3A_530 = tpu.vector_load %arg8[%get3A_526, %get3A_527, %get3A_528, %get3A_529] {strides = array<i32>} : memref<2x4x80x64xf32, #tpu.memory_space<vmem>>, vector<16xf32>,
        %add3A_531 = arith.addf %add3A_495, %get3A_530 : vector<16xf32>
        %add3A_532 = arith.constant 1 : i32
        %add3A_533 = arith.addi %mul3A_458, %add3A_532 : i32
        %get3A_534 = arith.constant 0 : i32
        %get3A_535 = arith.index_cast %get3A_534 : i32 to index
        %get3A_536 = arith.index_cast %select_n3A : i32 to index
        %get3A_537 = arith.index_cast %add3A_533 : i32 to index
        %get3A_538 = arith.constant 48 : index
        %get3A_539 = tpu.vector_load %arg8[%get3A_535, %get3A_536, %get3A_537, %get3A_538] {strides = array<i32>} : memref<2x4x80x64xf32, #tpu.memory_space<vmem>>, vector<16xf32>,
        %add3A_540 = arith.addf %add3A_504, %get3A_539 : vector<16xf32>
        %add3A_541 = arith.constant 2 : i32
        %add3A_542 = arith.addi %mul3A_458, %add3A_541 : i32
        %get3A_543 = arith.constant 0 : i32
        %get3A_544 = arith.index_cast %get3A_543 : i32 to index
        %get3A_545 = arith.index_cast %select_n3A : i32 to index
        %get3A_546 = arith.index_cast %add3A_542 : i32 to index
        %get3A_547 = arith.constant 0 : index
        %get3A_548 = tpu.vector_load %arg8[%get3A_544, %get3A_545, %get3A_546, %get3A_547] {strides = array<i32>} : memref<2x4x80x64xf32, #tpu.memory_space<vmem>>, vector<16xf32>,
        %add3A_549 = arith.addf %add3A_513, %get3A_548 : vector<16xf32>
        %add3A_550 = arith.constant 2 : i32
        %add3A_551 = arith.addi %mul3A_458, %add3A_550 : i32
        %get3A_552 = arith.constant 0 : i32
        %get3A_553 = arith.index_cast %get3A_552 : i32 to index
        %get3A_554 = arith.index_cast %select_n3A : i32 to index
        %get3A_555 = arith.index_cast %add3A_551 : i32 to index
        %get3A_556 = arith.constant 16 : index
        %get3A_557 = tpu.vector_load %arg8[%get3A_553, %get3A_554, %get3A_555, %get3A_556] {strides = array<i32>} : memref<2x4x80x64xf32, #tpu.memory_space<vmem>>, vector<16xf32>,
        %add3A_558 = arith.addf %add3A_522, %get3A_557 : vector<16xf32>
        %add3A_559 = arith.constant 2 : i32
        %add3A_560 = arith.addi %mul3A_458, %add3A_559 : i32
        %get3A_561 = arith.constant 0 : i32
        %get3A_562 = arith.index_cast %get3A_561 : i32 to index
        %get3A_563 = arith.index_cast %select_n3A : i32 to index
        %get3A_564 = arith.index_cast %add3A_560 : i32 to index
        %get3A_565 = arith.constant 32 : index
        %get3A_566 = tpu.vector_load %arg8[%get3A_562, %get3A_563, %get3A_564, %get3A_565] {strides = array<i32>} : memref<2x4x80x64xf32, #tpu.memory_space<vmem>>, vector<16xf32>,
        %add3A_567 = arith.addf %add3A_531, %get3A_566 : vector<16xf32>
        %add3A_568 = arith.constant 2 : i32
        %add3A_569 = arith.addi %mul3A_458, %add3A_568 : i32
        %get3A_570 = arith.constant 0 : i32
        %get3A_571 = arith.index_cast %get3A_570 : i32 to index
        %get3A_572 = arith.index_cast %select_n3A : i32 to index
        %get3A_573 = arith.index_cast %add3A_569 : i32 to index
        %get3A_574 = arith.constant 48 : index
        %get3A_575 = tpu.vector_load %arg8[%get3A_571, %get3A_572, %get3A_573, %get3A_574] {strides = array<i32>} : memref<2x4x80x64xf32, #tpu.memory_space<vmem>>, vector<16xf32>,
        %add3A_576 = arith.addf %add3A_540, %get3A_575 : vector<16xf32>
        %add3A_577 = arith.constant 3 : i32
        %add3A_578 = arith.addi %mul3A_458, %add3A_577 : i32
        %get3A_579 = arith.constant 0 : i32
        %get3A_580 = arith.index_cast %get3A_579 : i32 to index
        %get3A_581 = arith.index_cast %select_n3A : i32 to index
        %get3A_582 = arith.index_cast %add3A_578 : i32 to index
        %get3A_583 = arith.constant 0 : index
        %get3A_584 = tpu.vector_load %arg8[%get3A_580, %get3A_581, %get3A_582, %get3A_583] {strides = array<i32>} : memref<2x4x80x64xf32, #tpu.memory_space<vmem>>, vector<16xf32>,
        %add3A_585 = arith.addf %add3A_549, %get3A_584 : vector<16xf32>
        %add3A_586 = arith.constant 3 : i32
        %add3A_587 = arith.addi %mul3A_458, %add3A_586 : i32
        %get3A_588 = arith.constant 0 : i32
        %get3A_589 = arith.index_cast %get3A_588 : i32 to index
        %get3A_590 = arith.index_cast %select_n3A : i32 to index
        %get3A_591 = arith.index_cast %add3A_587 : i32 to index
        %get3A_592 = arith.constant 16 : index
        %get3A_593 = tpu.vector_load %arg8[%get3A_589, %get3A_590, %get3A_591, %get3A_592] {strides = array<i32>} : memref<2x4x80x64xf32, #tpu.memory_space<vmem>>, vector<16xf32>,
        %add3A_594 = arith.addf %add3A_558, %get3A_593 : vector<16xf32>
        %add3A_595 = arith.constant 3 : i32
        %add3A_596 = arith.addi %mul3A_458, %add3A_595 : i32
        %get3A_597 = arith.constant 0 : i32
        %get3A_598 = arith.index_cast %get3A_597 : i32 to index
        %get3A_599 = arith.index_cast %select_n3A : i32 to index
        %get3A_600 = arith.index_cast %add3A_596 : i32 to index
        %get3A_601 = arith.constant 32 : index
        %get3A_602 = tpu.vector_load %arg8[%get3A_598, %get3A_599, %get3A_600, %get3A_601] {strides = array<i32>} : memref<2x4x80x64xf32, #tpu.memory_space<vmem>>, vector<16xf32>,
        %add3A_603 = arith.addf %add3A_567, %get3A_602 : vector<16xf32>
        %add3A_604 = arith.constant 3 : i32
        %add3A_605 = arith.addi %mul3A_458, %add3A_604 : i32
        %get3A_606 = arith.constant 0 : i32
        %get3A_607 = arith.index_cast %get3A_606 : i32 to index
        %get3A_608 = arith.index_cast %select_n3A : i32 to index
        %get3A_609 = arith.index_cast %add3A_605 : i32 to index
        %get3A_610 = arith.constant 48 : index
        %get3A_611 = tpu.vector_load %arg8[%get3A_607, %get3A_608, %get3A_609, %get3A_610] {strides = array<i32>} : memref<2x4x80x64xf32, #tpu.memory_space<vmem>>, vector<16xf32>,
        %add3A_612 = arith.addf %add3A_576, %get3A_611 : vector<16xf32>
        %add3A_613 = arith.constant 4 : i32
        %add3A_614 = arith.addi %mul3A_458, %add3A_613 : i32
        %get3A_615 = arith.constant 0 : i32
        %get3A_616 = arith.index_cast %get3A_615 : i32 to index
        %get3A_617 = arith.index_cast %select_n3A : i32 to index
        %get3A_618 = arith.index_cast %add3A_614 : i32 to index
        %get3A_619 = arith.constant 0 : index
        %get3A_620 = tpu.vector_load %arg8[%get3A_616, %get3A_617, %get3A_618, %get3A_619] {strides = array<i32>} : memref<2x4x80x64xf32, #tpu.memory_space<vmem>>, vector<16xf32>,
        %add3A_621 = arith.addf %add3A_585, %get3A_620 : vector<16xf32>
        %add3A_622 = arith.constant 4 : i32
        %add3A_623 = arith.addi %mul3A_458, %add3A_622 : i32
        %get3A_624 = arith.constant 0 : i32
        %get3A_625 = arith.index_cast %get3A_624 : i32 to index
        %get3A_626 = arith.index_cast %select_n3A : i32 to index
        %get3A_627 = arith.index_cast %add3A_623 : i32 to index
        %get3A_628 = arith.constant 16 : index
        %get3A_629 = tpu.vector_load %arg8[%get3A_625, %get3A_626, %get3A_627, %get3A_628] {strides = array<i32>} : memref<2x4x80x64xf32, #tpu.memory_space<vmem>>, vector<16xf32>,
        %add3A_630 = arith.addf %add3A_594, %get3A_629 : vector<16xf32>
        %add3A_631 = arith.constant 4 : i32
        %add3A_632 = arith.addi %mul3A_458, %add3A_631 : i32
        %get3A_633 = arith.constant 0 : i32
        %get3A_634 = arith.index_cast %get3A_633 : i32 to index
        %get3A_635 = arith.index_cast %select_n3A : i32 to index
        %get3A_636 = arith.index_cast %add3A_632 : i32 to index
        %get3A_637 = arith.constant 32 : index
        %get3A_638 = tpu.vector_load %arg8[%get3A_634, %get3A_635, %get3A_636, %get3A_637] {strides = array<i32>} : memref<2x4x80x64xf32, #tpu.memory_space<vmem>>, vector<16xf32>,
        %add3A_639 = arith.addf %add3A_603, %get3A_638 : vector<16xf32>
        %add3A_640 = arith.constant 4 : i32
        %add3A_641 = arith.addi %mul3A_458, %add3A_640 : i32
        %get3A_642 = arith.constant 0 : i32
        %get3A_643 = arith.index_cast %get3A_642 : i32 to index
        %get3A_644 = arith.index_cast %select_n3A : i32 to index
        %get3A_645 = arith.index_cast %add3A_641 : i32 to index
        %get3A_646 = arith.constant 48 : index
        %get3A_647 = tpu.vector_load %arg8[%get3A_643, %get3A_644, %get3A_645, %get3A_646] {strides = array<i32>} : memref<2x4x80x64xf32, #tpu.memory_space<vmem>>, vector<16xf32>,
        %add3A_648 = arith.addf %add3A_612, %get3A_647 : vector<16xf32>
        %add3A_649 = arith.constant 5 : i32
        %add3A_650 = arith.addi %mul3A_458, %add3A_649 : i32
        %get3A_651 = arith.constant 0 : i32
        %get3A_652 = arith.index_cast %get3A_651 : i32 to index
        %get3A_653 = arith.index_cast %select_n3A : i32 to index
        %get3A_654 = arith.index_cast %add3A_650 : i32 to index
        %get3A_655 = arith.constant 0 : index
        %get3A_656 = tpu.vector_load %arg8[%get3A_652, %get3A_653, %get3A_654, %get3A_655] {strides = array<i32>} : memref<2x4x80x64xf32, #tpu.memory_space<vmem>>, vector<16xf32>,
        %add3A_657 = arith.addf %add3A_621, %get3A_656 : vector<16xf32>
        %add3A_658 = arith.constant 5 : i32
        %add3A_659 = arith.addi %mul3A_458, %add3A_658 : i32
        %get3A_660 = arith.constant 0 : i32
        %get3A_661 = arith.index_cast %get3A_660 : i32 to index
        %get3A_662 = arith.index_cast %select_n3A : i32 to index
        %get3A_663 = arith.index_cast %add3A_659 : i32 to index
        %get3A_664 = arith.constant 16 : index
        %get3A_665 = tpu.vector_load %arg8[%get3A_661, %get3A_662, %get3A_663, %get3A_664] {strides = array<i32>} : memref<2x4x80x64xf32, #tpu.memory_space<vmem>>, vector<16xf32>,
        %add3A_666 = arith.addf %add3A_630, %get3A_665 : vector<16xf32>
        %add3A_667 = arith.constant 5 : i32
        %add3A_668 = arith.addi %mul3A_458, %add3A_667 : i32
        %get3A_669 = arith.constant 0 : i32
        %get3A_670 = arith.index_cast %get3A_669 : i32 to index
        %get3A_671 = arith.index_cast %select_n3A : i32 to index
        %get3A_672 = arith.index_cast %add3A_668 : i32 to index
        %get3A_673 = arith.constant 32 : index
        %get3A_674 = tpu.vector_load %arg8[%get3A_670, %get3A_671, %get3A_672, %get3A_673] {strides = array<i32>} : memref<2x4x80x64xf32, #tpu.memory_space<vmem>>, vector<16xf32>,
        %add3A_675 = arith.addf %add3A_639, %get3A_674 : vector<16xf32>
        %add3A_676 = arith.constant 5 : i32
        %add3A_677 = arith.addi %mul3A_458, %add3A_676 : i32
        %get3A_678 = arith.constant 0 : i32
        %get3A_679 = arith.index_cast %get3A_678 : i32 to index
        %get3A_680 = arith.index_cast %select_n3A : i32 to index
        %get3A_681 = arith.index_cast %add3A_677 : i32 to index
        %get3A_682 = arith.constant 48 : index
        %get3A_683 = tpu.vector_load %arg8[%get3A_679, %get3A_680, %get3A_681, %get3A_682] {strides = array<i32>} : memref<2x4x80x64xf32, #tpu.memory_space<vmem>>, vector<16xf32>,
        %add3A_684 = arith.addf %add3A_648, %get3A_683 : vector<16xf32>
        %add3A_685 = arith.constant 6 : i32
        %add3A_686 = arith.addi %mul3A_458, %add3A_685 : i32
        %get3A_687 = arith.constant 0 : i32
        %get3A_688 = arith.index_cast %get3A_687 : i32 to index
        %get3A_689 = arith.index_cast %select_n3A : i32 to index
        %get3A_690 = arith.index_cast %add3A_686 : i32 to index
        %get3A_691 = arith.constant 0 : index
        %get3A_692 = tpu.vector_load %arg8[%get3A_688, %get3A_689, %get3A_690, %get3A_691] {strides = array<i32>} : memref<2x4x80x64xf32, #tpu.memory_space<vmem>>, vector<16xf32>,
        %add3A_693 = arith.addf %add3A_657, %get3A_692 : vector<16xf32>
        %add3A_694 = arith.constant 6 : i32
        %add3A_695 = arith.addi %mul3A_458, %add3A_694 : i32
        %get3A_696 = arith.constant 0 : i32
        %get3A_697 = arith.index_cast %get3A_696 : i32 to index
        %get3A_698 = arith.index_cast %select_n3A : i32 to index
        %get3A_699 = arith.index_cast %add3A_695 : i32 to index
        %get3A_700 = arith.constant 16 : index
        %get3A_701 = tpu.vector_load %arg8[%get3A_697, %get3A_698, %get3A_699, %get3A_700] {strides = array<i32>} : memref<2x4x80x64xf32, #tpu.memory_space<vmem>>, vector<16xf32>,
        %add3A_702 = arith.addf %add3A_666, %get3A_701 : vector<16xf32>
        %add3A_703 = arith.constant 6 : i32
        %add3A_704 = arith.addi %mul3A_458, %add3A_703 : i32
        %get3A_705 = arith.constant 0 : i32
        %get3A_706 = arith.index_cast %get3A_705 : i32 to index
        %get3A_707 = arith.index_cast %select_n3A : i32 to index
        %get3A_708 = arith.index_cast %add3A_704 : i32 to index
        %get3A_709 = arith.constant 32 : index
        %get3A_710 = tpu.vector_load %arg8[%get3A_706, %get3A_707, %get3A_708, %get3A_709] {strides = array<i32>} : memref<2x4x80x64xf32, #tpu.memory_space<vmem>>, vector<16xf32>,
        %add3A_711 = arith.addf %add3A_675, %get3A_710 : vector<16xf32>
        %add3A_712 = arith.constant 6 : i32
        %add3A_713 = arith.addi %mul3A_458, %add3A_712 : i32
        %get3A_714 = arith.constant 0 : i32
        %get3A_715 = arith.index_cast %get3A_714 : i32 to index
        %get3A_716 = arith.index_cast %select_n3A : i32 to index
        %get3A_717 = arith.index_cast %add3A_713 : i32 to index
        %get3A_718 = arith.constant 48 : index
        %get3A_719 = tpu.vector_load %arg8[%get3A_715, %get3A_716, %get3A_717, %get3A_718] {strides = array<i32>} : memref<2x4x80x64xf32, #tpu.memory_space<vmem>>, vector<16xf32>,
        %add3A_720 = arith.addf %add3A_684, %get3A_719 : vector<16xf32>
        %add3A_721 = arith.constant 7 : i32
        %add3A_722 = arith.addi %mul3A_458, %add3A_721 : i32
        %get3A_723 = arith.constant 0 : i32
        %get3A_724 = arith.index_cast %get3A_723 : i32 to index
        %get3A_725 = arith.index_cast %select_n3A : i32 to index
        %get3A_726 = arith.index_cast %add3A_722 : i32 to index
        %get3A_727 = arith.constant 0 : index
        %get3A_728 = tpu.vector_load %arg8[%get3A_724, %get3A_725, %get3A_726, %get3A_727] {strides = array<i32>} : memref<2x4x80x64xf32, #tpu.memory_space<vmem>>, vector<16xf32>,
        %add3A_729 = arith.addf %add3A_693, %get3A_728 : vector<16xf32>
        %add3A_730 = arith.constant 7 : i32
        %add3A_731 = arith.addi %mul3A_458, %add3A_730 : i32
        %get3A_732 = arith.constant 0 : i32
        %get3A_733 = arith.index_cast %get3A_732 : i32 to index
        %get3A_734 = arith.index_cast %select_n3A : i32 to index
        %get3A_735 = arith.index_cast %add3A_731 : i32 to index
        %get3A_736 = arith.constant 16 : index
        %get3A_737 = tpu.vector_load %arg8[%get3A_733, %get3A_734, %get3A_735, %get3A_736] {strides = array<i32>} : memref<2x4x80x64xf32, #tpu.memory_space<vmem>>, vector<16xf32>,
        %add3A_738 = arith.addf %add3A_702, %get3A_737 : vector<16xf32>
        %add3A_739 = arith.constant 7 : i32
        %add3A_740 = arith.addi %mul3A_458, %add3A_739 : i32
        %get3A_741 = arith.constant 0 : i32
        %get3A_742 = arith.index_cast %get3A_741 : i32 to index
        %get3A_743 = arith.index_cast %select_n3A : i32 to index
        %get3A_744 = arith.index_cast %add3A_740 : i32 to index
        %get3A_745 = arith.constant 32 : index
        %get3A_746 = tpu.vector_load %arg8[%get3A_742, %get3A_743, %get3A_744, %get3A_745] {strides = array<i32>} : memref<2x4x80x64xf32, #tpu.memory_space<vmem>>, vector<16xf32>,
        %add3A_747 = arith.addf %add3A_711, %get3A_746 : vector<16xf32>
        %add3A_748 = arith.constant 7 : i32
        %add3A_749 = arith.addi %mul3A_458, %add3A_748 : i32
        %get3A_750 = arith.constant 0 : i32
        %get3A_751 = arith.index_cast %get3A_750 : i32 to index
        %get3A_752 = arith.index_cast %select_n3A : i32 to index
        %get3A_753 = arith.index_cast %add3A_749 : i32 to index
        %get3A_754 = arith.constant 48 : index
        %get3A_755 = tpu.vector_load %arg8[%get3A_751, %get3A_752, %get3A_753, %get3A_754] {strides = array<i32>} : memref<2x4x80x64xf32, #tpu.memory_space<vmem>>, vector<16xf32>,
        %add3A_756 = arith.addf %add3A_720, %get3A_755 : vector<16xf32>
        %add3A_757 = arith.constant 8 : i32
        %add3A_758 = arith.addi %mul3A_458, %add3A_757 : i32
        %get3A_759 = arith.constant 0 : i32
        %get3A_760 = arith.index_cast %get3A_759 : i32 to index
        %get3A_761 = arith.index_cast %select_n3A : i32 to index
        %get3A_762 = arith.index_cast %add3A_758 : i32 to index
        %get3A_763 = arith.constant 0 : index
        %get3A_764 = tpu.vector_load %arg8[%get3A_760, %get3A_761, %get3A_762, %get3A_763] {strides = array<i32>} : memref<2x4x80x64xf32, #tpu.memory_space<vmem>>, vector<16xf32>,
        %add3A_765 = arith.addf %add3A_729, %get3A_764 : vector<16xf32>
        %add3A_766 = arith.constant 8 : i32
        %add3A_767 = arith.addi %mul3A_458, %add3A_766 : i32
        %get3A_768 = arith.constant 0 : i32
        %get3A_769 = arith.index_cast %get3A_768 : i32 to index
        %get3A_770 = arith.index_cast %select_n3A : i32 to index
        %get3A_771 = arith.index_cast %add3A_767 : i32 to index
        %get3A_772 = arith.constant 16 : index
        %get3A_773 = tpu.vector_load %arg8[%get3A_769, %get3A_770, %get3A_771, %get3A_772] {strides = array<i32>} : memref<2x4x80x64xf32, #tpu.memory_space<vmem>>, vector<16xf32>,
        %add3A_774 = arith.addf %add3A_738, %get3A_773 : vector<16xf32>
        %add3A_775 = arith.constant 8 : i32
        %add3A_776 = arith.addi %mul3A_458, %add3A_775 : i32
        %get3A_777 = arith.constant 0 : i32
        %get3A_778 = arith.index_cast %get3A_777 : i32 to index
        %get3A_779 = arith.index_cast %select_n3A : i32 to index
        %get3A_780 = arith.index_cast %add3A_776 : i32 to index
        %get3A_781 = arith.constant 32 : index
        %get3A_782 = tpu.vector_load %arg8[%get3A_778, %get3A_779, %get3A_780, %get3A_781] {strides = array<i32>} : memref<2x4x80x64xf32, #tpu.memory_space<vmem>>, vector<16xf32>,
        %add3A_783 = arith.addf %add3A_747, %get3A_782 : vector<16xf32>
        %add3A_784 = arith.constant 8 : i32
        %add3A_785 = arith.addi %mul3A_458, %add3A_784 : i32
        %get3A_786 = arith.constant 0 : i32
        %get3A_787 = arith.index_cast %get3A_786 : i32 to index
        %get3A_788 = arith.index_cast %select_n3A : i32 to index
        %get3A_789 = arith.index_cast %add3A_785 : i32 to index
        %get3A_790 = arith.constant 48 : index
        %get3A_791 = tpu.vector_load %arg8[%get3A_787, %get3A_788, %get3A_789, %get3A_790] {strides = array<i32>} : memref<2x4x80x64xf32, #tpu.memory_space<vmem>>, vector<16xf32>,
        %add3A_792 = arith.addf %add3A_756, %get3A_791 : vector<16xf32>
        %add3A_793 = arith.constant 9 : i32
        %add3A_794 = arith.addi %mul3A_458, %add3A_793 : i32
        %get3A_795 = arith.constant 0 : i32
        %get3A_796 = arith.index_cast %get3A_795 : i32 to index
        %get3A_797 = arith.index_cast %select_n3A : i32 to index
        %get3A_798 = arith.index_cast %add3A_794 : i32 to index
        %get3A_799 = arith.constant 0 : index
        %get3A_800 = tpu.vector_load %arg8[%get3A_796, %get3A_797, %get3A_798, %get3A_799] {strides = array<i32>} : memref<2x4x80x64xf32, #tpu.memory_space<vmem>>, vector<16xf32>,
        %add3A_801 = arith.addf %add3A_765, %get3A_800 : vector<16xf32>
        %add3A_802 = arith.constant 9 : i32
        %add3A_803 = arith.addi %mul3A_458, %add3A_802 : i32
        %get3A_804 = arith.constant 0 : i32
        %get3A_805 = arith.index_cast %get3A_804 : i32 to index
        %get3A_806 = arith.index_cast %select_n3A : i32 to index
        %get3A_807 = arith.index_cast %add3A_803 : i32 to index
        %get3A_808 = arith.constant 16 : index
        %get3A_809 = tpu.vector_load %arg8[%get3A_805, %get3A_806, %get3A_807, %get3A_808] {strides = array<i32>} : memref<2x4x80x64xf32, #tpu.memory_space<vmem>>, vector<16xf32>,
        %add3A_810 = arith.addf %add3A_774, %get3A_809 : vector<16xf32>
        %add3A_811 = arith.constant 9 : i32
        %add3A_812 = arith.addi %mul3A_458, %add3A_811 : i32
        %get3A_813 = arith.constant 0 : i32
        %get3A_814 = arith.index_cast %get3A_813 : i32 to index
        %get3A_815 = arith.index_cast %select_n3A : i32 to index
        %get3A_816 = arith.index_cast %add3A_812 : i32 to index
        %get3A_817 = arith.constant 32 : index
        %get3A_818 = tpu.vector_load %arg8[%get3A_814, %get3A_815, %get3A_816, %get3A_817] {strides = array<i32>} : memref<2x4x80x64xf32, #tpu.memory_space<vmem>>, vector<16xf32>,
        %add3A_819 = arith.addf %add3A_783, %get3A_818 : vector<16xf32>
        %add3A_820 = arith.constant 9 : i32
        %add3A_821 = arith.addi %mul3A_458, %add3A_820 : i32
        %get3A_822 = arith.constant 0 : i32
        %get3A_823 = arith.index_cast %get3A_822 : i32 to index
        %get3A_824 = arith.index_cast %select_n3A : i32 to index
        %get3A_825 = arith.index_cast %add3A_821 : i32 to index
        %get3A_826 = arith.constant 48 : index
        %get3A_827 = tpu.vector_load %arg8[%get3A_823, %get3A_824, %get3A_825, %get3A_826] {strides = array<i32>} : memref<2x4x80x64xf32, #tpu.memory_space<vmem>>, vector<16xf32>,
        %add3A_828 = arith.addf %add3A_792, %get3A_827 : vector<16xf32>
        %add3A_829 = arith.constant 10 : i32
        %add3A_830 = arith.addi %mul3A_458, %add3A_829 : i32
        %get3A_831 = arith.constant 0 : i32
        %get3A_832 = arith.index_cast %get3A_831 : i32 to index
        %get3A_833 = arith.index_cast %select_n3A : i32 to index
        %get3A_834 = arith.index_cast %add3A_830 : i32 to index
        %get3A_835 = arith.constant 0 : index
        %get3A_836 = tpu.vector_load %arg8[%get3A_832, %get3A_833, %get3A_834, %get3A_835] {strides = array<i32>} : memref<2x4x80x64xf32, #tpu.memory_space<vmem>>, vector<16xf32>,
        %add3A_837 = arith.addf %add3A_801, %get3A_836 : vector<16xf32>
        %add3A_838 = arith.constant 10 : i32
        %add3A_839 = arith.addi %mul3A_458, %add3A_838 : i32
        %get3A_840 = arith.constant 0 : i32
        %get3A_841 = arith.index_cast %get3A_840 : i32 to index
        %get3A_842 = arith.index_cast %select_n3A : i32 to index
        %get3A_843 = arith.index_cast %add3A_839 : i32 to index
        %get3A_844 = arith.constant 16 : index
        %get3A_845 = tpu.vector_load %arg8[%get3A_841, %get3A_842, %get3A_843, %get3A_844] {strides = array<i32>} : memref<2x4x80x64xf32, #tpu.memory_space<vmem>>, vector<16xf32>,
        %add3A_846 = arith.addf %add3A_810, %get3A_845 : vector<16xf32>
        %add3A_847 = arith.constant 10 : i32
        %add3A_848 = arith.addi %mul3A_458, %add3A_847 : i32
        %get3A_849 = arith.constant 0 : i32
        %get3A_850 = arith.index_cast %get3A_849 : i32 to index
        %get3A_851 = arith.index_cast %select_n3A : i32 to index
        %get3A_852 = arith.index_cast %add3A_848 : i32 to index
        %get3A_853 = arith.constant 32 : index
        %get3A_854 = tpu.vector_load %arg8[%get3A_850, %get3A_851, %get3A_852, %get3A_853] {strides = array<i32>} : memref<2x4x80x64xf32, #tpu.memory_space<vmem>>, vector<16xf32>,
        %add3A_855 = arith.addf %add3A_819, %get3A_854 : vector<16xf32>
        %add3A_856 = arith.constant 10 : i32
        %add3A_857 = arith.addi %mul3A_458, %add3A_856 : i32
        %get3A_858 = arith.constant 0 : i32
        %get3A_859 = arith.index_cast %get3A_858 : i32 to index
        %get3A_860 = arith.index_cast %select_n3A : i32 to index
        %get3A_861 = arith.index_cast %add3A_857 : i32 to index
        %get3A_862 = arith.constant 48 : index
        %get3A_863 = tpu.vector_load %arg8[%get3A_859, %get3A_860, %get3A_861, %get3A_862] {strides = array<i32>} : memref<2x4x80x64xf32, #tpu.memory_space<vmem>>, vector<16xf32>,
        %add3A_864 = arith.addf %add3A_828, %get3A_863 : vector<16xf32>
        %add3A_865 = arith.constant 11 : i32
        %add3A_866 = arith.addi %mul3A_458, %add3A_865 : i32
        %get3A_867 = arith.constant 0 : i32
        %get3A_868 = arith.index_cast %get3A_867 : i32 to index
        %get3A_869 = arith.index_cast %select_n3A : i32 to index
        %get3A_870 = arith.index_cast %add3A_866 : i32 to index
        %get3A_871 = arith.constant 0 : index
        %get3A_872 = tpu.vector_load %arg8[%get3A_868, %get3A_869, %get3A_870, %get3A_871] {strides = array<i32>} : memref<2x4x80x64xf32, #tpu.memory_space<vmem>>, vector<16xf32>,
        %add3A_873 = arith.addf %add3A_837, %get3A_872 : vector<16xf32>
        %add3A_874 = arith.constant 11 : i32
        %add3A_875 = arith.addi %mul3A_458, %add3A_874 : i32
        %get3A_876 = arith.constant 0 : i32
        %get3A_877 = arith.index_cast %get3A_876 : i32 to index
        %get3A_878 = arith.index_cast %select_n3A : i32 to index
        %get3A_879 = arith.index_cast %add3A_875 : i32 to index
        %get3A_880 = arith.constant 16 : index
        %get3A_881 = tpu.vector_load %arg8[%get3A_877, %get3A_878, %get3A_879, %get3A_880] {strides = array<i32>} : memref<2x4x80x64xf32, #tpu.memory_space<vmem>>, vector<16xf32>,
        %add3A_882 = arith.addf %add3A_846, %get3A_881 : vector<16xf32>
        %add3A_883 = arith.constant 11 : i32
        %add3A_884 = arith.addi %mul3A_458, %add3A_883 : i32
        %get3A_885 = arith.constant 0 : i32
        %get3A_886 = arith.index_cast %get3A_885 : i32 to index
        %get3A_887 = arith.index_cast %select_n3A : i32 to index
        %get3A_888 = arith.index_cast %add3A_884 : i32 to index
        %get3A_889 = arith.constant 32 : index
        %get3A_890 = tpu.vector_load %arg8[%get3A_886, %get3A_887, %get3A_888, %get3A_889] {strides = array<i32>} : memref<2x4x80x64xf32, #tpu.memory_space<vmem>>, vector<16xf32>,
        %add3A_891 = arith.addf %add3A_855, %get3A_890 : vector<16xf32>
        %add3A_892 = arith.constant 11 : i32
        %add3A_893 = arith.addi %mul3A_458, %add3A_892 : i32
        %get3A_894 = arith.constant 0 : i32
        %get3A_895 = arith.index_cast %get3A_894 : i32 to index
        %get3A_896 = arith.index_cast %select_n3A : i32 to index
        %get3A_897 = arith.index_cast %add3A_893 : i32 to index
        %get3A_898 = arith.constant 48 : index
        %get3A_899 = tpu.vector_load %arg8[%get3A_895, %get3A_896, %get3A_897, %get3A_898] {strides = array<i32>} : memref<2x4x80x64xf32, #tpu.memory_space<vmem>>, vector<16xf32>,
        %add3A_900 = arith.addf %add3A_864, %get3A_899 : vector<16xf32>
        %add3A_901 = arith.constant 12 : i32
        %add3A_902 = arith.addi %mul3A_458, %add3A_901 : i32
        %get3A_903 = arith.constant 0 : i32
        %get3A_904 = arith.index_cast %get3A_903 : i32 to index
        %get3A_905 = arith.index_cast %select_n3A : i32 to index
        %get3A_906 = arith.index_cast %add3A_902 : i32 to index
        %get3A_907 = arith.constant 0 : index
        %get3A_908 = tpu.vector_load %arg8[%get3A_904, %get3A_905, %get3A_906, %get3A_907] {strides = array<i32>} : memref<2x4x80x64xf32, #tpu.memory_space<vmem>>, vector<16xf32>,
        %add3A_909 = arith.addf %add3A_873, %get3A_908 : vector<16xf32>
        %add3A_910 = arith.constant 12 : i32
        %add3A_911 = arith.addi %mul3A_458, %add3A_910 : i32
        %get3A_912 = arith.constant 0 : i32
        %get3A_913 = arith.index_cast %get3A_912 : i32 to index
        %get3A_914 = arith.index_cast %select_n3A : i32 to index
        %get3A_915 = arith.index_cast %add3A_911 : i32 to index
        %get3A_916 = arith.constant 16 : index
        %get3A_917 = tpu.vector_load %arg8[%get3A_913, %get3A_914, %get3A_915, %get3A_916] {strides = array<i32>} : memref<2x4x80x64xf32, #tpu.memory_space<vmem>>, vector<16xf32>,
        %add3A_918 = arith.addf %add3A_882, %get3A_917 : vector<16xf32>
        %add3A_919 = arith.constant 12 : i32
        %add3A_920 = arith.addi %mul3A_458, %add3A_919 : i32
        %get3A_921 = arith.constant 0 : i32
        %get3A_922 = arith.index_cast %get3A_921 : i32 to index
        %get3A_923 = arith.index_cast %select_n3A : i32 to index
        %get3A_924 = arith.index_cast %add3A_920 : i32 to index
        %get3A_925 = arith.constant 32 : index
        %get3A_926 = tpu.vector_load %arg8[%get3A_922, %get3A_923, %get3A_924, %get3A_925] {strides = array<i32>} : memref<2x4x80x64xf32, #tpu.memory_space<vmem>>, vector<16xf32>,
        %add3A_927 = arith.addf %add3A_891, %get3A_926 : vector<16xf32>
        %add3A_928 = arith.constant 12 : i32
        %add3A_929 = arith.addi %mul3A_458, %add3A_928 : i32
        %get3A_930 = arith.constant 0 : i32
        %get3A_931 = arith.index_cast %get3A_930 : i32 to index
        %get3A_932 = arith.index_cast %select_n3A : i32 to index
        %get3A_933 = arith.index_cast %add3A_929 : i32 to index
        %get3A_934 = arith.constant 48 : index
        %get3A_935 = tpu.vector_load %arg8[%get3A_931, %get3A_932, %get3A_933, %get3A_934] {strides = array<i32>} : memref<2x4x80x64xf32, #tpu.memory_space<vmem>>, vector<16xf32>,
        %add3A_936 = arith.addf %add3A_900, %get3A_935 : vector<16xf32>
        %add3A_937 = arith.constant 13 : i32
        %add3A_938 = arith.addi %mul3A_458, %add3A_937 : i32
        %get3A_939 = arith.constant 0 : i32
        %get3A_940 = arith.index_cast %get3A_939 : i32 to index
        %get3A_941 = arith.index_cast %select_n3A : i32 to index
        %get3A_942 = arith.index_cast %add3A_938 : i32 to index
        %get3A_943 = arith.constant 0 : index
        %get3A_944 = tpu.vector_load %arg8[%get3A_940, %get3A_941, %get3A_942, %get3A_943] {strides = array<i32>} : memref<2x4x80x64xf32, #tpu.memory_space<vmem>>, vector<16xf32>,
        %add3A_945 = arith.addf %add3A_909, %get3A_944 : vector<16xf32>
        %add3A_946 = arith.constant 13 : i32
        %add3A_947 = arith.addi %mul3A_458, %add3A_946 : i32
        %get3A_948 = arith.constant 0 : i32
        %get3A_949 = arith.index_cast %get3A_948 : i32 to index
        %get3A_950 = arith.index_cast %select_n3A : i32 to index
        %get3A_951 = arith.index_cast %add3A_947 : i32 to index
        %get3A_952 = arith.constant 16 : index
        %get3A_953 = tpu.vector_load %arg8[%get3A_949, %get3A_950, %get3A_951, %get3A_952] {strides = array<i32>} : memref<2x4x80x64xf32, #tpu.memory_space<vmem>>, vector<16xf32>,
        %add3A_954 = arith.addf %add3A_918, %get3A_953 : vector<16xf32>
        %add3A_955 = arith.constant 13 : i32
        %add3A_956 = arith.addi %mul3A_458, %add3A_955 : i32
        %get3A_957 = arith.constant 0 : i32
        %get3A_958 = arith.index_cast %get3A_957 : i32 to index
        %get3A_959 = arith.index_cast %select_n3A : i32 to index
        %get3A_960 = arith.index_cast %add3A_956 : i32 to index
        %get3A_961 = arith.constant 32 : index
        %get3A_962 = tpu.vector_load %arg8[%get3A_958, %get3A_959, %get3A_960, %get3A_961] {strides = array<i32>} : memref<2x4x80x64xf32, #tpu.memory_space<vmem>>, vector<16xf32>,
        %add3A_963 = arith.addf %add3A_927, %get3A_962 : vector<16xf32>
        %add3A_964 = arith.constant 13 : i32
        %add3A_965 = arith.addi %mul3A_458, %add3A_964 : i32
        %get3A_966 = arith.constant 0 : i32
        %get3A_967 = arith.index_cast %get3A_966 : i32 to index
        %get3A_968 = arith.index_cast %select_n3A : i32 to index
        %get3A_969 = arith.index_cast %add3A_965 : i32 to index
        %get3A_970 = arith.constant 48 : index
        %get3A_971 = tpu.vector_load %arg8[%get3A_967, %get3A_968, %get3A_969, %get3A_970] {strides = array<i32>} : memref<2x4x80x64xf32, #tpu.memory_space<vmem>>, vector<16xf32>,
        %add3A_972 = arith.addf %add3A_936, %get3A_971 : vector<16xf32>
        %add3A_973 = arith.constant 14 : i32
        %add3A_974 = arith.addi %mul3A_458, %add3A_973 : i32
        %get3A_975 = arith.constant 0 : i32
        %get3A_976 = arith.index_cast %get3A_975 : i32 to index
        %get3A_977 = arith.index_cast %select_n3A : i32 to index
        %get3A_978 = arith.index_cast %add3A_974 : i32 to index
        %get3A_979 = arith.constant 0 : index
        %get3A_980 = tpu.vector_load %arg8[%get3A_976, %get3A_977, %get3A_978, %get3A_979] {strides = array<i32>} : memref<2x4x80x64xf32, #tpu.memory_space<vmem>>, vector<16xf32>,
        %add3A_981 = arith.addf %add3A_945, %get3A_980 : vector<16xf32>
        %add3A_982 = arith.constant 14 : i32
        %add3A_983 = arith.addi %mul3A_458, %add3A_982 : i32
        %get3A_984 = arith.constant 0 : i32
        %get3A_985 = arith.index_cast %get3A_984 : i32 to index
        %get3A_986 = arith.index_cast %select_n3A : i32 to index
        %get3A_987 = arith.index_cast %add3A_983 : i32 to index
        %get3A_988 = arith.constant 16 : index
        %get3A_989 = tpu.vector_load %arg8[%get3A_985, %get3A_986, %get3A_987, %get3A_988] {strides = array<i32>} : memref<2x4x80x64xf32, #tpu.memory_space<vmem>>, vector<16xf32>,
        %add3A_990 = arith.addf %add3A_954, %get3A_989 : vector<16xf32>
        %add3A_991 = arith.constant 14 : i32
        %add3A_992 = arith.addi %mul3A_458, %add3A_991 : i32
        %get3A_993 = arith.constant 0 : i32
        %get3A_994 = arith.index_cast %get3A_993 : i32 to index
        %get3A_995 = arith.index_cast %select_n3A : i32 to index
        %get3A_996 = arith.index_cast %add3A_992 : i32 to index
        %get3A_997 = arith.constant 32 : index
        %get3A_998 = tpu.vector_load %arg8[%get3A_994, %get3A_995, %get3A_996, %get3A_997] {strides = array<i32>} : memref<2x4x80x64xf32, #tpu.memory_space<vmem>>, vector<16xf32>,
        %add3A_999 = arith.addf %add3A_963, %get3A_998 : vector<16xf32>
        %add3A_1000 = arith.constant 14 : i32
        %add3A_1001 = arith.addi %mul3A_458, %add3A_1000 : i32
        %get3A_1002 = arith.constant 0 : i32
        %get3A_1003 = arith.index_cast %get3A_1002 : i32 to index
        %get3A_1004 = arith.index_cast %select_n3A : i32 to index
        %get3A_1005 = arith.index_cast %add3A_1001 : i32 to index
        %get3A_1006 = arith.constant 48 : index
        %get3A_1007 = tpu.vector_load %arg8[%get3A_1003, %get3A_1004, %get3A_1005, %get3A_1006] {strides = array<i32>} : memref<2x4x80x64xf32, #tpu.memory_space<vmem>>, vector<16xf32>,
        %add3A_1008 = arith.addf %add3A_972, %get3A_1007 : vector<16xf32>
        %add3A_1009 = arith.constant 15 : i32
        %add3A_1010 = arith.addi %mul3A_458, %add3A_1009 : i32
        %get3A_1011 = arith.constant 0 : i32
        %get3A_1012 = arith.index_cast %get3A_1011 : i32 to index
        %get3A_1013 = arith.index_cast %select_n3A : i32 to index
        %get3A_1014 = arith.index_cast %add3A_1010 : i32 to index
        %get3A_1015 = arith.constant 0 : index
        %get3A_1016 = tpu.vector_load %arg8[%get3A_1012, %get3A_1013, %get3A_1014, %get3A_1015] {strides = array<i32>} : memref<2x4x80x64xf32, #tpu.memory_space<vmem>>, vector<16xf32>,
        %add3A_1017 = arith.addf %add3A_981, %get3A_1016 : vector<16xf32>
        %add3A_1018 = arith.constant 15 : i32
        %add3A_1019 = arith.addi %mul3A_458, %add3A_1018 : i32
        %get3A_1020 = arith.constant 0 : i32
        %get3A_1021 = arith.index_cast %get3A_1020 : i32 to index
        %get3A_1022 = arith.index_cast %select_n3A : i32 to index
        %get3A_1023 = arith.index_cast %add3A_1019 : i32 to index
        %get3A_1024 = arith.constant 16 : index
        %get3A_1025 = tpu.vector_load %arg8[%get3A_1021, %get3A_1022, %get3A_1023, %get3A_1024] {strides = array<i32>} : memref<2x4x80x64xf32, #tpu.memory_space<vmem>>, vector<16xf32>,
        %add3A_1026 = arith.addf %add3A_990, %get3A_1025 : vector<16xf32>
        %add3A_1027 = arith.constant 15 : i32
        %add3A_1028 = arith.addi %mul3A_458, %add3A_1027 : i32
        %get3A_1029 = arith.constant 0 : i32
        %get3A_1030 = arith.index_cast %get3A_1029 : i32 to index
        %get3A_1031 = arith.index_cast %select_n3A : i32 to index
        %get3A_1032 = arith.index_cast %add3A_1028 : i32 to index
        %get3A_1033 = arith.constant 32 : index
        %get3A_1034 = tpu.vector_load %arg8[%get3A_1030, %get3A_1031, %get3A_1032, %get3A_1033] {strides = array<i32>} : memref<2x4x80x64xf32, #tpu.memory_space<vmem>>, vector<16xf32>,
        %add3A_1035 = arith.addf %add3A_999, %get3A_1034 : vector<16xf32>
        %add3A_1036 = arith.constant 15 : i32
        %add3A_1037 = arith.addi %mul3A_458, %add3A_1036 : i32
        %get3A_1038 = arith.constant 0 : i32
        %get3A_1039 = arith.index_cast %get3A_1038 : i32 to index
        %get3A_1040 = arith.index_cast %select_n3A : i32 to index
        %get3A_1041 = arith.index_cast %add3A_1037 : i32 to index
        %get3A_1042 = arith.constant 48 : index
        %get3A_1043 = tpu.vector_load %arg8[%get3A_1039, %get3A_1040, %get3A_1041, %get3A_1042] {strides = array<i32>} : memref<2x4x80x64xf32, #tpu.memory_space<vmem>>, vector<16xf32>,
        %add3A_1044 = arith.addf %add3A_1008, %get3A_1043 : vector<16xf32>
        %add3A_1045 = arith.constant 16 : i32
        %add3A_1046 = arith.addi %mul3A_458, %add3A_1045 : i32
        %get3A_1047 = arith.constant 0 : i32
        %get3A_1048 = arith.index_cast %get3A_1047 : i32 to index
        %get3A_1049 = arith.index_cast %select_n3A : i32 to index
        %get3A_1050 = arith.index_cast %add3A_1046 : i32 to index
        %get3A_1051 = arith.constant 0 : index
        %get3A_1052 = tpu.vector_load %arg8[%get3A_1048, %get3A_1049, %get3A_1050, %get3A_1051] {strides = array<i32>} : memref<2x4x80x64xf32, #tpu.memory_space<vmem>>, vector<16xf32>,
        %add3A_1053 = arith.addf %add3A_1017, %get3A_1052 : vector<16xf32>
        %add3A_1054 = arith.constant 16 : i32
        %add3A_1055 = arith.addi %mul3A_458, %add3A_1054 : i32
        %get3A_1056 = arith.constant 0 : i32
        %get3A_1057 = arith.index_cast %get3A_1056 : i32 to index
        %get3A_1058 = arith.index_cast %select_n3A : i32 to index
        %get3A_1059 = arith.index_cast %add3A_1055 : i32 to index
        %get3A_1060 = arith.constant 16 : index
        %get3A_1061 = tpu.vector_load %arg8[%get3A_1057, %get3A_1058, %get3A_1059, %get3A_1060] {strides = array<i32>} : memref<2x4x80x64xf32, #tpu.memory_space<vmem>>, vector<16xf32>,
        %add3A_1062 = arith.addf %add3A_1026, %get3A_1061 : vector<16xf32>
        %add3A_1063 = arith.constant 16 : i32
        %add3A_1064 = arith.addi %mul3A_458, %add3A_1063 : i32
        %get3A_1065 = arith.constant 0 : i32
        %get3A_1066 = arith.index_cast %get3A_1065 : i32 to index
        %get3A_1067 = arith.index_cast %select_n3A : i32 to index
        %get3A_1068 = arith.index_cast %add3A_1064 : i32 to index
        %get3A_1069 = arith.constant 32 : index
        %get3A_1070 = tpu.vector_load %arg8[%get3A_1066, %get3A_1067, %get3A_1068, %get3A_1069] {strides = array<i32>} : memref<2x4x80x64xf32, #tpu.memory_space<vmem>>, vector<16xf32>,
        %add3A_1071 = arith.addf %add3A_1035, %get3A_1070 : vector<16xf32>
        %add3A_1072 = arith.constant 16 : i32
        %add3A_1073 = arith.addi %mul3A_458, %add3A_1072 : i32
        %get3A_1074 = arith.constant 0 : i32
        %get3A_1075 = arith.index_cast %get3A_1074 : i32 to index
        %get3A_1076 = arith.index_cast %select_n3A : i32 to index
        %get3A_1077 = arith.index_cast %add3A_1073 : i32 to index
        %get3A_1078 = arith.constant 48 : index
        %get3A_1079 = tpu.vector_load %arg8[%get3A_1075, %get3A_1076, %get3A_1077, %get3A_1078] {strides = array<i32>} : memref<2x4x80x64xf32, #tpu.memory_space<vmem>>, vector<16xf32>,
        %add3A_1080 = arith.addf %add3A_1044, %get3A_1079 : vector<16xf32>
        %add3A_1081 = arith.constant 17 : i32
        %add3A_1082 = arith.addi %mul3A_458, %add3A_1081 : i32
        %get3A_1083 = arith.constant 0 : i32
        %get3A_1084 = arith.index_cast %get3A_1083 : i32 to index
        %get3A_1085 = arith.index_cast %select_n3A : i32 to index
        %get3A_1086 = arith.index_cast %add3A_1082 : i32 to index
        %get3A_1087 = arith.constant 0 : index
        %get3A_1088 = tpu.vector_load %arg8[%get3A_1084, %get3A_1085, %get3A_1086, %get3A_1087] {strides = array<i32>} : memref<2x4x80x64xf32, #tpu.memory_space<vmem>>, vector<16xf32>,
        %add3A_1089 = arith.addf %add3A_1053, %get3A_1088 : vector<16xf32>
        %add3A_1090 = arith.constant 17 : i32
        %add3A_1091 = arith.addi %mul3A_458, %add3A_1090 : i32
        %get3A_1092 = arith.constant 0 : i32
        %get3A_1093 = arith.index_cast %get3A_1092 : i32 to index
        %get3A_1094 = arith.index_cast %select_n3A : i32 to index
        %get3A_1095 = arith.index_cast %add3A_1091 : i32 to index
        %get3A_1096 = arith.constant 16 : index
        %get3A_1097 = tpu.vector_load %arg8[%get3A_1093, %get3A_1094, %get3A_1095, %get3A_1096] {strides = array<i32>} : memref<2x4x80x64xf32, #tpu.memory_space<vmem>>, vector<16xf32>,
        %add3A_1098 = arith.addf %add3A_1062, %get3A_1097 : vector<16xf32>
        %add3A_1099 = arith.constant 17 : i32
        %add3A_1100 = arith.addi %mul3A_458, %add3A_1099 : i32
        %get3A_1101 = arith.constant 0 : i32
        %get3A_1102 = arith.index_cast %get3A_1101 : i32 to index
        %get3A_1103 = arith.index_cast %select_n3A : i32 to index
        %get3A_1104 = arith.index_cast %add3A_1100 : i32 to index
        %get3A_1105 = arith.constant 32 : index
        %get3A_1106 = tpu.vector_load %arg8[%get3A_1102, %get3A_1103, %get3A_1104, %get3A_1105] {strides = array<i32>} : memref<2x4x80x64xf32, #tpu.memory_space<vmem>>, vector<16xf32>,
        %add3A_1107 = arith.addf %add3A_1071, %get3A_1106 : vector<16xf32>
        %add3A_1108 = arith.constant 17 : i32
        %add3A_1109 = arith.addi %mul3A_458, %add3A_1108 : i32
        %get3A_1110 = arith.constant 0 : i32
        %get3A_1111 = arith.index_cast %get3A_1110 : i32 to index
        %get3A_1112 = arith.index_cast %select_n3A : i32 to index
        %get3A_1113 = arith.index_cast %add3A_1109 : i32 to index
        %get3A_1114 = arith.constant 48 : index
        %get3A_1115 = tpu.vector_load %arg8[%get3A_1111, %get3A_1112, %get3A_1113, %get3A_1114] {strides = array<i32>} : memref<2x4x80x64xf32, #tpu.memory_space<vmem>>, vector<16xf32>,
        %add3A_1116 = arith.addf %add3A_1080, %get3A_1115 : vector<16xf32>
        %add3A_1117 = arith.constant 18 : i32
        %add3A_1118 = arith.addi %mul3A_458, %add3A_1117 : i32
        %get3A_1119 = arith.constant 0 : i32
        %get3A_1120 = arith.index_cast %get3A_1119 : i32 to index
        %get3A_1121 = arith.index_cast %select_n3A : i32 to index
        %get3A_1122 = arith.index_cast %add3A_1118 : i32 to index
        %get3A_1123 = arith.constant 0 : index
        %get3A_1124 = tpu.vector_load %arg8[%get3A_1120, %get3A_1121, %get3A_1122, %get3A_1123] {strides = array<i32>} : memref<2x4x80x64xf32, #tpu.memory_space<vmem>>, vector<16xf32>,
        %add3A_1125 = arith.addf %add3A_1089, %get3A_1124 : vector<16xf32>
        %add3A_1126 = arith.constant 18 : i32
        %add3A_1127 = arith.addi %mul3A_458, %add3A_1126 : i32
        %get3A_1128 = arith.constant 0 : i32
        %get3A_1129 = arith.index_cast %get3A_1128 : i32 to index
        %get3A_1130 = arith.index_cast %select_n3A : i32 to index
        %get3A_1131 = arith.index_cast %add3A_1127 : i32 to index
        %get3A_1132 = arith.constant 16 : index
        %get3A_1133 = tpu.vector_load %arg8[%get3A_1129, %get3A_1130, %get3A_1131, %get3A_1132] {strides = array<i32>} : memref<2x4x80x64xf32, #tpu.memory_space<vmem>>, vector<16xf32>,
        %add3A_1134 = arith.addf %add3A_1098, %get3A_1133 : vector<16xf32>
        %add3A_1135 = arith.constant 18 : i32
        %add3A_1136 = arith.addi %mul3A_458, %add3A_1135 : i32
        %get3A_1137 = arith.constant 0 : i32
        %get3A_1138 = arith.index_cast %get3A_1137 : i32 to index
        %get3A_1139 = arith.index_cast %select_n3A : i32 to index
        %get3A_1140 = arith.index_cast %add3A_1136 : i32 to index
        %get3A_1141 = arith.constant 32 : index
        %get3A_1142 = tpu.vector_load %arg8[%get3A_1138, %get3A_1139, %get3A_1140, %get3A_1141] {strides = array<i32>} : memref<2x4x80x64xf32, #tpu.memory_space<vmem>>, vector<16xf32>,
        %add3A_1143 = arith.addf %add3A_1107, %get3A_1142 : vector<16xf32>
        %add3A_1144 = arith.constant 18 : i32
        %add3A_1145 = arith.addi %mul3A_458, %add3A_1144 : i32
        %get3A_1146 = arith.constant 0 : i32
        %get3A_1147 = arith.index_cast %get3A_1146 : i32 to index
        %get3A_1148 = arith.index_cast %select_n3A : i32 to index
        %get3A_1149 = arith.index_cast %add3A_1145 : i32 to index
        %get3A_1150 = arith.constant 48 : index
        %get3A_1151 = tpu.vector_load %arg8[%get3A_1147, %get3A_1148, %get3A_1149, %get3A_1150] {strides = array<i32>} : memref<2x4x80x64xf32, #tpu.memory_space<vmem>>, vector<16xf32>,
        %add3A_1152 = arith.addf %add3A_1116, %get3A_1151 : vector<16xf32>
        %add3A_1153 = arith.constant 19 : i32
        %add3A_1154 = arith.addi %mul3A_458, %add3A_1153 : i32
        %get3A_1155 = arith.constant 0 : i32
        %get3A_1156 = arith.index_cast %get3A_1155 : i32 to index
        %get3A_1157 = arith.index_cast %select_n3A : i32 to index
        %get3A_1158 = arith.index_cast %add3A_1154 : i32 to index
        %get3A_1159 = arith.constant 0 : index
        %get3A_1160 = tpu.vector_load %arg8[%get3A_1156, %get3A_1157, %get3A_1158, %get3A_1159] {strides = array<i32>} : memref<2x4x80x64xf32, #tpu.memory_space<vmem>>, vector<16xf32>,
        %add3A_1161 = arith.addf %add3A_1125, %get3A_1160 : vector<16xf32>
        %add3A_1162 = arith.constant 19 : i32
        %add3A_1163 = arith.addi %mul3A_458, %add3A_1162 : i32
        %get3A_1164 = arith.constant 0 : i32
        %get3A_1165 = arith.index_cast %get3A_1164 : i32 to index
        %get3A_1166 = arith.index_cast %select_n3A : i32 to index
        %get3A_1167 = arith.index_cast %add3A_1163 : i32 to index
        %get3A_1168 = arith.constant 16 : index
        %get3A_1169 = tpu.vector_load %arg8[%get3A_1165, %get3A_1166, %get3A_1167, %get3A_1168] {strides = array<i32>} : memref<2x4x80x64xf32, #tpu.memory_space<vmem>>, vector<16xf32>,
        %add3A_1170 = arith.addf %add3A_1134, %get3A_1169 : vector<16xf32>
        %add3A_1171 = arith.constant 19 : i32
        %add3A_1172 = arith.addi %mul3A_458, %add3A_1171 : i32
        %get3A_1173 = arith.constant 0 : i32
        %get3A_1174 = arith.index_cast %get3A_1173 : i32 to index
        %get3A_1175 = arith.index_cast %select_n3A : i32 to index
        %get3A_1176 = arith.index_cast %add3A_1172 : i32 to index
        %get3A_1177 = arith.constant 32 : index
        %get3A_1178 = tpu.vector_load %arg8[%get3A_1174, %get3A_1175, %get3A_1176, %get3A_1177] {strides = array<i32>} : memref<2x4x80x64xf32, #tpu.memory_space<vmem>>, vector<16xf32>,
        %add3A_1179 = arith.addf %add3A_1143, %get3A_1178 : vector<16xf32>
        %add3A_1180 = arith.constant 19 : i32
        %add3A_1181 = arith.addi %mul3A_458, %add3A_1180 : i32
        %get3A_1182 = arith.constant 0 : i32
        %get3A_1183 = arith.index_cast %get3A_1182 : i32 to index
        %get3A_1184 = arith.index_cast %select_n3A : i32 to index
        %get3A_1185 = arith.index_cast %add3A_1181 : i32 to index
        %get3A_1186 = arith.constant 48 : index
        %get3A_1187 = tpu.vector_load %arg8[%get3A_1183, %get3A_1184, %get3A_1185, %get3A_1186] {strides = array<i32>} : memref<2x4x80x64xf32, #tpu.memory_space<vmem>>, vector<16xf32>,
        %add3A_1188 = arith.addf %add3A_1152, %get3A_1187 : vector<16xf32>
        %broadcast_in_dim3A_1189 = arith.constant 0.000000e+00 : f32
        %broadcast_in_dim3A_1190 = vector.broadcast %broadcast_in_dim3A_1189 : f32 to vector<16xf32>
        %mul3A_1191 = arith.constant 64 : i32
        %mul3A_1192 = arith.muli %add3A_461, %mul3A_1191 : i32
        %add3A_1193 = arith.constant 0 : i32
        %add3A_1194 = arith.addi %mul3A_1192, %add3A_1193 : i32
        %get3A_1195 = arith.index_cast %add3A_1194 : i32 to index
        %get3A_1196 = tpu.vector_load %arg7[%get3A_1195] {strides = array<i32>} : memref<32768xf32, #tpu.memory_space<vmem>>, vector<16xf32>,
        %mul3A_1197 = arith.mulf %add3A_1161, %get3A_1196 : vector<16xf32>
        %add3A_1198 = arith.addf %broadcast_in_dim3A_1190, %mul3A_1197 : vector<16xf32>
        %mul3A_1199 = arith.constant 64 : i32
        %mul3A_1200 = arith.muli %add3A_461, %mul3A_1199 : i32
        %add3A_1201 = arith.constant 16 : i32
        %add3A_1202 = arith.addi %mul3A_1200, %add3A_1201 : i32
        %get3A_1203 = arith.index_cast %add3A_1202 : i32 to index
        %get3A_1204 = tpu.vector_load %arg7[%get3A_1203] {strides = array<i32>} : memref<32768xf32, #tpu.memory_space<vmem>>, vector<16xf32>,
        %mul3A_1205 = arith.mulf %add3A_1170, %get3A_1204 : vector<16xf32>
        %add3A_1206 = arith.addf %add3A_1198, %mul3A_1205 : vector<16xf32>
        %mul3A_1207 = arith.constant 64 : i32
        %mul3A_1208 = arith.muli %add3A_461, %mul3A_1207 : i32
        %add3A_1209 = arith.constant 32 : i32
        %add3A_1210 = arith.addi %mul3A_1208, %add3A_1209 : i32
        %get3A_1211 = arith.index_cast %add3A_1210 : i32 to index
        %get3A_1212 = tpu.vector_load %arg7[%get3A_1211] {strides = array<i32>} : memref<32768xf32, #tpu.memory_space<vmem>>, vector<16xf32>,
        %mul3A_1213 = arith.mulf %add3A_1179, %get3A_1212 : vector<16xf32>
        %add3A_1214 = arith.addf %add3A_1206, %mul3A_1213 : vector<16xf32>
        %mul3A_1215 = arith.constant 64 : i32
        %mul3A_1216 = arith.muli %add3A_461, %mul3A_1215 : i32
        %add3A_1217 = arith.constant 48 : i32
        %add3A_1218 = arith.addi %mul3A_1216, %add3A_1217 : i32
        %get3A_1219 = arith.index_cast %add3A_1218 : i32 to index
        %get3A_1220 = tpu.vector_load %arg7[%get3A_1219] {strides = array<i32>} : memref<32768xf32, #tpu.memory_space<vmem>>, vector<16xf32>,
        %mul3A_1221 = arith.mulf %add3A_1188, %get3A_1220 : vector<16xf32>
        %add3A_1222 = arith.addf %add3A_1214, %mul3A_1221 : vector<16xf32>
        %swap3A_1223 = arith.index_cast %scan3A_425 : i32 to index
        %swap3A_1224 = arith.constant 0 : index
        %swap3A_1225 = tpu.vector_load %arg9[%swap3A_1223, %swap3A_1224] {strides = array<i32>} : memref<16x16xf32, #tpu.memory_space<vmem>>, vector<16xf32>,
        tpu.vector_store %arg9[%swap3A_1223, %swap3A_1224], %add3A_1222 {strides = array<i32>} : memref<16x16xf32, #tpu.memory_space<vmem>>, vector<16xf32>,
      }
      %scan3A_196 = arith.constant 16 : i32
      %broadcast_in_dim3A = arith.constant 0.000000e+00 : f32
      %broadcast_in_dim3A_197 = vector.broadcast %broadcast_in_dim3A : f32 to vector<16xf32>
      %broadcast_in_dim3A_198 = arith.constant 0 : i32
      %broadcast_in_dim3A_199 = vector.broadcast %broadcast_in_dim3A_198 : i32 to vector<16xi32>
      %gather3A = tpu.vector_load_idx %arg9[%iota3A, %broadcast_in_dim3A_199] : memref<16x16xf32, #tpu.memory_space<vmem>>[vector<16xi32>, vector<16xi32>], vector<16xf32>,
      %add3A_200 = arith.addf %broadcast_in_dim3A_197, %gather3A : vector<16xf32>
      %broadcast_in_dim3A_201 = arith.constant 1 : i32
      %broadcast_in_dim3A_202 = vector.broadcast %broadcast_in_dim3A_201 : i32 to vector<16xi32>
      %gather3A_203 = tpu.vector_load_idx %arg9[%iota3A, %broadcast_in_dim3A_202] : memref<16x16xf32, #tpu.memory_space<vmem>>[vector<16xi32>, vector<16xi32>], vector<16xf32>,
      %add3A_204 = arith.addf %add3A_200, %gather3A_203 : vector<16xf32>
      %broadcast_in_dim3A_205 = arith.constant 2 : i32
      %broadcast_in_dim3A_206 = vector.broadcast %broadcast_in_dim3A_205 : i32 to vector<16xi32>
      %gather3A_207 = tpu.vector_load_idx %arg9[%iota3A, %broadcast_in_dim3A_206] : memref<16x16xf32, #tpu.memory_space<vmem>>[vector<16xi32>, vector<16xi32>], vector<16xf32>,
      %add3A_208 = arith.addf %add3A_204, %gather3A_207 : vector<16xf32>
      %broadcast_in_dim3A_209 = arith.constant 3 : i32
      %broadcast_in_dim3A_210 = vector.broadcast %broadcast_in_dim3A_209 : i32 to vector<16xi32>
      %gather3A_211 = tpu.vector_load_idx %arg9[%iota3A, %broadcast_in_dim3A_210] : memref<16x16xf32, #tpu.memory_space<vmem>>[vector<16xi32>, vector<16xi32>], vector<16xf32>,
      %add3A_212 = arith.addf %add3A_208, %gather3A_211 : vector<16xf32>
      %broadcast_in_dim3A_213 = arith.constant 4 : i32
      %broadcast_in_dim3A_214 = vector.broadcast %broadcast_in_dim3A_213 : i32 to vector<16xi32>
      %gather3A_215 = tpu.vector_load_idx %arg9[%iota3A, %broadcast_in_dim3A_214] : memref<16x16xf32, #tpu.memory_space<vmem>>[vector<16xi32>, vector<16xi32>], vector<16xf32>,
      %add3A_216 = arith.addf %add3A_212, %gather3A_215 : vector<16xf32>
      %broadcast_in_dim3A_217 = arith.constant 5 : i32
      %broadcast_in_dim3A_218 = vector.broadcast %broadcast_in_dim3A_217 : i32 to vector<16xi32>
      %gather3A_219 = tpu.vector_load_idx %arg9[%iota3A, %broadcast_in_dim3A_218] : memref<16x16xf32, #tpu.memory_space<vmem>>[vector<16xi32>, vector<16xi32>], vector<16xf32>,
      %add3A_220 = arith.addf %add3A_216, %gather3A_219 : vector<16xf32>
      %broadcast_in_dim3A_221 = arith.constant 6 : i32
      %broadcast_in_dim3A_222 = vector.broadcast %broadcast_in_dim3A_221 : i32 to vector<16xi32>
      %gather3A_223 = tpu.vector_load_idx %arg9[%iota3A, %broadcast_in_dim3A_222] : memref<16x16xf32, #tpu.memory_space<vmem>>[vector<16xi32>, vector<16xi32>], vector<16xf32>,
      %add3A_224 = arith.addf %add3A_220, %gather3A_223 : vector<16xf32>
      %broadcast_in_dim3A_225 = arith.constant 7 : i32
      %broadcast_in_dim3A_226 = vector.broadcast %broadcast_in_dim3A_225 : i32 to vector<16xi32>
      %gather3A_227 = tpu.vector_load_idx %arg9[%iota3A, %broadcast_in_dim3A_226] : memref<16x16xf32, #tpu.memory_space<vmem>>[vector<16xi32>, vector<16xi32>], vector<16xf32>,
      %add3A_228 = arith.addf %add3A_224, %gather3A_227 : vector<16xf32>
      %broadcast_in_dim3A_229 = arith.constant 8 : i32
      %broadcast_in_dim3A_230 = vector.broadcast %broadcast_in_dim3A_229 : i32 to vector<16xi32>
      %gather3A_231 = tpu.vector_load_idx %arg9[%iota3A, %broadcast_in_dim3A_230] : memref<16x16xf32, #tpu.memory_space<vmem>>[vector<16xi32>, vector<16xi32>], vector<16xf32>,
      %add3A_232 = arith.addf %add3A_228, %gather3A_231 : vector<16xf32>
      %broadcast_in_dim3A_233 = arith.constant 9 : i32
      %broadcast_in_dim3A_234 = vector.broadcast %broadcast_in_dim3A_233 : i32 to vector<16xi32>
      %gather3A_235 = tpu.vector_load_idx %arg9[%iota3A, %broadcast_in_dim3A_234] : memref<16x16xf32, #tpu.memory_space<vmem>>[vector<16xi32>, vector<16xi32>], vector<16xf32>,
      %add3A_236 = arith.addf %add3A_232, %gather3A_235 : vector<16xf32>
      %broadcast_in_dim3A_237 = arith.constant 10 : i32
      %broadcast_in_dim3A_238 = vector.broadcast %broadcast_in_dim3A_237 : i32 to vector<16xi32>
      %gather3A_239 = tpu.vector_load_idx %arg9[%iota3A, %broadcast_in_dim3A_238] : memref<16x16xf32, #tpu.memory_space<vmem>>[vector<16xi32>, vector<16xi32>], vector<16xf32>,
      %add3A_240 = arith.addf %add3A_236, %gather3A_239 : vector<16xf32>
      %broadcast_in_dim3A_241 = arith.constant 11 : i32
      %broadcast_in_dim3A_242 = vector.broadcast %broadcast_in_dim3A_241 : i32 to vector<16xi32>
      %gather3A_243 = tpu.vector_load_idx %arg9[%iota3A, %broadcast_in_dim3A_242] : memref<16x16xf32, #tpu.memory_space<vmem>>[vector<16xi32>, vector<16xi32>], vector<16xf32>,
      %add3A_244 = arith.addf %add3A_240, %gather3A_243 : vector<16xf32>
      %broadcast_in_dim3A_245 = arith.constant 12 : i32
      %broadcast_in_dim3A_246 = vector.broadcast %broadcast_in_dim3A_245 : i32 to vector<16xi32>
      %gather3A_247 = tpu.vector_load_idx %arg9[%iota3A, %broadcast_in_dim3A_246] : memref<16x16xf32, #tpu.memory_space<vmem>>[vector<16xi32>, vector<16xi32>], vector<16xf32>,
      %add3A_248 = arith.addf %add3A_244, %gather3A_247 : vector<16xf32>
      %broadcast_in_dim3A_249 = arith.constant 13 : i32
      %broadcast_in_dim3A_250 = vector.broadcast %broadcast_in_dim3A_249 : i32 to vector<16xi32>
      %gather3A_251 = tpu.vector_load_idx %arg9[%iota3A, %broadcast_in_dim3A_250] : memref<16x16xf32, #tpu.memory_space<vmem>>[vector<16xi32>, vector<16xi32>], vector<16xf32>,
      %add3A_252 = arith.addf %add3A_248, %gather3A_251 : vector<16xf32>
      %broadcast_in_dim3A_253 = arith.constant 14 : i32
      %broadcast_in_dim3A_254 = vector.broadcast %broadcast_in_dim3A_253 : i32 to vector<16xi32>
      %gather3A_255 = tpu.vector_load_idx %arg9[%iota3A, %broadcast_in_dim3A_254] : memref<16x16xf32, #tpu.memory_space<vmem>>[vector<16xi32>, vector<16xi32>], vector<16xf32>,
      %add3A_256 = arith.addf %add3A_252, %gather3A_255 : vector<16xf32>
      %broadcast_in_dim3A_257 = arith.constant 15 : i32
      %broadcast_in_dim3A_258 = vector.broadcast %broadcast_in_dim3A_257 : i32 to vector<16xi32>
      %gather3A_259 = tpu.vector_load_idx %arg9[%iota3A, %broadcast_in_dim3A_258] : memref<16x16xf32, #tpu.memory_space<vmem>>[vector<16xi32>, vector<16xi32>], vector<16xf32>,
      %add3A_260 = arith.addf %add3A_256, %gather3A_259 : vector<16xf32>
      %mul3A_261 = arith.constant 5.000000e-02 : f32
      %mul3A_262 = vector.broadcast %mul3A_261 : f32 to vector<16xf32>
      %mul3A_263 = arith.mulf %add3A_260, %mul3A_262 : vector<16xf32>
      %mul3A_264 = arith.constant 16 : i32
      %mul3A_265 = arith.muli %add3A_127, %mul3A_264 : i32
      %swap3A = arith.index_cast %mul3A_265 : i32 to index
      %swap3A_266 = tpu.vector_load %arg10[%swap3A] {strides = array<i32>} : memref<512xf32, #tpu.memory_space<vmem>>, vector<16xf32>,
      tpu.vector_store %arg10[%swap3A], %mul3A_263 {strides = array<i32>} : memref<512xf32, #tpu.memory_space<vmem>>, vector<16xf32>,
      %add3A_267 = arith.constant 2 : i32
      %add3A_268 = arith.addi %add3A_127, %add3A_267 : i32
      %lt3A = arith.constant 32 : i32
      %lt3A_269 = arith.cmpi slt, %add3A_268, %lt3A : i32
      %convert_element_type3A = arith.extui %lt3A_269 : i1 to i32
      %cond3A = arith.constant 0 : i32
      %cond3A_270 = arith.cmpi ne, %convert_element_type3A, %cond3A : i32
      scf.if %cond3A_270 {
        %add3A_425 = arith.constant 2 : i32
        %add3A_426 = arith.addi %add3A_127, %add3A_425 : i32
        %dma_start3A_427 = arith.constant 0 : i32
        %dma_start3A_428 = arith.constant 0 : i32
        %dma_start3A_429 = arith.constant 0 : i32
        %dma_start3A_430 = arith.constant 0 : i32
        %dma_start3A_431 = arith.constant 0 : i32
        %dma_start3A_432 = tpu.memref_slice %arg8[%dma_start3A_428, %dma_start3A_429, %dma_start3A_430, %dma_start3A_431] : memref<2x4x80x64xf32, #tpu.memory_space<vmem>> -> memref<1x1x80x64xf32, #tpu.memory_space<vmem>>
        %dma_start3A_433 = tpu.memref_squeeze %dma_start3A_432 : memref<1x1x80x64xf32, #tpu.memory_space<vmem>> -> memref<80x64xf32, #tpu.memory_space<vmem>>
        %dma_start3A_434 = arith.constant 0 : i32
        %dma_start3A_435 = tpu.memref_slice %arg6[%add3A_426, %dma_start3A_427, %dma_start3A_434] : memref<32x4x80xi32, #tpu.memory_space<vmem>> -> memref<1x1x80xi32, #tpu.memory_space<vmem>>
        %dma_start3A_436 = tpu.memref_squeeze %dma_start3A_435 : memref<1x1x80xi32, #tpu.memory_space<vmem>> -> memref<80xi32, #tpu.memory_space<vmem>>
        %dma_start3A_437 = arith.constant 0 : i32
        %dma_start3A_438 = arith.constant 0 : i32
        %dma_start3A_439 = tpu.memref_slice %arg4[%dma_start3A_437, %dma_start3A_438] : memref<1000000x64xf32, #tpu.memory_space<hbm>> -> memref<1000000x64xf32, #tpu.memory_space<hbm>>
        tpu.enqueue_indirect_dma source(%dma_start3A_439 : memref<1000000x64xf32, #tpu.memory_space<hbm>>) target(%dma_start3A_433 : memref<80x64xf32, #tpu.memory_space<vmem>>) offsets(%dma_start3A_436 : memref<80xi32, #tpu.memory_space<vmem>>) semaphore(%arg11 : memref<!tpu.dma_semaphore, #tpu.memory_space<semaphore_mem>>)
        %add3A_440 = arith.constant 2 : i32
        %add3A_441 = arith.addi %add3A_127, %add3A_440 : i32
        %dma_start3A_442 = arith.constant 1 : i32
        %dma_start3A_443 = arith.constant 0 : i32
        %dma_start3A_444 = arith.constant 1 : i32
        %dma_start3A_445 = arith.constant 0 : i32
        %dma_start3A_446 = arith.constant 0 : i32
        %dma_start3A_447 = tpu.memref_slice %arg8[%dma_start3A_443, %dma_start3A_444, %dma_start3A_445, %dma_start3A_446] : memref<2x4x80x64xf32, #tpu.memory_space<vmem>> -> memref<1x1x80x64xf32, #tpu.memory_space<vmem>>
        %dma_start3A_448 = tpu.memref_squeeze %dma_start3A_447 : memref<1x1x80x64xf32, #tpu.memory_space<vmem>> -> memref<80x64xf32, #tpu.memory_space<vmem>>
        %dma_start3A_449 = arith.constant 0 : i32
        %dma_start3A_450 = tpu.memref_slice %arg6[%add3A_441, %dma_start3A_442, %dma_start3A_449] : memref<32x4x80xi32, #tpu.memory_space<vmem>> -> memref<1x1x80xi32, #tpu.memory_space<vmem>>
        %dma_start3A_451 = tpu.memref_squeeze %dma_start3A_450 : memref<1x1x80xi32, #tpu.memory_space<vmem>> -> memref<80xi32, #tpu.memory_space<vmem>>
        %dma_start3A_452 = arith.constant 0 : i32
        %dma_start3A_453 = arith.constant 0 : i32
        %dma_start3A_454 = tpu.memref_slice %arg4[%dma_start3A_452, %dma_start3A_453] : memref<1000000x64xf32, #tpu.memory_space<hbm>> -> memref<1000000x64xf32, #tpu.memory_space<hbm>>
        tpu.enqueue_indirect_dma source(%dma_start3A_454 : memref<1000000x64xf32, #tpu.memory_space<hbm>>) target(%dma_start3A_448 : memref<80x64xf32, #tpu.memory_space<vmem>>) offsets(%dma_start3A_451 : memref<80xi32, #tpu.memory_space<vmem>>) semaphore(%arg11 : memref<!tpu.dma_semaphore, #tpu.memory_space<semaphore_mem>>)
        %add3A_455 = arith.constant 2 : i32
        %add3A_456 = arith.addi %add3A_127, %add3A_455 : i32
        %dma_start3A_457 = arith.constant 2 : i32
        %dma_start3A_458 = arith.constant 0 : i32
        %dma_start3A_459 = arith.constant 2 : i32
        %dma_start3A_460 = arith.constant 0 : i32
        %dma_start3A_461 = arith.constant 0 : i32
        %dma_start3A_462 = tpu.memref_slice %arg8[%dma_start3A_458, %dma_start3A_459, %dma_start3A_460, %dma_start3A_461] : memref<2x4x80x64xf32, #tpu.memory_space<vmem>> -> memref<1x1x80x64xf32, #tpu.memory_space<vmem>>
        %dma_start3A_463 = tpu.memref_squeeze %dma_start3A_462 : memref<1x1x80x64xf32, #tpu.memory_space<vmem>> -> memref<80x64xf32, #tpu.memory_space<vmem>>
        %dma_start3A_464 = arith.constant 0 : i32
        %dma_start3A_465 = tpu.memref_slice %arg6[%add3A_456, %dma_start3A_457, %dma_start3A_464] : memref<32x4x80xi32, #tpu.memory_space<vmem>> -> memref<1x1x80xi32, #tpu.memory_space<vmem>>
        %dma_start3A_466 = tpu.memref_squeeze %dma_start3A_465 : memref<1x1x80xi32, #tpu.memory_space<vmem>> -> memref<80xi32, #tpu.memory_space<vmem>>
        %dma_start3A_467 = arith.constant 0 : i32
        %dma_start3A_468 = arith.constant 0 : i32
        %dma_start3A_469 = tpu.memref_slice %arg4[%dma_start3A_467, %dma_start3A_468] : memref<1000000x64xf32, #tpu.memory_space<hbm>> -> memref<1000000x64xf32, #tpu.memory_space<hbm>>
        tpu.enqueue_indirect_dma source(%dma_start3A_469 : memref<1000000x64xf32, #tpu.memory_space<hbm>>) target(%dma_start3A_463 : memref<80x64xf32, #tpu.memory_space<vmem>>) offsets(%dma_start3A_466 : memref<80xi32, #tpu.memory_space<vmem>>) semaphore(%arg11 : memref<!tpu.dma_semaphore, #tpu.memory_space<semaphore_mem>>)
        %add3A_470 = arith.constant 2 : i32
        %add3A_471 = arith.addi %add3A_127, %add3A_470 : i32
        %dma_start3A_472 = arith.constant 3 : i32
        %dma_start3A_473 = arith.constant 0 : i32
        %dma_start3A_474 = arith.constant 3 : i32
        %dma_start3A_475 = arith.constant 0 : i32
        %dma_start3A_476 = arith.constant 0 : i32
        %dma_start3A_477 = tpu.memref_slice %arg8[%dma_start3A_473, %dma_start3A_474, %dma_start3A_475, %dma_start3A_476] : memref<2x4x80x64xf32, #tpu.memory_space<vmem>> -> memref<1x1x80x64xf32, #tpu.memory_space<vmem>>
        %dma_start3A_478 = tpu.memref_squeeze %dma_start3A_477 : memref<1x1x80x64xf32, #tpu.memory_space<vmem>> -> memref<80x64xf32, #tpu.memory_space<vmem>>
        %dma_start3A_479 = arith.constant 0 : i32
        %dma_start3A_480 = tpu.memref_slice %arg6[%add3A_471, %dma_start3A_472, %dma_start3A_479] : memref<32x4x80xi32, #tpu.memory_space<vmem>> -> memref<1x1x80xi32, #tpu.memory_space<vmem>>
        %dma_start3A_481 = tpu.memref_squeeze %dma_start3A_480 : memref<1x1x80xi32, #tpu.memory_space<vmem>> -> memref<80xi32, #tpu.memory_space<vmem>>
        %dma_start3A_482 = arith.constant 0 : i32
        %dma_start3A_483 = arith.constant 0 : i32
        %dma_start3A_484 = tpu.memref_slice %arg4[%dma_start3A_482, %dma_start3A_483] : memref<1000000x64xf32, #tpu.memory_space<hbm>> -> memref<1000000x64xf32, #tpu.memory_space<hbm>>
        tpu.enqueue_indirect_dma source(%dma_start3A_484 : memref<1000000x64xf32, #tpu.memory_space<hbm>>) target(%dma_start3A_478 : memref<80x64xf32, #tpu.memory_space<vmem>>) offsets(%dma_start3A_481 : memref<80xi32, #tpu.memory_space<vmem>>) semaphore(%arg11 : memref<!tpu.dma_semaphore, #tpu.memory_space<semaphore_mem>>)
      } else {
      }
      %mul3A_271 = arith.constant 2 : i32
      %mul3A_272 = arith.muli %mul3A_271, %scan3A_123 : i32
      %add3A_273 = arith.constant 1 : i32
      %add3A_274 = arith.addi %mul3A_272, %add3A_273 : i32
      %dma_wait3A_275 = arith.constant 1 : i32
      %dma_wait3A_276 = arith.constant 0 : i32
      %dma_wait3A_277 = arith.constant 0 : i32
      %dma_wait3A_278 = arith.constant 0 : i32
      %dma_wait3A_279 = tpu.memref_slice %arg8[%dma_wait3A_275, %dma_wait3A_276, %dma_wait3A_277, %dma_wait3A_278] : memref<2x4x80x64xf32, #tpu.memory_space<vmem>> -> memref<1x1x80x64xf32, #tpu.memory_space<vmem>>
      %dma_wait3A_280 = tpu.memref_squeeze %dma_wait3A_279 : memref<1x1x80x64xf32, #tpu.memory_space<vmem>> -> memref<80x64xf32, #tpu.memory_space<vmem>>
      %dma_wait3A_281 = arith.constant 0 : i32
      %dma_wait3A_282 = arith.constant 0 : i32
      %dma_wait3A_283 = tpu.memref_slice %arg4[%dma_wait3A_281, %dma_wait3A_282] : memref<1000000x64xf32, #tpu.memory_space<hbm>> -> memref<80x64xf32, #tpu.memory_space<hbm>>
      %dma_wait3A_284 = arith.constant 0 : i32
      %dma_wait3A_285 = arith.constant 0 : i32
      %dma_wait3A_286 = tpu.memref_slice %arg8[%dma_wait3A_275, %dma_wait3A_276, %dma_wait3A_284, %dma_wait3A_285] : memref<2x4x80x64xf32, #tpu.memory_space<vmem>> -> memref<1x1x80x64xf32, #tpu.memory_space<vmem>>
      %dma_wait3A_287 = tpu.memref_squeeze %dma_wait3A_286 : memref<1x1x80x64xf32, #tpu.memory_space<vmem>> -> memref<80x64xf32, #tpu.memory_space<vmem>>
      %dma_wait3A_288 = arith.constant 0 : i32
      %dma_wait3A_289 = arith.constant 0 : i32
      %dma_wait3A_290 = tpu.memref_slice %arg4[%dma_wait3A_288, %dma_wait3A_289] : memref<1000000x64xf32, #tpu.memory_space<hbm>> -> memref<80x64xf32, #tpu.memory_space<hbm>>
      tpu.wait_dma2 semaphore(%arg12 : memref<!tpu.dma_semaphore, #tpu.memory_space<semaphore_mem>>) src(%dma_wait3A_290 : memref<80x64xf32, #tpu.memory_space<hbm>>) dst(%dma_wait3A_287 : memref<80x64xf32, #tpu.memory_space<vmem>>)
      %dma_wait3A_291 = arith.constant 1 : i32
      %dma_wait3A_292 = arith.constant 1 : i32
      %dma_wait3A_293 = arith.constant 0 : i32
      %dma_wait3A_294 = arith.constant 0 : i32
      %dma_wait3A_295 = tpu.memref_slice %arg8[%dma_wait3A_291, %dma_wait3A_292, %dma_wait3A_293, %dma_wait3A_294] : memref<2x4x80x64xf32, #tpu.memory_space<vmem>> -> memref<1x1x80x64xf32, #tpu.memory_space<vmem>>
      %dma_wait3A_296 = tpu.memref_squeeze %dma_wait3A_295 : memref<1x1x80x64xf32, #tpu.memory_space<vmem>> -> memref<80x64xf32, #tpu.memory_space<vmem>>
      %dma_wait3A_297 = arith.constant 0 : i32
      %dma_wait3A_298 = arith.constant 0 : i32
      %dma_wait3A_299 = tpu.memref_slice %arg4[%dma_wait3A_297, %dma_wait3A_298] : memref<1000000x64xf32, #tpu.memory_space<hbm>> -> memref<80x64xf32, #tpu.memory_space<hbm>>
      %dma_wait3A_300 = arith.constant 0 : i32
      %dma_wait3A_301 = arith.constant 0 : i32
      %dma_wait3A_302 = tpu.memref_slice %arg8[%dma_wait3A_291, %dma_wait3A_292, %dma_wait3A_300, %dma_wait3A_301] : memref<2x4x80x64xf32, #tpu.memory_space<vmem>> -> memref<1x1x80x64xf32, #tpu.memory_space<vmem>>
      %dma_wait3A_303 = tpu.memref_squeeze %dma_wait3A_302 : memref<1x1x80x64xf32, #tpu.memory_space<vmem>> -> memref<80x64xf32, #tpu.memory_space<vmem>>
      %dma_wait3A_304 = arith.constant 0 : i32
      %dma_wait3A_305 = arith.constant 0 : i32
      %dma_wait3A_306 = tpu.memref_slice %arg4[%dma_wait3A_304, %dma_wait3A_305] : memref<1000000x64xf32, #tpu.memory_space<hbm>> -> memref<80x64xf32, #tpu.memory_space<hbm>>
      tpu.wait_dma2 semaphore(%arg12 : memref<!tpu.dma_semaphore, #tpu.memory_space<semaphore_mem>>) src(%dma_wait3A_306 : memref<80x64xf32, #tpu.memory_space<hbm>>) dst(%dma_wait3A_303 : memref<80x64xf32, #tpu.memory_space<vmem>>)
      %dma_wait3A_307 = arith.constant 1 : i32
      %dma_wait3A_308 = arith.constant 2 : i32
      %dma_wait3A_309 = arith.constant 0 : i32
      %dma_wait3A_310 = arith.constant 0 : i32
      %dma_wait3A_311 = tpu.memref_slice %arg8[%dma_wait3A_307, %dma_wait3A_308, %dma_wait3A_309, %dma_wait3A_310] : memref<2x4x80x64xf32, #tpu.memory_space<vmem>> -> memref<1x1x80x64xf32, #tpu.memory_space<vmem>>
      %dma_wait3A_312 = tpu.memref_squeeze %dma_wait3A_311 : memref<1x1x80x64xf32, #tpu.memory_space<vmem>> -> memref<80x64xf32, #tpu.memory_space<vmem>>
      %dma_wait3A_313 = arith.constant 0 : i32
      %dma_wait3A_314 = arith.constant 0 : i32
      %dma_wait3A_315 = tpu.memref_slice %arg4[%dma_wait3A_313, %dma_wait3A_314] : memref<1000000x64xf32, #tpu.memory_space<hbm>> -> memref<80x64xf32, #tpu.memory_space<hbm>>
      %dma_wait3A_316 = arith.constant 0 : i32
      %dma_wait3A_317 = arith.constant 0 : i32
      %dma_wait3A_318 = tpu.memref_slice %arg8[%dma_wait3A_307, %dma_wait3A_308, %dma_wait3A_316, %dma_wait3A_317] : memref<2x4x80x64xf32, #tpu.memory_space<vmem>> -> memref<1x1x80x64xf32, #tpu.memory_space<vmem>>
      %dma_wait3A_319 = tpu.memref_squeeze %dma_wait3A_318 : memref<1x1x80x64xf32, #tpu.memory_space<vmem>> -> memref<80x64xf32, #tpu.memory_space<vmem>>
      %dma_wait3A_320 = arith.constant 0 : i32
      %dma_wait3A_321 = arith.constant 0 : i32
      %dma_wait3A_322 = tpu.memref_slice %arg4[%dma_wait3A_320, %dma_wait3A_321] : memref<1000000x64xf32, #tpu.memory_space<hbm>> -> memref<80x64xf32, #tpu.memory_space<hbm>>
      tpu.wait_dma2 semaphore(%arg12 : memref<!tpu.dma_semaphore, #tpu.memory_space<semaphore_mem>>) src(%dma_wait3A_322 : memref<80x64xf32, #tpu.memory_space<hbm>>) dst(%dma_wait3A_319 : memref<80x64xf32, #tpu.memory_space<vmem>>)
      %dma_wait3A_323 = arith.constant 1 : i32
      %dma_wait3A_324 = arith.constant 3 : i32
      %dma_wait3A_325 = arith.constant 0 : i32
      %dma_wait3A_326 = arith.constant 0 : i32
      %dma_wait3A_327 = tpu.memref_slice %arg8[%dma_wait3A_323, %dma_wait3A_324, %dma_wait3A_325, %dma_wait3A_326] : memref<2x4x80x64xf32, #tpu.memory_space<vmem>> -> memref<1x1x80x64xf32, #tpu.memory_space<vmem>>
      %dma_wait3A_328 = tpu.memref_squeeze %dma_wait3A_327 : memref<1x1x80x64xf32, #tpu.memory_space<vmem>> -> memref<80x64xf32, #tpu.memory_space<vmem>>
      %dma_wait3A_329 = arith.constant 0 : i32
      %dma_wait3A_330 = arith.constant 0 : i32
      %dma_wait3A_331 = tpu.memref_slice %arg4[%dma_wait3A_329, %dma_wait3A_330] : memref<1000000x64xf32, #tpu.memory_space<hbm>> -> memref<80x64xf32, #tpu.memory_space<hbm>>
      %dma_wait3A_332 = arith.constant 0 : i32
      %dma_wait3A_333 = arith.constant 0 : i32
      %dma_wait3A_334 = tpu.memref_slice %arg8[%dma_wait3A_323, %dma_wait3A_324, %dma_wait3A_332, %dma_wait3A_333] : memref<2x4x80x64xf32, #tpu.memory_space<vmem>> -> memref<1x1x80x64xf32, #tpu.memory_space<vmem>>
      %dma_wait3A_335 = tpu.memref_squeeze %dma_wait3A_334 : memref<1x1x80x64xf32, #tpu.memory_space<vmem>> -> memref<80x64xf32, #tpu.memory_space<vmem>>
      %dma_wait3A_336 = arith.constant 0 : i32
      %dma_wait3A_337 = arith.constant 0 : i32
      %dma_wait3A_338 = tpu.memref_slice %arg4[%dma_wait3A_336, %dma_wait3A_337] : memref<1000000x64xf32, #tpu.memory_space<hbm>> -> memref<80x64xf32, #tpu.memory_space<hbm>>
      tpu.wait_dma2 semaphore(%arg12 : memref<!tpu.dma_semaphore, #tpu.memory_space<semaphore_mem>>) src(%dma_wait3A_338 : memref<80x64xf32, #tpu.memory_space<hbm>>) dst(%dma_wait3A_335 : memref<80x64xf32, #tpu.memory_space<vmem>>)
      %scan3A_339 = arith.constant 0 : i32
      %scan3A_340 = arith.constant 0 : i32
      %scan3A_341 = arith.constant 16 : i32
      %scan3A_342 = arith.addi %scan3A_340, %scan3A_341 : i32
      %scan3A_343 = arith.constant 1 : i32
      scf.for %scan3A_425 = %scan3A_340 to %scan3A_342 step %scan3A_343  : i32 {
        %jit3A = arith.constant 4 : i32
        %div3A = arith.divsi %scan3A_425, %jit3A : i32
        %sign3A = arith.constant 0 : i32
        %sign3A_426 = arith.cmpi sgt, %scan3A_425, %sign3A : i32
        %sign3A_427 = arith.extui %sign3A_426 : i1 to i32
        %sign3A_428 = arith.constant 0 : i32
        %sign3A_429 = arith.cmpi slt, %scan3A_425, %sign3A_428 : i32
        %sign3A_430 = arith.extui %sign3A_429 : i1 to i32
        %sign3A_431 = arith.subi %sign3A_427, %sign3A_430 : i32
        %sign3A_432 = arith.constant 0 : i32
        %sign3A_433 = arith.cmpi sgt, %jit3A, %sign3A_432 : i32
        %sign3A_434 = arith.extui %sign3A_433 : i1 to i32
        %sign3A_435 = arith.constant 0 : i32
        %sign3A_436 = arith.cmpi slt, %jit3A, %sign3A_435 : i32
        %sign3A_437 = arith.extui %sign3A_436 : i1 to i32
        %sign3A_438 = arith.subi %sign3A_434, %sign3A_437 : i32
        %ne3A = arith.cmpi ne, %sign3A_431, %sign3A_438 : i32
        %rem3A = arith.remsi %scan3A_425, %jit3A : i32
        %ne3A_439 = arith.constant 0 : i32
        %ne3A_440 = arith.cmpi ne, %rem3A, %ne3A_439 : i32
        %and3A = arith.andi %ne3A, %ne3A_440 : i1
        %sub3A = arith.constant 1 : i32
        %sub3A_441 = arith.subi %div3A, %sub3A : i32
        %select_n3A = arith.select %and3A, %sub3A_441, %div3A : i32
        %jit3A_442 = arith.constant 4 : i32
        %eq3A = arith.constant 0 : i32
        %eq3A_443 = arith.cmpi eq, %jit3A_442, %eq3A : i32
        %jit3A_444 = arith.constant 1 : i32
        %select_n3A_445 = arith.select %eq3A_443, %jit3A_444, %jit3A_442 : i32
        %rem3A_446 = arith.remsi %scan3A_425, %select_n3A_445 : i32
        %ne3A_447 = arith.constant 0 : i32
        %ne3A_448 = arith.cmpi ne, %rem3A_446, %ne3A_447 : i32
        %lt3A_449 = arith.constant 0 : i32
        %lt3A_450 = arith.cmpi slt, %rem3A_446, %lt3A_449 : i32
        %lt3A_451 = arith.constant 0 : i32
        %lt3A_452 = arith.cmpi slt, %select_n3A_445, %lt3A_451 : i32
        %ne3A_453 = arith.xori %lt3A_450, %lt3A_452 : i1
        %and3A_454 = arith.andi %ne3A_453, %ne3A_448 : i1
        %add3A_455 = arith.addi %rem3A_446, %select_n3A_445 : i32
        %select_n3A_456 = arith.select %and3A_454, %add3A_455, %rem3A_446 : i32
        %mul3A_457 = arith.constant 20 : i32
        %mul3A_458 = arith.muli %select_n3A_456, %mul3A_457 : i32
        %mul3A_459 = arith.constant 16 : i32
        %mul3A_460 = arith.muli %add3A_274, %mul3A_459 : i32
        %add3A_461 = arith.addi %mul3A_460, %scan3A_425 : i32
        %broadcast_in_dim3A_462 = arith.constant 0.000000e+00 : f32
        %broadcast_in_dim3A_463 = vector.broadcast %broadcast_in_dim3A_462 : f32 to vector<16xf32>
        %broadcast_in_dim3A_464 = arith.constant 0.000000e+00 : f32
        %broadcast_in_dim3A_465 = vector.broadcast %broadcast_in_dim3A_464 : f32 to vector<16xf32>
        %broadcast_in_dim3A_466 = arith.constant 0.000000e+00 : f32
        %broadcast_in_dim3A_467 = vector.broadcast %broadcast_in_dim3A_466 : f32 to vector<16xf32>
        %broadcast_in_dim3A_468 = arith.constant 0.000000e+00 : f32
        %broadcast_in_dim3A_469 = vector.broadcast %broadcast_in_dim3A_468 : f32 to vector<16xf32>
        %add3A_470 = arith.constant 0 : i32
        %add3A_471 = arith.addi %mul3A_458, %add3A_470 : i32
        %get3A = arith.constant 1 : i32
        %get3A_472 = arith.index_cast %get3A : i32 to index
        %get3A_473 = arith.index_cast %select_n3A : i32 to index
        %get3A_474 = arith.index_cast %add3A_471 : i32 to index
        %get3A_475 = arith.constant 0 : index
        %get3A_476 = tpu.vector_load %arg8[%get3A_472, %get3A_473, %get3A_474, %get3A_475] {strides = array<i32>} : memref<2x4x80x64xf32, #tpu.memory_space<vmem>>, vector<16xf32>,
        %add3A_477 = arith.addf %broadcast_in_dim3A_463, %get3A_476 : vector<16xf32>
        %add3A_478 = arith.constant 0 : i32
        %add3A_479 = arith.addi %mul3A_458, %add3A_478 : i32
        %get3A_480 = arith.constant 1 : i32
        %get3A_481 = arith.index_cast %get3A_480 : i32 to index
        %get3A_482 = arith.index_cast %select_n3A : i32 to index
        %get3A_483 = arith.index_cast %add3A_479 : i32 to index
        %get3A_484 = arith.constant 16 : index
        %get3A_485 = tpu.vector_load %arg8[%get3A_481, %get3A_482, %get3A_483, %get3A_484] {strides = array<i32>} : memref<2x4x80x64xf32, #tpu.memory_space<vmem>>, vector<16xf32>,
        %add3A_486 = arith.addf %broadcast_in_dim3A_465, %get3A_485 : vector<16xf32>
        %add3A_487 = arith.constant 0 : i32
        %add3A_488 = arith.addi %mul3A_458, %add3A_487 : i32
        %get3A_489 = arith.constant 1 : i32
        %get3A_490 = arith.index_cast %get3A_489 : i32 to index
        %get3A_491 = arith.index_cast %select_n3A : i32 to index
        %get3A_492 = arith.index_cast %add3A_488 : i32 to index
        %get3A_493 = arith.constant 32 : index
        %get3A_494 = tpu.vector_load %arg8[%get3A_490, %get3A_491, %get3A_492, %get3A_493] {strides = array<i32>} : memref<2x4x80x64xf32, #tpu.memory_space<vmem>>, vector<16xf32>,
        %add3A_495 = arith.addf %broadcast_in_dim3A_467, %get3A_494 : vector<16xf32>
        %add3A_496 = arith.constant 0 : i32
        %add3A_497 = arith.addi %mul3A_458, %add3A_496 : i32
        %get3A_498 = arith.constant 1 : i32
        %get3A_499 = arith.index_cast %get3A_498 : i32 to index
        %get3A_500 = arith.index_cast %select_n3A : i32 to index
        %get3A_501 = arith.index_cast %add3A_497 : i32 to index
        %get3A_502 = arith.constant 48 : index
        %get3A_503 = tpu.vector_load %arg8[%get3A_499, %get3A_500, %get3A_501, %get3A_502] {strides = array<i32>} : memref<2x4x80x64xf32, #tpu.memory_space<vmem>>, vector<16xf32>,
        %add3A_504 = arith.addf %broadcast_in_dim3A_469, %get3A_503 : vector<16xf32>
        %add3A_505 = arith.constant 1 : i32
        %add3A_506 = arith.addi %mul3A_458, %add3A_505 : i32
        %get3A_507 = arith.constant 1 : i32
        %get3A_508 = arith.index_cast %get3A_507 : i32 to index
        %get3A_509 = arith.index_cast %select_n3A : i32 to index
        %get3A_510 = arith.index_cast %add3A_506 : i32 to index
        %get3A_511 = arith.constant 0 : index
        %get3A_512 = tpu.vector_load %arg8[%get3A_508, %get3A_509, %get3A_510, %get3A_511] {strides = array<i32>} : memref<2x4x80x64xf32, #tpu.memory_space<vmem>>, vector<16xf32>,
        %add3A_513 = arith.addf %add3A_477, %get3A_512 : vector<16xf32>
        %add3A_514 = arith.constant 1 : i32
        %add3A_515 = arith.addi %mul3A_458, %add3A_514 : i32
        %get3A_516 = arith.constant 1 : i32
        %get3A_517 = arith.index_cast %get3A_516 : i32 to index
        %get3A_518 = arith.index_cast %select_n3A : i32 to index
        %get3A_519 = arith.index_cast %add3A_515 : i32 to index
        %get3A_520 = arith.constant 16 : index
        %get3A_521 = tpu.vector_load %arg8[%get3A_517, %get3A_518, %get3A_519, %get3A_520] {strides = array<i32>} : memref<2x4x80x64xf32, #tpu.memory_space<vmem>>, vector<16xf32>,
        %add3A_522 = arith.addf %add3A_486, %get3A_521 : vector<16xf32>
        %add3A_523 = arith.constant 1 : i32
        %add3A_524 = arith.addi %mul3A_458, %add3A_523 : i32
        %get3A_525 = arith.constant 1 : i32
        %get3A_526 = arith.index_cast %get3A_525 : i32 to index
        %get3A_527 = arith.index_cast %select_n3A : i32 to index
        %get3A_528 = arith.index_cast %add3A_524 : i32 to index
        %get3A_529 = arith.constant 32 : index
        %get3A_530 = tpu.vector_load %arg8[%get3A_526, %get3A_527, %get3A_528, %get3A_529] {strides = array<i32>} : memref<2x4x80x64xf32, #tpu.memory_space<vmem>>, vector<16xf32>,
        %add3A_531 = arith.addf %add3A_495, %get3A_530 : vector<16xf32>
        %add3A_532 = arith.constant 1 : i32
        %add3A_533 = arith.addi %mul3A_458, %add3A_532 : i32
        %get3A_534 = arith.constant 1 : i32
        %get3A_535 = arith.index_cast %get3A_534 : i32 to index
        %get3A_536 = arith.index_cast %select_n3A : i32 to index
        %get3A_537 = arith.index_cast %add3A_533 : i32 to index
        %get3A_538 = arith.constant 48 : index
        %get3A_539 = tpu.vector_load %arg8[%get3A_535, %get3A_536, %get3A_537, %get3A_538] {strides = array<i32>} : memref<2x4x80x64xf32, #tpu.memory_space<vmem>>, vector<16xf32>,
        %add3A_540 = arith.addf %add3A_504, %get3A_539 : vector<16xf32>
        %add3A_541 = arith.constant 2 : i32
        %add3A_542 = arith.addi %mul3A_458, %add3A_541 : i32
        %get3A_543 = arith.constant 1 : i32
        %get3A_544 = arith.index_cast %get3A_543 : i32 to index
        %get3A_545 = arith.index_cast %select_n3A : i32 to index
        %get3A_546 = arith.index_cast %add3A_542 : i32 to index
        %get3A_547 = arith.constant 0 : index
        %get3A_548 = tpu.vector_load %arg8[%get3A_544, %get3A_545, %get3A_546, %get3A_547] {strides = array<i32>} : memref<2x4x80x64xf32, #tpu.memory_space<vmem>>, vector<16xf32>,
        %add3A_549 = arith.addf %add3A_513, %get3A_548 : vector<16xf32>
        %add3A_550 = arith.constant 2 : i32
        %add3A_551 = arith.addi %mul3A_458, %add3A_550 : i32
        %get3A_552 = arith.constant 1 : i32
        %get3A_553 = arith.index_cast %get3A_552 : i32 to index
        %get3A_554 = arith.index_cast %select_n3A : i32 to index
        %get3A_555 = arith.index_cast %add3A_551 : i32 to index
        %get3A_556 = arith.constant 16 : index
        %get3A_557 = tpu.vector_load %arg8[%get3A_553, %get3A_554, %get3A_555, %get3A_556] {strides = array<i32>} : memref<2x4x80x64xf32, #tpu.memory_space<vmem>>, vector<16xf32>,
        %add3A_558 = arith.addf %add3A_522, %get3A_557 : vector<16xf32>
        %add3A_559 = arith.constant 2 : i32
        %add3A_560 = arith.addi %mul3A_458, %add3A_559 : i32
        %get3A_561 = arith.constant 1 : i32
        %get3A_562 = arith.index_cast %get3A_561 : i32 to index
        %get3A_563 = arith.index_cast %select_n3A : i32 to index
        %get3A_564 = arith.index_cast %add3A_560 : i32 to index
        %get3A_565 = arith.constant 32 : index
        %get3A_566 = tpu.vector_load %arg8[%get3A_562, %get3A_563, %get3A_564, %get3A_565] {strides = array<i32>} : memref<2x4x80x64xf32, #tpu.memory_space<vmem>>, vector<16xf32>,
        %add3A_567 = arith.addf %add3A_531, %get3A_566 : vector<16xf32>
        %add3A_568 = arith.constant 2 : i32
        %add3A_569 = arith.addi %mul3A_458, %add3A_568 : i32
        %get3A_570 = arith.constant 1 : i32
        %get3A_571 = arith.index_cast %get3A_570 : i32 to index
        %get3A_572 = arith.index_cast %select_n3A : i32 to index
        %get3A_573 = arith.index_cast %add3A_569 : i32 to index
        %get3A_574 = arith.constant 48 : index
        %get3A_575 = tpu.vector_load %arg8[%get3A_571, %get3A_572, %get3A_573, %get3A_574] {strides = array<i32>} : memref<2x4x80x64xf32, #tpu.memory_space<vmem>>, vector<16xf32>,
        %add3A_576 = arith.addf %add3A_540, %get3A_575 : vector<16xf32>
        %add3A_577 = arith.constant 3 : i32
        %add3A_578 = arith.addi %mul3A_458, %add3A_577 : i32
        %get3A_579 = arith.constant 1 : i32
        %get3A_580 = arith.index_cast %get3A_579 : i32 to index
        %get3A_581 = arith.index_cast %select_n3A : i32 to index
        %get3A_582 = arith.index_cast %add3A_578 : i32 to index
        %get3A_583 = arith.constant 0 : index
        %get3A_584 = tpu.vector_load %arg8[%get3A_580, %get3A_581, %get3A_582, %get3A_583] {strides = array<i32>} : memref<2x4x80x64xf32, #tpu.memory_space<vmem>>, vector<16xf32>,
        %add3A_585 = arith.addf %add3A_549, %get3A_584 : vector<16xf32>
        %add3A_586 = arith.constant 3 : i32
        %add3A_587 = arith.addi %mul3A_458, %add3A_586 : i32
        %get3A_588 = arith.constant 1 : i32
        %get3A_589 = arith.index_cast %get3A_588 : i32 to index
        %get3A_590 = arith.index_cast %select_n3A : i32 to index
        %get3A_591 = arith.index_cast %add3A_587 : i32 to index
        %get3A_592 = arith.constant 16 : index
        %get3A_593 = tpu.vector_load %arg8[%get3A_589, %get3A_590, %get3A_591, %get3A_592] {strides = array<i32>} : memref<2x4x80x64xf32, #tpu.memory_space<vmem>>, vector<16xf32>,
        %add3A_594 = arith.addf %add3A_558, %get3A_593 : vector<16xf32>
        %add3A_595 = arith.constant 3 : i32
        %add3A_596 = arith.addi %mul3A_458, %add3A_595 : i32
        %get3A_597 = arith.constant 1 : i32
        %get3A_598 = arith.index_cast %get3A_597 : i32 to index
        %get3A_599 = arith.index_cast %select_n3A : i32 to index
        %get3A_600 = arith.index_cast %add3A_596 : i32 to index
        %get3A_601 = arith.constant 32 : index
        %get3A_602 = tpu.vector_load %arg8[%get3A_598, %get3A_599, %get3A_600, %get3A_601] {strides = array<i32>} : memref<2x4x80x64xf32, #tpu.memory_space<vmem>>, vector<16xf32>,
        %add3A_603 = arith.addf %add3A_567, %get3A_602 : vector<16xf32>
        %add3A_604 = arith.constant 3 : i32
        %add3A_605 = arith.addi %mul3A_458, %add3A_604 : i32
        %get3A_606 = arith.constant 1 : i32
        %get3A_607 = arith.index_cast %get3A_606 : i32 to index
        %get3A_608 = arith.index_cast %select_n3A : i32 to index
        %get3A_609 = arith.index_cast %add3A_605 : i32 to index
        %get3A_610 = arith.constant 48 : index
        %get3A_611 = tpu.vector_load %arg8[%get3A_607, %get3A_608, %get3A_609, %get3A_610] {strides = array<i32>} : memref<2x4x80x64xf32, #tpu.memory_space<vmem>>, vector<16xf32>,
        %add3A_612 = arith.addf %add3A_576, %get3A_611 : vector<16xf32>
        %add3A_613 = arith.constant 4 : i32
        %add3A_614 = arith.addi %mul3A_458, %add3A_613 : i32
        %get3A_615 = arith.constant 1 : i32
        %get3A_616 = arith.index_cast %get3A_615 : i32 to index
        %get3A_617 = arith.index_cast %select_n3A : i32 to index
        %get3A_618 = arith.index_cast %add3A_614 : i32 to index
        %get3A_619 = arith.constant 0 : index
        %get3A_620 = tpu.vector_load %arg8[%get3A_616, %get3A_617, %get3A_618, %get3A_619] {strides = array<i32>} : memref<2x4x80x64xf32, #tpu.memory_space<vmem>>, vector<16xf32>,
        %add3A_621 = arith.addf %add3A_585, %get3A_620 : vector<16xf32>
        %add3A_622 = arith.constant 4 : i32
        %add3A_623 = arith.addi %mul3A_458, %add3A_622 : i32
        %get3A_624 = arith.constant 1 : i32
        %get3A_625 = arith.index_cast %get3A_624 : i32 to index
        %get3A_626 = arith.index_cast %select_n3A : i32 to index
        %get3A_627 = arith.index_cast %add3A_623 : i32 to index
        %get3A_628 = arith.constant 16 : index
        %get3A_629 = tpu.vector_load %arg8[%get3A_625, %get3A_626, %get3A_627, %get3A_628] {strides = array<i32>} : memref<2x4x80x64xf32, #tpu.memory_space<vmem>>, vector<16xf32>,
        %add3A_630 = arith.addf %add3A_594, %get3A_629 : vector<16xf32>
        %add3A_631 = arith.constant 4 : i32
        %add3A_632 = arith.addi %mul3A_458, %add3A_631 : i32
        %get3A_633 = arith.constant 1 : i32
        %get3A_634 = arith.index_cast %get3A_633 : i32 to index
        %get3A_635 = arith.index_cast %select_n3A : i32 to index
        %get3A_636 = arith.index_cast %add3A_632 : i32 to index
        %get3A_637 = arith.constant 32 : index
        %get3A_638 = tpu.vector_load %arg8[%get3A_634, %get3A_635, %get3A_636, %get3A_637] {strides = array<i32>} : memref<2x4x80x64xf32, #tpu.memory_space<vmem>>, vector<16xf32>,
        %add3A_639 = arith.addf %add3A_603, %get3A_638 : vector<16xf32>
        %add3A_640 = arith.constant 4 : i32
        %add3A_641 = arith.addi %mul3A_458, %add3A_640 : i32
        %get3A_642 = arith.constant 1 : i32
        %get3A_643 = arith.index_cast %get3A_642 : i32 to index
        %get3A_644 = arith.index_cast %select_n3A : i32 to index
        %get3A_645 = arith.index_cast %add3A_641 : i32 to index
        %get3A_646 = arith.constant 48 : index
        %get3A_647 = tpu.vector_load %arg8[%get3A_643, %get3A_644, %get3A_645, %get3A_646] {strides = array<i32>} : memref<2x4x80x64xf32, #tpu.memory_space<vmem>>, vector<16xf32>,
        %add3A_648 = arith.addf %add3A_612, %get3A_647 : vector<16xf32>
        %add3A_649 = arith.constant 5 : i32
        %add3A_650 = arith.addi %mul3A_458, %add3A_649 : i32
        %get3A_651 = arith.constant 1 : i32
        %get3A_652 = arith.index_cast %get3A_651 : i32 to index
        %get3A_653 = arith.index_cast %select_n3A : i32 to index
        %get3A_654 = arith.index_cast %add3A_650 : i32 to index
        %get3A_655 = arith.constant 0 : index
        %get3A_656 = tpu.vector_load %arg8[%get3A_652, %get3A_653, %get3A_654, %get3A_655] {strides = array<i32>} : memref<2x4x80x64xf32, #tpu.memory_space<vmem>>, vector<16xf32>,
        %add3A_657 = arith.addf %add3A_621, %get3A_656 : vector<16xf32>
        %add3A_658 = arith.constant 5 : i32
        %add3A_659 = arith.addi %mul3A_458, %add3A_658 : i32
        %get3A_660 = arith.constant 1 : i32
        %get3A_661 = arith.index_cast %get3A_660 : i32 to index
        %get3A_662 = arith.index_cast %select_n3A : i32 to index
        %get3A_663 = arith.index_cast %add3A_659 : i32 to index
        %get3A_664 = arith.constant 16 : index
        %get3A_665 = tpu.vector_load %arg8[%get3A_661, %get3A_662, %get3A_663, %get3A_664] {strides = array<i32>} : memref<2x4x80x64xf32, #tpu.memory_space<vmem>>, vector<16xf32>,
        %add3A_666 = arith.addf %add3A_630, %get3A_665 : vector<16xf32>
        %add3A_667 = arith.constant 5 : i32
        %add3A_668 = arith.addi %mul3A_458, %add3A_667 : i32
        %get3A_669 = arith.constant 1 : i32
        %get3A_670 = arith.index_cast %get3A_669 : i32 to index
        %get3A_671 = arith.index_cast %select_n3A : i32 to index
        %get3A_672 = arith.index_cast %add3A_668 : i32 to index
        %get3A_673 = arith.constant 32 : index
        %get3A_674 = tpu.vector_load %arg8[%get3A_670, %get3A_671, %get3A_672, %get3A_673] {strides = array<i32>} : memref<2x4x80x64xf32, #tpu.memory_space<vmem>>, vector<16xf32>,
        %add3A_675 = arith.addf %add3A_639, %get3A_674 : vector<16xf32>
        %add3A_676 = arith.constant 5 : i32
        %add3A_677 = arith.addi %mul3A_458, %add3A_676 : i32
        %get3A_678 = arith.constant 1 : i32
        %get3A_679 = arith.index_cast %get3A_678 : i32 to index
        %get3A_680 = arith.index_cast %select_n3A : i32 to index
        %get3A_681 = arith.index_cast %add3A_677 : i32 to index
        %get3A_682 = arith.constant 48 : index
        %get3A_683 = tpu.vector_load %arg8[%get3A_679, %get3A_680, %get3A_681, %get3A_682] {strides = array<i32>} : memref<2x4x80x64xf32, #tpu.memory_space<vmem>>, vector<16xf32>,
        %add3A_684 = arith.addf %add3A_648, %get3A_683 : vector<16xf32>
        %add3A_685 = arith.constant 6 : i32
        %add3A_686 = arith.addi %mul3A_458, %add3A_685 : i32
        %get3A_687 = arith.constant 1 : i32
        %get3A_688 = arith.index_cast %get3A_687 : i32 to index
        %get3A_689 = arith.index_cast %select_n3A : i32 to index
        %get3A_690 = arith.index_cast %add3A_686 : i32 to index
        %get3A_691 = arith.constant 0 : index
        %get3A_692 = tpu.vector_load %arg8[%get3A_688, %get3A_689, %get3A_690, %get3A_691] {strides = array<i32>} : memref<2x4x80x64xf32, #tpu.memory_space<vmem>>, vector<16xf32>,
        %add3A_693 = arith.addf %add3A_657, %get3A_692 : vector<16xf32>
        %add3A_694 = arith.constant 6 : i32
        %add3A_695 = arith.addi %mul3A_458, %add3A_694 : i32
        %get3A_696 = arith.constant 1 : i32
        %get3A_697 = arith.index_cast %get3A_696 : i32 to index
        %get3A_698 = arith.index_cast %select_n3A : i32 to index
        %get3A_699 = arith.index_cast %add3A_695 : i32 to index
        %get3A_700 = arith.constant 16 : index
        %get3A_701 = tpu.vector_load %arg8[%get3A_697, %get3A_698, %get3A_699, %get3A_700] {strides = array<i32>} : memref<2x4x80x64xf32, #tpu.memory_space<vmem>>, vector<16xf32>,
        %add3A_702 = arith.addf %add3A_666, %get3A_701 : vector<16xf32>
        %add3A_703 = arith.constant 6 : i32
        %add3A_704 = arith.addi %mul3A_458, %add3A_703 : i32
        %get3A_705 = arith.constant 1 : i32
        %get3A_706 = arith.index_cast %get3A_705 : i32 to index
        %get3A_707 = arith.index_cast %select_n3A : i32 to index
        %get3A_708 = arith.index_cast %add3A_704 : i32 to index
        %get3A_709 = arith.constant 32 : index
        %get3A_710 = tpu.vector_load %arg8[%get3A_706, %get3A_707, %get3A_708, %get3A_709] {strides = array<i32>} : memref<2x4x80x64xf32, #tpu.memory_space<vmem>>, vector<16xf32>,
        %add3A_711 = arith.addf %add3A_675, %get3A_710 : vector<16xf32>
        %add3A_712 = arith.constant 6 : i32
        %add3A_713 = arith.addi %mul3A_458, %add3A_712 : i32
        %get3A_714 = arith.constant 1 : i32
        %get3A_715 = arith.index_cast %get3A_714 : i32 to index
        %get3A_716 = arith.index_cast %select_n3A : i32 to index
        %get3A_717 = arith.index_cast %add3A_713 : i32 to index
        %get3A_718 = arith.constant 48 : index
        %get3A_719 = tpu.vector_load %arg8[%get3A_715, %get3A_716, %get3A_717, %get3A_718] {strides = array<i32>} : memref<2x4x80x64xf32, #tpu.memory_space<vmem>>, vector<16xf32>,
        %add3A_720 = arith.addf %add3A_684, %get3A_719 : vector<16xf32>
        %add3A_721 = arith.constant 7 : i32
        %add3A_722 = arith.addi %mul3A_458, %add3A_721 : i32
        %get3A_723 = arith.constant 1 : i32
        %get3A_724 = arith.index_cast %get3A_723 : i32 to index
        %get3A_725 = arith.index_cast %select_n3A : i32 to index
        %get3A_726 = arith.index_cast %add3A_722 : i32 to index
        %get3A_727 = arith.constant 0 : index
        %get3A_728 = tpu.vector_load %arg8[%get3A_724, %get3A_725, %get3A_726, %get3A_727] {strides = array<i32>} : memref<2x4x80x64xf32, #tpu.memory_space<vmem>>, vector<16xf32>,
        %add3A_729 = arith.addf %add3A_693, %get3A_728 : vector<16xf32>
        %add3A_730 = arith.constant 7 : i32
        %add3A_731 = arith.addi %mul3A_458, %add3A_730 : i32
        %get3A_732 = arith.constant 1 : i32
        %get3A_733 = arith.index_cast %get3A_732 : i32 to index
        %get3A_734 = arith.index_cast %select_n3A : i32 to index
        %get3A_735 = arith.index_cast %add3A_731 : i32 to index
        %get3A_736 = arith.constant 16 : index
        %get3A_737 = tpu.vector_load %arg8[%get3A_733, %get3A_734, %get3A_735, %get3A_736] {strides = array<i32>} : memref<2x4x80x64xf32, #tpu.memory_space<vmem>>, vector<16xf32>,
        %add3A_738 = arith.addf %add3A_702, %get3A_737 : vector<16xf32>
        %add3A_739 = arith.constant 7 : i32
        %add3A_740 = arith.addi %mul3A_458, %add3A_739 : i32
        %get3A_741 = arith.constant 1 : i32
        %get3A_742 = arith.index_cast %get3A_741 : i32 to index
        %get3A_743 = arith.index_cast %select_n3A : i32 to index
        %get3A_744 = arith.index_cast %add3A_740 : i32 to index
        %get3A_745 = arith.constant 32 : index
        %get3A_746 = tpu.vector_load %arg8[%get3A_742, %get3A_743, %get3A_744, %get3A_745] {strides = array<i32>} : memref<2x4x80x64xf32, #tpu.memory_space<vmem>>, vector<16xf32>,
        %add3A_747 = arith.addf %add3A_711, %get3A_746 : vector<16xf32>
        %add3A_748 = arith.constant 7 : i32
        %add3A_749 = arith.addi %mul3A_458, %add3A_748 : i32
        %get3A_750 = arith.constant 1 : i32
        %get3A_751 = arith.index_cast %get3A_750 : i32 to index
        %get3A_752 = arith.index_cast %select_n3A : i32 to index
        %get3A_753 = arith.index_cast %add3A_749 : i32 to index
        %get3A_754 = arith.constant 48 : index
        %get3A_755 = tpu.vector_load %arg8[%get3A_751, %get3A_752, %get3A_753, %get3A_754] {strides = array<i32>} : memref<2x4x80x64xf32, #tpu.memory_space<vmem>>, vector<16xf32>,
        %add3A_756 = arith.addf %add3A_720, %get3A_755 : vector<16xf32>
        %add3A_757 = arith.constant 8 : i32
        %add3A_758 = arith.addi %mul3A_458, %add3A_757 : i32
        %get3A_759 = arith.constant 1 : i32
        %get3A_760 = arith.index_cast %get3A_759 : i32 to index
        %get3A_761 = arith.index_cast %select_n3A : i32 to index
        %get3A_762 = arith.index_cast %add3A_758 : i32 to index
        %get3A_763 = arith.constant 0 : index
        %get3A_764 = tpu.vector_load %arg8[%get3A_760, %get3A_761, %get3A_762, %get3A_763] {strides = array<i32>} : memref<2x4x80x64xf32, #tpu.memory_space<vmem>>, vector<16xf32>,
        %add3A_765 = arith.addf %add3A_729, %get3A_764 : vector<16xf32>
        %add3A_766 = arith.constant 8 : i32
        %add3A_767 = arith.addi %mul3A_458, %add3A_766 : i32
        %get3A_768 = arith.constant 1 : i32
        %get3A_769 = arith.index_cast %get3A_768 : i32 to index
        %get3A_770 = arith.index_cast %select_n3A : i32 to index
        %get3A_771 = arith.index_cast %add3A_767 : i32 to index
        %get3A_772 = arith.constant 16 : index
        %get3A_773 = tpu.vector_load %arg8[%get3A_769, %get3A_770, %get3A_771, %get3A_772] {strides = array<i32>} : memref<2x4x80x64xf32, #tpu.memory_space<vmem>>, vector<16xf32>,
        %add3A_774 = arith.addf %add3A_738, %get3A_773 : vector<16xf32>
        %add3A_775 = arith.constant 8 : i32
        %add3A_776 = arith.addi %mul3A_458, %add3A_775 : i32
        %get3A_777 = arith.constant 1 : i32
        %get3A_778 = arith.index_cast %get3A_777 : i32 to index
        %get3A_779 = arith.index_cast %select_n3A : i32 to index
        %get3A_780 = arith.index_cast %add3A_776 : i32 to index
        %get3A_781 = arith.constant 32 : index
        %get3A_782 = tpu.vector_load %arg8[%get3A_778, %get3A_779, %get3A_780, %get3A_781] {strides = array<i32>} : memref<2x4x80x64xf32, #tpu.memory_space<vmem>>, vector<16xf32>,
        %add3A_783 = arith.addf %add3A_747, %get3A_782 : vector<16xf32>
        %add3A_784 = arith.constant 8 : i32
        %add3A_785 = arith.addi %mul3A_458, %add3A_784 : i32
        %get3A_786 = arith.constant 1 : i32
        %get3A_787 = arith.index_cast %get3A_786 : i32 to index
        %get3A_788 = arith.index_cast %select_n3A : i32 to index
        %get3A_789 = arith.index_cast %add3A_785 : i32 to index
        %get3A_790 = arith.constant 48 : index
        %get3A_791 = tpu.vector_load %arg8[%get3A_787, %get3A_788, %get3A_789, %get3A_790] {strides = array<i32>} : memref<2x4x80x64xf32, #tpu.memory_space<vmem>>, vector<16xf32>,
        %add3A_792 = arith.addf %add3A_756, %get3A_791 : vector<16xf32>
        %add3A_793 = arith.constant 9 : i32
        %add3A_794 = arith.addi %mul3A_458, %add3A_793 : i32
        %get3A_795 = arith.constant 1 : i32
        %get3A_796 = arith.index_cast %get3A_795 : i32 to index
        %get3A_797 = arith.index_cast %select_n3A : i32 to index
        %get3A_798 = arith.index_cast %add3A_794 : i32 to index
        %get3A_799 = arith.constant 0 : index
        %get3A_800 = tpu.vector_load %arg8[%get3A_796, %get3A_797, %get3A_798, %get3A_799] {strides = array<i32>} : memref<2x4x80x64xf32, #tpu.memory_space<vmem>>, vector<16xf32>,
        %add3A_801 = arith.addf %add3A_765, %get3A_800 : vector<16xf32>
        %add3A_802 = arith.constant 9 : i32
        %add3A_803 = arith.addi %mul3A_458, %add3A_802 : i32
        %get3A_804 = arith.constant 1 : i32
        %get3A_805 = arith.index_cast %get3A_804 : i32 to index
        %get3A_806 = arith.index_cast %select_n3A : i32 to index
        %get3A_807 = arith.index_cast %add3A_803 : i32 to index
        %get3A_808 = arith.constant 16 : index
        %get3A_809 = tpu.vector_load %arg8[%get3A_805, %get3A_806, %get3A_807, %get3A_808] {strides = array<i32>} : memref<2x4x80x64xf32, #tpu.memory_space<vmem>>, vector<16xf32>,
        %add3A_810 = arith.addf %add3A_774, %get3A_809 : vector<16xf32>
        %add3A_811 = arith.constant 9 : i32
        %add3A_812 = arith.addi %mul3A_458, %add3A_811 : i32
        %get3A_813 = arith.constant 1 : i32
        %get3A_814 = arith.index_cast %get3A_813 : i32 to index
        %get3A_815 = arith.index_cast %select_n3A : i32 to index
        %get3A_816 = arith.index_cast %add3A_812 : i32 to index
        %get3A_817 = arith.constant 32 : index
        %get3A_818 = tpu.vector_load %arg8[%get3A_814, %get3A_815, %get3A_816, %get3A_817] {strides = array<i32>} : memref<2x4x80x64xf32, #tpu.memory_space<vmem>>, vector<16xf32>,
        %add3A_819 = arith.addf %add3A_783, %get3A_818 : vector<16xf32>
        %add3A_820 = arith.constant 9 : i32
        %add3A_821 = arith.addi %mul3A_458, %add3A_820 : i32
        %get3A_822 = arith.constant 1 : i32
        %get3A_823 = arith.index_cast %get3A_822 : i32 to index
        %get3A_824 = arith.index_cast %select_n3A : i32 to index
        %get3A_825 = arith.index_cast %add3A_821 : i32 to index
        %get3A_826 = arith.constant 48 : index
        %get3A_827 = tpu.vector_load %arg8[%get3A_823, %get3A_824, %get3A_825, %get3A_826] {strides = array<i32>} : memref<2x4x80x64xf32, #tpu.memory_space<vmem>>, vector<16xf32>,
        %add3A_828 = arith.addf %add3A_792, %get3A_827 : vector<16xf32>
        %add3A_829 = arith.constant 10 : i32
        %add3A_830 = arith.addi %mul3A_458, %add3A_829 : i32
        %get3A_831 = arith.constant 1 : i32
        %get3A_832 = arith.index_cast %get3A_831 : i32 to index
        %get3A_833 = arith.index_cast %select_n3A : i32 to index
        %get3A_834 = arith.index_cast %add3A_830 : i32 to index
        %get3A_835 = arith.constant 0 : index
        %get3A_836 = tpu.vector_load %arg8[%get3A_832, %get3A_833, %get3A_834, %get3A_835] {strides = array<i32>} : memref<2x4x80x64xf32, #tpu.memory_space<vmem>>, vector<16xf32>,
        %add3A_837 = arith.addf %add3A_801, %get3A_836 : vector<16xf32>
        %add3A_838 = arith.constant 10 : i32
        %add3A_839 = arith.addi %mul3A_458, %add3A_838 : i32
        %get3A_840 = arith.constant 1 : i32
        %get3A_841 = arith.index_cast %get3A_840 : i32 to index
        %get3A_842 = arith.index_cast %select_n3A : i32 to index
        %get3A_843 = arith.index_cast %add3A_839 : i32 to index
        %get3A_844 = arith.constant 16 : index
        %get3A_845 = tpu.vector_load %arg8[%get3A_841, %get3A_842, %get3A_843, %get3A_844] {strides = array<i32>} : memref<2x4x80x64xf32, #tpu.memory_space<vmem>>, vector<16xf32>,
        %add3A_846 = arith.addf %add3A_810, %get3A_845 : vector<16xf32>
        %add3A_847 = arith.constant 10 : i32
        %add3A_848 = arith.addi %mul3A_458, %add3A_847 : i32
        %get3A_849 = arith.constant 1 : i32
        %get3A_850 = arith.index_cast %get3A_849 : i32 to index
        %get3A_851 = arith.index_cast %select_n3A : i32 to index
        %get3A_852 = arith.index_cast %add3A_848 : i32 to index
        %get3A_853 = arith.constant 32 : index
        %get3A_854 = tpu.vector_load %arg8[%get3A_850, %get3A_851, %get3A_852, %get3A_853] {strides = array<i32>} : memref<2x4x80x64xf32, #tpu.memory_space<vmem>>, vector<16xf32>,
        %add3A_855 = arith.addf %add3A_819, %get3A_854 : vector<16xf32>
        %add3A_856 = arith.constant 10 : i32
        %add3A_857 = arith.addi %mul3A_458, %add3A_856 : i32
        %get3A_858 = arith.constant 1 : i32
        %get3A_859 = arith.index_cast %get3A_858 : i32 to index
        %get3A_860 = arith.index_cast %select_n3A : i32 to index
        %get3A_861 = arith.index_cast %add3A_857 : i32 to index
        %get3A_862 = arith.constant 48 : index
        %get3A_863 = tpu.vector_load %arg8[%get3A_859, %get3A_860, %get3A_861, %get3A_862] {strides = array<i32>} : memref<2x4x80x64xf32, #tpu.memory_space<vmem>>, vector<16xf32>,
        %add3A_864 = arith.addf %add3A_828, %get3A_863 : vector<16xf32>
        %add3A_865 = arith.constant 11 : i32
        %add3A_866 = arith.addi %mul3A_458, %add3A_865 : i32
        %get3A_867 = arith.constant 1 : i32
        %get3A_868 = arith.index_cast %get3A_867 : i32 to index
        %get3A_869 = arith.index_cast %select_n3A : i32 to index
        %get3A_870 = arith.index_cast %add3A_866 : i32 to index
        %get3A_871 = arith.constant 0 : index
        %get3A_872 = tpu.vector_load %arg8[%get3A_868, %get3A_869, %get3A_870, %get3A_871] {strides = array<i32>} : memref<2x4x80x64xf32, #tpu.memory_space<vmem>>, vector<16xf32>,
        %add3A_873 = arith.addf %add3A_837, %get3A_872 : vector<16xf32>
        %add3A_874 = arith.constant 11 : i32
        %add3A_875 = arith.addi %mul3A_458, %add3A_874 : i32
        %get3A_876 = arith.constant 1 : i32
        %get3A_877 = arith.index_cast %get3A_876 : i32 to index
        %get3A_878 = arith.index_cast %select_n3A : i32 to index
        %get3A_879 = arith.index_cast %add3A_875 : i32 to index
        %get3A_880 = arith.constant 16 : index
        %get3A_881 = tpu.vector_load %arg8[%get3A_877, %get3A_878, %get3A_879, %get3A_880] {strides = array<i32>} : memref<2x4x80x64xf32, #tpu.memory_space<vmem>>, vector<16xf32>,
        %add3A_882 = arith.addf %add3A_846, %get3A_881 : vector<16xf32>
        %add3A_883 = arith.constant 11 : i32
        %add3A_884 = arith.addi %mul3A_458, %add3A_883 : i32
        %get3A_885 = arith.constant 1 : i32
        %get3A_886 = arith.index_cast %get3A_885 : i32 to index
        %get3A_887 = arith.index_cast %select_n3A : i32 to index
        %get3A_888 = arith.index_cast %add3A_884 : i32 to index
        %get3A_889 = arith.constant 32 : index
        %get3A_890 = tpu.vector_load %arg8[%get3A_886, %get3A_887, %get3A_888, %get3A_889] {strides = array<i32>} : memref<2x4x80x64xf32, #tpu.memory_space<vmem>>, vector<16xf32>,
        %add3A_891 = arith.addf %add3A_855, %get3A_890 : vector<16xf32>
        %add3A_892 = arith.constant 11 : i32
        %add3A_893 = arith.addi %mul3A_458, %add3A_892 : i32
        %get3A_894 = arith.constant 1 : i32
        %get3A_895 = arith.index_cast %get3A_894 : i32 to index
        %get3A_896 = arith.index_cast %select_n3A : i32 to index
        %get3A_897 = arith.index_cast %add3A_893 : i32 to index
        %get3A_898 = arith.constant 48 : index
        %get3A_899 = tpu.vector_load %arg8[%get3A_895, %get3A_896, %get3A_897, %get3A_898] {strides = array<i32>} : memref<2x4x80x64xf32, #tpu.memory_space<vmem>>, vector<16xf32>,
        %add3A_900 = arith.addf %add3A_864, %get3A_899 : vector<16xf32>
        %add3A_901 = arith.constant 12 : i32
        %add3A_902 = arith.addi %mul3A_458, %add3A_901 : i32
        %get3A_903 = arith.constant 1 : i32
        %get3A_904 = arith.index_cast %get3A_903 : i32 to index
        %get3A_905 = arith.index_cast %select_n3A : i32 to index
        %get3A_906 = arith.index_cast %add3A_902 : i32 to index
        %get3A_907 = arith.constant 0 : index
        %get3A_908 = tpu.vector_load %arg8[%get3A_904, %get3A_905, %get3A_906, %get3A_907] {strides = array<i32>} : memref<2x4x80x64xf32, #tpu.memory_space<vmem>>, vector<16xf32>,
        %add3A_909 = arith.addf %add3A_873, %get3A_908 : vector<16xf32>
        %add3A_910 = arith.constant 12 : i32
        %add3A_911 = arith.addi %mul3A_458, %add3A_910 : i32
        %get3A_912 = arith.constant 1 : i32
        %get3A_913 = arith.index_cast %get3A_912 : i32 to index
        %get3A_914 = arith.index_cast %select_n3A : i32 to index
        %get3A_915 = arith.index_cast %add3A_911 : i32 to index
        %get3A_916 = arith.constant 16 : index
        %get3A_917 = tpu.vector_load %arg8[%get3A_913, %get3A_914, %get3A_915, %get3A_916] {strides = array<i32>} : memref<2x4x80x64xf32, #tpu.memory_space<vmem>>, vector<16xf32>,
        %add3A_918 = arith.addf %add3A_882, %get3A_917 : vector<16xf32>
        %add3A_919 = arith.constant 12 : i32
        %add3A_920 = arith.addi %mul3A_458, %add3A_919 : i32
        %get3A_921 = arith.constant 1 : i32
        %get3A_922 = arith.index_cast %get3A_921 : i32 to index
        %get3A_923 = arith.index_cast %select_n3A : i32 to index
        %get3A_924 = arith.index_cast %add3A_920 : i32 to index
        %get3A_925 = arith.constant 32 : index
        %get3A_926 = tpu.vector_load %arg8[%get3A_922, %get3A_923, %get3A_924, %get3A_925] {strides = array<i32>} : memref<2x4x80x64xf32, #tpu.memory_space<vmem>>, vector<16xf32>,
        %add3A_927 = arith.addf %add3A_891, %get3A_926 : vector<16xf32>
        %add3A_928 = arith.constant 12 : i32
        %add3A_929 = arith.addi %mul3A_458, %add3A_928 : i32
        %get3A_930 = arith.constant 1 : i32
        %get3A_931 = arith.index_cast %get3A_930 : i32 to index
        %get3A_932 = arith.index_cast %select_n3A : i32 to index
        %get3A_933 = arith.index_cast %add3A_929 : i32 to index
        %get3A_934 = arith.constant 48 : index
        %get3A_935 = tpu.vector_load %arg8[%get3A_931, %get3A_932, %get3A_933, %get3A_934] {strides = array<i32>} : memref<2x4x80x64xf32, #tpu.memory_space<vmem>>, vector<16xf32>,
        %add3A_936 = arith.addf %add3A_900, %get3A_935 : vector<16xf32>
        %add3A_937 = arith.constant 13 : i32
        %add3A_938 = arith.addi %mul3A_458, %add3A_937 : i32
        %get3A_939 = arith.constant 1 : i32
        %get3A_940 = arith.index_cast %get3A_939 : i32 to index
        %get3A_941 = arith.index_cast %select_n3A : i32 to index
        %get3A_942 = arith.index_cast %add3A_938 : i32 to index
        %get3A_943 = arith.constant 0 : index
        %get3A_944 = tpu.vector_load %arg8[%get3A_940, %get3A_941, %get3A_942, %get3A_943] {strides = array<i32>} : memref<2x4x80x64xf32, #tpu.memory_space<vmem>>, vector<16xf32>,
        %add3A_945 = arith.addf %add3A_909, %get3A_944 : vector<16xf32>
        %add3A_946 = arith.constant 13 : i32
        %add3A_947 = arith.addi %mul3A_458, %add3A_946 : i32
        %get3A_948 = arith.constant 1 : i32
        %get3A_949 = arith.index_cast %get3A_948 : i32 to index
        %get3A_950 = arith.index_cast %select_n3A : i32 to index
        %get3A_951 = arith.index_cast %add3A_947 : i32 to index
        %get3A_952 = arith.constant 16 : index
        %get3A_953 = tpu.vector_load %arg8[%get3A_949, %get3A_950, %get3A_951, %get3A_952] {strides = array<i32>} : memref<2x4x80x64xf32, #tpu.memory_space<vmem>>, vector<16xf32>,
        %add3A_954 = arith.addf %add3A_918, %get3A_953 : vector<16xf32>
        %add3A_955 = arith.constant 13 : i32
        %add3A_956 = arith.addi %mul3A_458, %add3A_955 : i32
        %get3A_957 = arith.constant 1 : i32
        %get3A_958 = arith.index_cast %get3A_957 : i32 to index
        %get3A_959 = arith.index_cast %select_n3A : i32 to index
        %get3A_960 = arith.index_cast %add3A_956 : i32 to index
        %get3A_961 = arith.constant 32 : index
        %get3A_962 = tpu.vector_load %arg8[%get3A_958, %get3A_959, %get3A_960, %get3A_961] {strides = array<i32>} : memref<2x4x80x64xf32, #tpu.memory_space<vmem>>, vector<16xf32>,
        %add3A_963 = arith.addf %add3A_927, %get3A_962 : vector<16xf32>
        %add3A_964 = arith.constant 13 : i32
        %add3A_965 = arith.addi %mul3A_458, %add3A_964 : i32
        %get3A_966 = arith.constant 1 : i32
        %get3A_967 = arith.index_cast %get3A_966 : i32 to index
        %get3A_968 = arith.index_cast %select_n3A : i32 to index
        %get3A_969 = arith.index_cast %add3A_965 : i32 to index
        %get3A_970 = arith.constant 48 : index
        %get3A_971 = tpu.vector_load %arg8[%get3A_967, %get3A_968, %get3A_969, %get3A_970] {strides = array<i32>} : memref<2x4x80x64xf32, #tpu.memory_space<vmem>>, vector<16xf32>,
        %add3A_972 = arith.addf %add3A_936, %get3A_971 : vector<16xf32>
        %add3A_973 = arith.constant 14 : i32
        %add3A_974 = arith.addi %mul3A_458, %add3A_973 : i32
        %get3A_975 = arith.constant 1 : i32
        %get3A_976 = arith.index_cast %get3A_975 : i32 to index
        %get3A_977 = arith.index_cast %select_n3A : i32 to index
        %get3A_978 = arith.index_cast %add3A_974 : i32 to index
        %get3A_979 = arith.constant 0 : index
        %get3A_980 = tpu.vector_load %arg8[%get3A_976, %get3A_977, %get3A_978, %get3A_979] {strides = array<i32>} : memref<2x4x80x64xf32, #tpu.memory_space<vmem>>, vector<16xf32>,
        %add3A_981 = arith.addf %add3A_945, %get3A_980 : vector<16xf32>
        %add3A_982 = arith.constant 14 : i32
        %add3A_983 = arith.addi %mul3A_458, %add3A_982 : i32
        %get3A_984 = arith.constant 1 : i32
        %get3A_985 = arith.index_cast %get3A_984 : i32 to index
        %get3A_986 = arith.index_cast %select_n3A : i32 to index
        %get3A_987 = arith.index_cast %add3A_983 : i32 to index
        %get3A_988 = arith.constant 16 : index
        %get3A_989 = tpu.vector_load %arg8[%get3A_985, %get3A_986, %get3A_987, %get3A_988] {strides = array<i32>} : memref<2x4x80x64xf32, #tpu.memory_space<vmem>>, vector<16xf32>,
        %add3A_990 = arith.addf %add3A_954, %get3A_989 : vector<16xf32>
        %add3A_991 = arith.constant 14 : i32
        %add3A_992 = arith.addi %mul3A_458, %add3A_991 : i32
        %get3A_993 = arith.constant 1 : i32
        %get3A_994 = arith.index_cast %get3A_993 : i32 to index
        %get3A_995 = arith.index_cast %select_n3A : i32 to index
        %get3A_996 = arith.index_cast %add3A_992 : i32 to index
        %get3A_997 = arith.constant 32 : index
        %get3A_998 = tpu.vector_load %arg8[%get3A_994, %get3A_995, %get3A_996, %get3A_997] {strides = array<i32>} : memref<2x4x80x64xf32, #tpu.memory_space<vmem>>, vector<16xf32>,
        %add3A_999 = arith.addf %add3A_963, %get3A_998 : vector<16xf32>
        %add3A_1000 = arith.constant 14 : i32
        %add3A_1001 = arith.addi %mul3A_458, %add3A_1000 : i32
        %get3A_1002 = arith.constant 1 : i32
        %get3A_1003 = arith.index_cast %get3A_1002 : i32 to index
        %get3A_1004 = arith.index_cast %select_n3A : i32 to index
        %get3A_1005 = arith.index_cast %add3A_1001 : i32 to index
        %get3A_1006 = arith.constant 48 : index
        %get3A_1007 = tpu.vector_load %arg8[%get3A_1003, %get3A_1004, %get3A_1005, %get3A_1006] {strides = array<i32>} : memref<2x4x80x64xf32, #tpu.memory_space<vmem>>, vector<16xf32>,
        %add3A_1008 = arith.addf %add3A_972, %get3A_1007 : vector<16xf32>
        %add3A_1009 = arith.constant 15 : i32
        %add3A_1010 = arith.addi %mul3A_458, %add3A_1009 : i32
        %get3A_1011 = arith.constant 1 : i32
        %get3A_1012 = arith.index_cast %get3A_1011 : i32 to index
        %get3A_1013 = arith.index_cast %select_n3A : i32 to index
        %get3A_1014 = arith.index_cast %add3A_1010 : i32 to index
        %get3A_1015 = arith.constant 0 : index
        %get3A_1016 = tpu.vector_load %arg8[%get3A_1012, %get3A_1013, %get3A_1014, %get3A_1015] {strides = array<i32>} : memref<2x4x80x64xf32, #tpu.memory_space<vmem>>, vector<16xf32>,
        %add3A_1017 = arith.addf %add3A_981, %get3A_1016 : vector<16xf32>
        %add3A_1018 = arith.constant 15 : i32
        %add3A_1019 = arith.addi %mul3A_458, %add3A_1018 : i32
        %get3A_1020 = arith.constant 1 : i32
        %get3A_1021 = arith.index_cast %get3A_1020 : i32 to index
        %get3A_1022 = arith.index_cast %select_n3A : i32 to index
        %get3A_1023 = arith.index_cast %add3A_1019 : i32 to index
        %get3A_1024 = arith.constant 16 : index
        %get3A_1025 = tpu.vector_load %arg8[%get3A_1021, %get3A_1022, %get3A_1023, %get3A_1024] {strides = array<i32>} : memref<2x4x80x64xf32, #tpu.memory_space<vmem>>, vector<16xf32>,
        %add3A_1026 = arith.addf %add3A_990, %get3A_1025 : vector<16xf32>
        %add3A_1027 = arith.constant 15 : i32
        %add3A_1028 = arith.addi %mul3A_458, %add3A_1027 : i32
        %get3A_1029 = arith.constant 1 : i32
        %get3A_1030 = arith.index_cast %get3A_1029 : i32 to index
        %get3A_1031 = arith.index_cast %select_n3A : i32 to index
        %get3A_1032 = arith.index_cast %add3A_1028 : i32 to index
        %get3A_1033 = arith.constant 32 : index
        %get3A_1034 = tpu.vector_load %arg8[%get3A_1030, %get3A_1031, %get3A_1032, %get3A_1033] {strides = array<i32>} : memref<2x4x80x64xf32, #tpu.memory_space<vmem>>, vector<16xf32>,
        %add3A_1035 = arith.addf %add3A_999, %get3A_1034 : vector<16xf32>
        %add3A_1036 = arith.constant 15 : i32
        %add3A_1037 = arith.addi %mul3A_458, %add3A_1036 : i32
        %get3A_1038 = arith.constant 1 : i32
        %get3A_1039 = arith.index_cast %get3A_1038 : i32 to index
        %get3A_1040 = arith.index_cast %select_n3A : i32 to index
        %get3A_1041 = arith.index_cast %add3A_1037 : i32 to index
        %get3A_1042 = arith.constant 48 : index
        %get3A_1043 = tpu.vector_load %arg8[%get3A_1039, %get3A_1040, %get3A_1041, %get3A_1042] {strides = array<i32>} : memref<2x4x80x64xf32, #tpu.memory_space<vmem>>, vector<16xf32>,
        %add3A_1044 = arith.addf %add3A_1008, %get3A_1043 : vector<16xf32>
        %add3A_1045 = arith.constant 16 : i32
        %add3A_1046 = arith.addi %mul3A_458, %add3A_1045 : i32
        %get3A_1047 = arith.constant 1 : i32
        %get3A_1048 = arith.index_cast %get3A_1047 : i32 to index
        %get3A_1049 = arith.index_cast %select_n3A : i32 to index
        %get3A_1050 = arith.index_cast %add3A_1046 : i32 to index
        %get3A_1051 = arith.constant 0 : index
        %get3A_1052 = tpu.vector_load %arg8[%get3A_1048, %get3A_1049, %get3A_1050, %get3A_1051] {strides = array<i32>} : memref<2x4x80x64xf32, #tpu.memory_space<vmem>>, vector<16xf32>,
        %add3A_1053 = arith.addf %add3A_1017, %get3A_1052 : vector<16xf32>
        %add3A_1054 = arith.constant 16 : i32
        %add3A_1055 = arith.addi %mul3A_458, %add3A_1054 : i32
        %get3A_1056 = arith.constant 1 : i32
        %get3A_1057 = arith.index_cast %get3A_1056 : i32 to index
        %get3A_1058 = arith.index_cast %select_n3A : i32 to index
        %get3A_1059 = arith.index_cast %add3A_1055 : i32 to index
        %get3A_1060 = arith.constant 16 : index
        %get3A_1061 = tpu.vector_load %arg8[%get3A_1057, %get3A_1058, %get3A_1059, %get3A_1060] {strides = array<i32>} : memref<2x4x80x64xf32, #tpu.memory_space<vmem>>, vector<16xf32>,
        %add3A_1062 = arith.addf %add3A_1026, %get3A_1061 : vector<16xf32>
        %add3A_1063 = arith.constant 16 : i32
        %add3A_1064 = arith.addi %mul3A_458, %add3A_1063 : i32
        %get3A_1065 = arith.constant 1 : i32
        %get3A_1066 = arith.index_cast %get3A_1065 : i32 to index
        %get3A_1067 = arith.index_cast %select_n3A : i32 to index
        %get3A_1068 = arith.index_cast %add3A_1064 : i32 to index
        %get3A_1069 = arith.constant 32 : index
        %get3A_1070 = tpu.vector_load %arg8[%get3A_1066, %get3A_1067, %get3A_1068, %get3A_1069] {strides = array<i32>} : memref<2x4x80x64xf32, #tpu.memory_space<vmem>>, vector<16xf32>,
        %add3A_1071 = arith.addf %add3A_1035, %get3A_1070 : vector<16xf32>
        %add3A_1072 = arith.constant 16 : i32
        %add3A_1073 = arith.addi %mul3A_458, %add3A_1072 : i32
        %get3A_1074 = arith.constant 1 : i32
        %get3A_1075 = arith.index_cast %get3A_1074 : i32 to index
        %get3A_1076 = arith.index_cast %select_n3A : i32 to index
        %get3A_1077 = arith.index_cast %add3A_1073 : i32 to index
        %get3A_1078 = arith.constant 48 : index
        %get3A_1079 = tpu.vector_load %arg8[%get3A_1075, %get3A_1076, %get3A_1077, %get3A_1078] {strides = array<i32>} : memref<2x4x80x64xf32, #tpu.memory_space<vmem>>, vector<16xf32>,
        %add3A_1080 = arith.addf %add3A_1044, %get3A_1079 : vector<16xf32>
        %add3A_1081 = arith.constant 17 : i32
        %add3A_1082 = arith.addi %mul3A_458, %add3A_1081 : i32
        %get3A_1083 = arith.constant 1 : i32
        %get3A_1084 = arith.index_cast %get3A_1083 : i32 to index
        %get3A_1085 = arith.index_cast %select_n3A : i32 to index
        %get3A_1086 = arith.index_cast %add3A_1082 : i32 to index
        %get3A_1087 = arith.constant 0 : index
        %get3A_1088 = tpu.vector_load %arg8[%get3A_1084, %get3A_1085, %get3A_1086, %get3A_1087] {strides = array<i32>} : memref<2x4x80x64xf32, #tpu.memory_space<vmem>>, vector<16xf32>,
        %add3A_1089 = arith.addf %add3A_1053, %get3A_1088 : vector<16xf32>
        %add3A_1090 = arith.constant 17 : i32
        %add3A_1091 = arith.addi %mul3A_458, %add3A_1090 : i32
        %get3A_1092 = arith.constant 1 : i32
        %get3A_1093 = arith.index_cast %get3A_1092 : i32 to index
        %get3A_1094 = arith.index_cast %select_n3A : i32 to index
        %get3A_1095 = arith.index_cast %add3A_1091 : i32 to index
        %get3A_1096 = arith.constant 16 : index
        %get3A_1097 = tpu.vector_load %arg8[%get3A_1093, %get3A_1094, %get3A_1095, %get3A_1096] {strides = array<i32>} : memref<2x4x80x64xf32, #tpu.memory_space<vmem>>, vector<16xf32>,
        %add3A_1098 = arith.addf %add3A_1062, %get3A_1097 : vector<16xf32>
        %add3A_1099 = arith.constant 17 : i32
        %add3A_1100 = arith.addi %mul3A_458, %add3A_1099 : i32
        %get3A_1101 = arith.constant 1 : i32
        %get3A_1102 = arith.index_cast %get3A_1101 : i32 to index
        %get3A_1103 = arith.index_cast %select_n3A : i32 to index
        %get3A_1104 = arith.index_cast %add3A_1100 : i32 to index
        %get3A_1105 = arith.constant 32 : index
        %get3A_1106 = tpu.vector_load %arg8[%get3A_1102, %get3A_1103, %get3A_1104, %get3A_1105] {strides = array<i32>} : memref<2x4x80x64xf32, #tpu.memory_space<vmem>>, vector<16xf32>,
        %add3A_1107 = arith.addf %add3A_1071, %get3A_1106 : vector<16xf32>
        %add3A_1108 = arith.constant 17 : i32
        %add3A_1109 = arith.addi %mul3A_458, %add3A_1108 : i32
        %get3A_1110 = arith.constant 1 : i32
        %get3A_1111 = arith.index_cast %get3A_1110 : i32 to index
        %get3A_1112 = arith.index_cast %select_n3A : i32 to index
        %get3A_1113 = arith.index_cast %add3A_1109 : i32 to index
        %get3A_1114 = arith.constant 48 : index
        %get3A_1115 = tpu.vector_load %arg8[%get3A_1111, %get3A_1112, %get3A_1113, %get3A_1114] {strides = array<i32>} : memref<2x4x80x64xf32, #tpu.memory_space<vmem>>, vector<16xf32>,
        %add3A_1116 = arith.addf %add3A_1080, %get3A_1115 : vector<16xf32>
        %add3A_1117 = arith.constant 18 : i32
        %add3A_1118 = arith.addi %mul3A_458, %add3A_1117 : i32
        %get3A_1119 = arith.constant 1 : i32
        %get3A_1120 = arith.index_cast %get3A_1119 : i32 to index
        %get3A_1121 = arith.index_cast %select_n3A : i32 to index
        %get3A_1122 = arith.index_cast %add3A_1118 : i32 to index
        %get3A_1123 = arith.constant 0 : index
        %get3A_1124 = tpu.vector_load %arg8[%get3A_1120, %get3A_1121, %get3A_1122, %get3A_1123] {strides = array<i32>} : memref<2x4x80x64xf32, #tpu.memory_space<vmem>>, vector<16xf32>,
        %add3A_1125 = arith.addf %add3A_1089, %get3A_1124 : vector<16xf32>
        %add3A_1126 = arith.constant 18 : i32
        %add3A_1127 = arith.addi %mul3A_458, %add3A_1126 : i32
        %get3A_1128 = arith.constant 1 : i32
        %get3A_1129 = arith.index_cast %get3A_1128 : i32 to index
        %get3A_1130 = arith.index_cast %select_n3A : i32 to index
        %get3A_1131 = arith.index_cast %add3A_1127 : i32 to index
        %get3A_1132 = arith.constant 16 : index
        %get3A_1133 = tpu.vector_load %arg8[%get3A_1129, %get3A_1130, %get3A_1131, %get3A_1132] {strides = array<i32>} : memref<2x4x80x64xf32, #tpu.memory_space<vmem>>, vector<16xf32>,
        %add3A_1134 = arith.addf %add3A_1098, %get3A_1133 : vector<16xf32>
        %add3A_1135 = arith.constant 18 : i32
        %add3A_1136 = arith.addi %mul3A_458, %add3A_1135 : i32
        %get3A_1137 = arith.constant 1 : i32
        %get3A_1138 = arith.index_cast %get3A_1137 : i32 to index
        %get3A_1139 = arith.index_cast %select_n3A : i32 to index
        %get3A_1140 = arith.index_cast %add3A_1136 : i32 to index
        %get3A_1141 = arith.constant 32 : index
        %get3A_1142 = tpu.vector_load %arg8[%get3A_1138, %get3A_1139, %get3A_1140, %get3A_1141] {strides = array<i32>} : memref<2x4x80x64xf32, #tpu.memory_space<vmem>>, vector<16xf32>,
        %add3A_1143 = arith.addf %add3A_1107, %get3A_1142 : vector<16xf32>
        %add3A_1144 = arith.constant 18 : i32
        %add3A_1145 = arith.addi %mul3A_458, %add3A_1144 : i32
        %get3A_1146 = arith.constant 1 : i32
        %get3A_1147 = arith.index_cast %get3A_1146 : i32 to index
        %get3A_1148 = arith.index_cast %select_n3A : i32 to index
        %get3A_1149 = arith.index_cast %add3A_1145 : i32 to index
        %get3A_1150 = arith.constant 48 : index
        %get3A_1151 = tpu.vector_load %arg8[%get3A_1147, %get3A_1148, %get3A_1149, %get3A_1150] {strides = array<i32>} : memref<2x4x80x64xf32, #tpu.memory_space<vmem>>, vector<16xf32>,
        %add3A_1152 = arith.addf %add3A_1116, %get3A_1151 : vector<16xf32>
        %add3A_1153 = arith.constant 19 : i32
        %add3A_1154 = arith.addi %mul3A_458, %add3A_1153 : i32
        %get3A_1155 = arith.constant 1 : i32
        %get3A_1156 = arith.index_cast %get3A_1155 : i32 to index
        %get3A_1157 = arith.index_cast %select_n3A : i32 to index
        %get3A_1158 = arith.index_cast %add3A_1154 : i32 to index
        %get3A_1159 = arith.constant 0 : index
        %get3A_1160 = tpu.vector_load %arg8[%get3A_1156, %get3A_1157, %get3A_1158, %get3A_1159] {strides = array<i32>} : memref<2x4x80x64xf32, #tpu.memory_space<vmem>>, vector<16xf32>,
        %add3A_1161 = arith.addf %add3A_1125, %get3A_1160 : vector<16xf32>
        %add3A_1162 = arith.constant 19 : i32
        %add3A_1163 = arith.addi %mul3A_458, %add3A_1162 : i32
        %get3A_1164 = arith.constant 1 : i32
        %get3A_1165 = arith.index_cast %get3A_1164 : i32 to index
        %get3A_1166 = arith.index_cast %select_n3A : i32 to index
        %get3A_1167 = arith.index_cast %add3A_1163 : i32 to index
        %get3A_1168 = arith.constant 16 : index
        %get3A_1169 = tpu.vector_load %arg8[%get3A_1165, %get3A_1166, %get3A_1167, %get3A_1168] {strides = array<i32>} : memref<2x4x80x64xf32, #tpu.memory_space<vmem>>, vector<16xf32>,
        %add3A_1170 = arith.addf %add3A_1134, %get3A_1169 : vector<16xf32>
        %add3A_1171 = arith.constant 19 : i32
        %add3A_1172 = arith.addi %mul3A_458, %add3A_1171 : i32
        %get3A_1173 = arith.constant 1 : i32
        %get3A_1174 = arith.index_cast %get3A_1173 : i32 to index
        %get3A_1175 = arith.index_cast %select_n3A : i32 to index
        %get3A_1176 = arith.index_cast %add3A_1172 : i32 to index
        %get3A_1177 = arith.constant 32 : index
        %get3A_1178 = tpu.vector_load %arg8[%get3A_1174, %get3A_1175, %get3A_1176, %get3A_1177] {strides = array<i32>} : memref<2x4x80x64xf32, #tpu.memory_space<vmem>>, vector<16xf32>,
        %add3A_1179 = arith.addf %add3A_1143, %get3A_1178 : vector<16xf32>
        %add3A_1180 = arith.constant 19 : i32
        %add3A_1181 = arith.addi %mul3A_458, %add3A_1180 : i32
        %get3A_1182 = arith.constant 1 : i32
        %get3A_1183 = arith.index_cast %get3A_1182 : i32 to index
        %get3A_1184 = arith.index_cast %select_n3A : i32 to index
        %get3A_1185 = arith.index_cast %add3A_1181 : i32 to index
        %get3A_1186 = arith.constant 48 : index
        %get3A_1187 = tpu.vector_load %arg8[%get3A_1183, %get3A_1184, %get3A_1185, %get3A_1186] {strides = array<i32>} : memref<2x4x80x64xf32, #tpu.memory_space<vmem>>, vector<16xf32>,
        %add3A_1188 = arith.addf %add3A_1152, %get3A_1187 : vector<16xf32>
        %broadcast_in_dim3A_1189 = arith.constant 0.000000e+00 : f32
        %broadcast_in_dim3A_1190 = vector.broadcast %broadcast_in_dim3A_1189 : f32 to vector<16xf32>
        %mul3A_1191 = arith.constant 64 : i32
        %mul3A_1192 = arith.muli %add3A_461, %mul3A_1191 : i32
        %add3A_1193 = arith.constant 0 : i32
        %add3A_1194 = arith.addi %mul3A_1192, %add3A_1193 : i32
        %get3A_1195 = arith.index_cast %add3A_1194 : i32 to index
        %get3A_1196 = tpu.vector_load %arg7[%get3A_1195] {strides = array<i32>} : memref<32768xf32, #tpu.memory_space<vmem>>, vector<16xf32>,
        %mul3A_1197 = arith.mulf %add3A_1161, %get3A_1196 : vector<16xf32>
        %add3A_1198 = arith.addf %broadcast_in_dim3A_1190, %mul3A_1197 : vector<16xf32>
        %mul3A_1199 = arith.constant 64 : i32
        %mul3A_1200 = arith.muli %add3A_461, %mul3A_1199 : i32
        %add3A_1201 = arith.constant 16 : i32
        %add3A_1202 = arith.addi %mul3A_1200, %add3A_1201 : i32
        %get3A_1203 = arith.index_cast %add3A_1202 : i32 to index
        %get3A_1204 = tpu.vector_load %arg7[%get3A_1203] {strides = array<i32>} : memref<32768xf32, #tpu.memory_space<vmem>>, vector<16xf32>,
        %mul3A_1205 = arith.mulf %add3A_1170, %get3A_1204 : vector<16xf32>
        %add3A_1206 = arith.addf %add3A_1198, %mul3A_1205 : vector<16xf32>
        %mul3A_1207 = arith.constant 64 : i32
        %mul3A_1208 = arith.muli %add3A_461, %mul3A_1207 : i32
        %add3A_1209 = arith.constant 32 : i32
        %add3A_1210 = arith.addi %mul3A_1208, %add3A_1209 : i32
        %get3A_1211 = arith.index_cast %add3A_1210 : i32 to index
        %get3A_1212 = tpu.vector_load %arg7[%get3A_1211] {strides = array<i32>} : memref<32768xf32, #tpu.memory_space<vmem>>, vector<16xf32>,
        %mul3A_1213 = arith.mulf %add3A_1179, %get3A_1212 : vector<16xf32>
        %add3A_1214 = arith.addf %add3A_1206, %mul3A_1213 : vector<16xf32>
        %mul3A_1215 = arith.constant 64 : i32
        %mul3A_1216 = arith.muli %add3A_461, %mul3A_1215 : i32
        %add3A_1217 = arith.constant 48 : i32
        %add3A_1218 = arith.addi %mul3A_1216, %add3A_1217 : i32
        %get3A_1219 = arith.index_cast %add3A_1218 : i32 to index
        %get3A_1220 = tpu.vector_load %arg7[%get3A_1219] {strides = array<i32>} : memref<32768xf32, #tpu.memory_space<vmem>>, vector<16xf32>,
        %mul3A_1221 = arith.mulf %add3A_1188, %get3A_1220 : vector<16xf32>
        %add3A_1222 = arith.addf %add3A_1214, %mul3A_1221 : vector<16xf32>
        %swap3A_1223 = arith.index_cast %scan3A_425 : i32 to index
        %swap3A_1224 = arith.constant 0 : index
        %swap3A_1225 = tpu.vector_load %arg9[%swap3A_1223, %swap3A_1224] {strides = array<i32>} : memref<16x16xf32, #tpu.memory_space<vmem>>, vector<16xf32>,
        tpu.vector_store %arg9[%swap3A_1223, %swap3A_1224], %add3A_1222 {strides = array<i32>} : memref<16x16xf32, #tpu.memory_space<vmem>>, vector<16xf32>,
      }
      %scan3A_344 = arith.constant 16 : i32
      %broadcast_in_dim3A_345 = arith.constant 0.000000e+00 : f32
      %broadcast_in_dim3A_346 = vector.broadcast %broadcast_in_dim3A_345 : f32 to vector<16xf32>
      %broadcast_in_dim3A_347 = arith.constant 0 : i32
      %broadcast_in_dim3A_348 = vector.broadcast %broadcast_in_dim3A_347 : i32 to vector<16xi32>
      %gather3A_349 = tpu.vector_load_idx %arg9[%iota3A, %broadcast_in_dim3A_348] : memref<16x16xf32, #tpu.memory_space<vmem>>[vector<16xi32>, vector<16xi32>], vector<16xf32>,
      %add3A_350 = arith.addf %broadcast_in_dim3A_346, %gather3A_349 : vector<16xf32>
      %broadcast_in_dim3A_351 = arith.constant 1 : i32
      %broadcast_in_dim3A_352 = vector.broadcast %broadcast_in_dim3A_351 : i32 to vector<16xi32>
      %gather3A_353 = tpu.vector_load_idx %arg9[%iota3A, %broadcast_in_dim3A_352] : memref<16x16xf32, #tpu.memory_space<vmem>>[vector<16xi32>, vector<16xi32>], vector<16xf32>,
      %add3A_354 = arith.addf %add3A_350, %gather3A_353 : vector<16xf32>
      %broadcast_in_dim3A_355 = arith.constant 2 : i32
      %broadcast_in_dim3A_356 = vector.broadcast %broadcast_in_dim3A_355 : i32 to vector<16xi32>
      %gather3A_357 = tpu.vector_load_idx %arg9[%iota3A, %broadcast_in_dim3A_356] : memref<16x16xf32, #tpu.memory_space<vmem>>[vector<16xi32>, vector<16xi32>], vector<16xf32>,
      %add3A_358 = arith.addf %add3A_354, %gather3A_357 : vector<16xf32>
      %broadcast_in_dim3A_359 = arith.constant 3 : i32
      %broadcast_in_dim3A_360 = vector.broadcast %broadcast_in_dim3A_359 : i32 to vector<16xi32>
      %gather3A_361 = tpu.vector_load_idx %arg9[%iota3A, %broadcast_in_dim3A_360] : memref<16x16xf32, #tpu.memory_space<vmem>>[vector<16xi32>, vector<16xi32>], vector<16xf32>,
      %add3A_362 = arith.addf %add3A_358, %gather3A_361 : vector<16xf32>
      %broadcast_in_dim3A_363 = arith.constant 4 : i32
      %broadcast_in_dim3A_364 = vector.broadcast %broadcast_in_dim3A_363 : i32 to vector<16xi32>
      %gather3A_365 = tpu.vector_load_idx %arg9[%iota3A, %broadcast_in_dim3A_364] : memref<16x16xf32, #tpu.memory_space<vmem>>[vector<16xi32>, vector<16xi32>], vector<16xf32>,
      %add3A_366 = arith.addf %add3A_362, %gather3A_365 : vector<16xf32>
      %broadcast_in_dim3A_367 = arith.constant 5 : i32
      %broadcast_in_dim3A_368 = vector.broadcast %broadcast_in_dim3A_367 : i32 to vector<16xi32>
      %gather3A_369 = tpu.vector_load_idx %arg9[%iota3A, %broadcast_in_dim3A_368] : memref<16x16xf32, #tpu.memory_space<vmem>>[vector<16xi32>, vector<16xi32>], vector<16xf32>,
      %add3A_370 = arith.addf %add3A_366, %gather3A_369 : vector<16xf32>
      %broadcast_in_dim3A_371 = arith.constant 6 : i32
      %broadcast_in_dim3A_372 = vector.broadcast %broadcast_in_dim3A_371 : i32 to vector<16xi32>
      %gather3A_373 = tpu.vector_load_idx %arg9[%iota3A, %broadcast_in_dim3A_372] : memref<16x16xf32, #tpu.memory_space<vmem>>[vector<16xi32>, vector<16xi32>], vector<16xf32>,
      %add3A_374 = arith.addf %add3A_370, %gather3A_373 : vector<16xf32>
      %broadcast_in_dim3A_375 = arith.constant 7 : i32
      %broadcast_in_dim3A_376 = vector.broadcast %broadcast_in_dim3A_375 : i32 to vector<16xi32>
      %gather3A_377 = tpu.vector_load_idx %arg9[%iota3A, %broadcast_in_dim3A_376] : memref<16x16xf32, #tpu.memory_space<vmem>>[vector<16xi32>, vector<16xi32>], vector<16xf32>,
      %add3A_378 = arith.addf %add3A_374, %gather3A_377 : vector<16xf32>
      %broadcast_in_dim3A_379 = arith.constant 8 : i32
      %broadcast_in_dim3A_380 = vector.broadcast %broadcast_in_dim3A_379 : i32 to vector<16xi32>
      %gather3A_381 = tpu.vector_load_idx %arg9[%iota3A, %broadcast_in_dim3A_380] : memref<16x16xf32, #tpu.memory_space<vmem>>[vector<16xi32>, vector<16xi32>], vector<16xf32>,
      %add3A_382 = arith.addf %add3A_378, %gather3A_381 : vector<16xf32>
      %broadcast_in_dim3A_383 = arith.constant 9 : i32
      %broadcast_in_dim3A_384 = vector.broadcast %broadcast_in_dim3A_383 : i32 to vector<16xi32>
      %gather3A_385 = tpu.vector_load_idx %arg9[%iota3A, %broadcast_in_dim3A_384] : memref<16x16xf32, #tpu.memory_space<vmem>>[vector<16xi32>, vector<16xi32>], vector<16xf32>,
      %add3A_386 = arith.addf %add3A_382, %gather3A_385 : vector<16xf32>
      %broadcast_in_dim3A_387 = arith.constant 10 : i32
      %broadcast_in_dim3A_388 = vector.broadcast %broadcast_in_dim3A_387 : i32 to vector<16xi32>
      %gather3A_389 = tpu.vector_load_idx %arg9[%iota3A, %broadcast_in_dim3A_388] : memref<16x16xf32, #tpu.memory_space<vmem>>[vector<16xi32>, vector<16xi32>], vector<16xf32>,
      %add3A_390 = arith.addf %add3A_386, %gather3A_389 : vector<16xf32>
      %broadcast_in_dim3A_391 = arith.constant 11 : i32
      %broadcast_in_dim3A_392 = vector.broadcast %broadcast_in_dim3A_391 : i32 to vector<16xi32>
      %gather3A_393 = tpu.vector_load_idx %arg9[%iota3A, %broadcast_in_dim3A_392] : memref<16x16xf32, #tpu.memory_space<vmem>>[vector<16xi32>, vector<16xi32>], vector<16xf32>,
      %add3A_394 = arith.addf %add3A_390, %gather3A_393 : vector<16xf32>
      %broadcast_in_dim3A_395 = arith.constant 12 : i32
      %broadcast_in_dim3A_396 = vector.broadcast %broadcast_in_dim3A_395 : i32 to vector<16xi32>
      %gather3A_397 = tpu.vector_load_idx %arg9[%iota3A, %broadcast_in_dim3A_396] : memref<16x16xf32, #tpu.memory_space<vmem>>[vector<16xi32>, vector<16xi32>], vector<16xf32>,
      %add3A_398 = arith.addf %add3A_394, %gather3A_397 : vector<16xf32>
      %broadcast_in_dim3A_399 = arith.constant 13 : i32
      %broadcast_in_dim3A_400 = vector.broadcast %broadcast_in_dim3A_399 : i32 to vector<16xi32>
      %gather3A_401 = tpu.vector_load_idx %arg9[%iota3A, %broadcast_in_dim3A_400] : memref<16x16xf32, #tpu.memory_space<vmem>>[vector<16xi32>, vector<16xi32>], vector<16xf32>,
      %add3A_402 = arith.addf %add3A_398, %gather3A_401 : vector<16xf32>
      %broadcast_in_dim3A_403 = arith.constant 14 : i32
      %broadcast_in_dim3A_404 = vector.broadcast %broadcast_in_dim3A_403 : i32 to vector<16xi32>
      %gather3A_405 = tpu.vector_load_idx %arg9[%iota3A, %broadcast_in_dim3A_404] : memref<16x16xf32, #tpu.memory_space<vmem>>[vector<16xi32>, vector<16xi32>], vector<16xf32>,
      %add3A_406 = arith.addf %add3A_402, %gather3A_405 : vector<16xf32>
      %broadcast_in_dim3A_407 = arith.constant 15 : i32
      %broadcast_in_dim3A_408 = vector.broadcast %broadcast_in_dim3A_407 : i32 to vector<16xi32>
      %gather3A_409 = tpu.vector_load_idx %arg9[%iota3A, %broadcast_in_dim3A_408] : memref<16x16xf32, #tpu.memory_space<vmem>>[vector<16xi32>, vector<16xi32>], vector<16xf32>,
      %add3A_410 = arith.addf %add3A_406, %gather3A_409 : vector<16xf32>
      %mul3A_411 = arith.constant 5.000000e-02 : f32
      %mul3A_412 = vector.broadcast %mul3A_411 : f32 to vector<16xf32>
      %mul3A_413 = arith.mulf %add3A_410, %mul3A_412 : vector<16xf32>
      %mul3A_414 = arith.constant 16 : i32
      %mul3A_415 = arith.muli %add3A_274, %mul3A_414 : i32
      %swap3A_416 = arith.index_cast %mul3A_415 : i32 to index
      %swap3A_417 = tpu.vector_load %arg10[%swap3A_416] {strides = array<i32>} : memref<512xf32, #tpu.memory_space<vmem>>, vector<16xf32>,
      tpu.vector_store %arg10[%swap3A_416], %mul3A_413 {strides = array<i32>} : memref<512xf32, #tpu.memory_space<vmem>>, vector<16xf32>,
      %add3A_418 = arith.constant 2 : i32
      %add3A_419 = arith.addi %add3A_274, %add3A_418 : i32
      %lt3A_420 = arith.constant 32 : i32
      %lt3A_421 = arith.cmpi slt, %add3A_419, %lt3A_420 : i32
      %convert_element_type3A_422 = arith.extui %lt3A_421 : i1 to i32
      %cond3A_423 = arith.constant 0 : i32
      %cond3A_424 = arith.cmpi ne, %convert_element_type3A_422, %cond3A_423 : i32
      scf.if %cond3A_424 {
        %add3A_425 = arith.constant 2 : i32
        %add3A_426 = arith.addi %add3A_274, %add3A_425 : i32
        %dma_start3A_427 = arith.constant 0 : i32
        %dma_start3A_428 = arith.constant 1 : i32
        %dma_start3A_429 = arith.constant 0 : i32
        %dma_start3A_430 = arith.constant 0 : i32
        %dma_start3A_431 = arith.constant 0 : i32
        %dma_start3A_432 = tpu.memref_slice %arg8[%dma_start3A_428, %dma_start3A_429, %dma_start3A_430, %dma_start3A_431] : memref<2x4x80x64xf32, #tpu.memory_space<vmem>> -> memref<1x1x80x64xf32, #tpu.memory_space<vmem>>
        %dma_start3A_433 = tpu.memref_squeeze %dma_start3A_432 : memref<1x1x80x64xf32, #tpu.memory_space<vmem>> -> memref<80x64xf32, #tpu.memory_space<vmem>>
        %dma_start3A_434 = arith.constant 0 : i32
        %dma_start3A_435 = tpu.memref_slice %arg6[%add3A_426, %dma_start3A_427, %dma_start3A_434] : memref<32x4x80xi32, #tpu.memory_space<vmem>> -> memref<1x1x80xi32, #tpu.memory_space<vmem>>
        %dma_start3A_436 = tpu.memref_squeeze %dma_start3A_435 : memref<1x1x80xi32, #tpu.memory_space<vmem>> -> memref<80xi32, #tpu.memory_space<vmem>>
        %dma_start3A_437 = arith.constant 0 : i32
        %dma_start3A_438 = arith.constant 0 : i32
        %dma_start3A_439 = tpu.memref_slice %arg4[%dma_start3A_437, %dma_start3A_438] : memref<1000000x64xf32, #tpu.memory_space<hbm>> -> memref<1000000x64xf32, #tpu.memory_space<hbm>>
        tpu.enqueue_indirect_dma source(%dma_start3A_439 : memref<1000000x64xf32, #tpu.memory_space<hbm>>) target(%dma_start3A_433 : memref<80x64xf32, #tpu.memory_space<vmem>>) offsets(%dma_start3A_436 : memref<80xi32, #tpu.memory_space<vmem>>) semaphore(%arg12 : memref<!tpu.dma_semaphore, #tpu.memory_space<semaphore_mem>>)
        %add3A_440 = arith.constant 2 : i32
        %add3A_441 = arith.addi %add3A_274, %add3A_440 : i32
        %dma_start3A_442 = arith.constant 1 : i32
        %dma_start3A_443 = arith.constant 1 : i32
        %dma_start3A_444 = arith.constant 1 : i32
        %dma_start3A_445 = arith.constant 0 : i32
        %dma_start3A_446 = arith.constant 0 : i32
        %dma_start3A_447 = tpu.memref_slice %arg8[%dma_start3A_443, %dma_start3A_444, %dma_start3A_445, %dma_start3A_446] : memref<2x4x80x64xf32, #tpu.memory_space<vmem>> -> memref<1x1x80x64xf32, #tpu.memory_space<vmem>>
        %dma_start3A_448 = tpu.memref_squeeze %dma_start3A_447 : memref<1x1x80x64xf32, #tpu.memory_space<vmem>> -> memref<80x64xf32, #tpu.memory_space<vmem>>
        %dma_start3A_449 = arith.constant 0 : i32
        %dma_start3A_450 = tpu.memref_slice %arg6[%add3A_441, %dma_start3A_442, %dma_start3A_449] : memref<32x4x80xi32, #tpu.memory_space<vmem>> -> memref<1x1x80xi32, #tpu.memory_space<vmem>>
        %dma_start3A_451 = tpu.memref_squeeze %dma_start3A_450 : memref<1x1x80xi32, #tpu.memory_space<vmem>> -> memref<80xi32, #tpu.memory_space<vmem>>
        %dma_start3A_452 = arith.constant 0 : i32
        %dma_start3A_453 = arith.constant 0 : i32
        %dma_start3A_454 = tpu.memref_slice %arg4[%dma_start3A_452, %dma_start3A_453] : memref<1000000x64xf32, #tpu.memory_space<hbm>> -> memref<1000000x64xf32, #tpu.memory_space<hbm>>
        tpu.enqueue_indirect_dma source(%dma_start3A_454 : memref<1000000x64xf32, #tpu.memory_space<hbm>>) target(%dma_start3A_448 : memref<80x64xf32, #tpu.memory_space<vmem>>) offsets(%dma_start3A_451 : memref<80xi32, #tpu.memory_space<vmem>>) semaphore(%arg12 : memref<!tpu.dma_semaphore, #tpu.memory_space<semaphore_mem>>)
        %add3A_455 = arith.constant 2 : i32
        %add3A_456 = arith.addi %add3A_274, %add3A_455 : i32
        %dma_start3A_457 = arith.constant 2 : i32
        %dma_start3A_458 = arith.constant 1 : i32
        %dma_start3A_459 = arith.constant 2 : i32
        %dma_start3A_460 = arith.constant 0 : i32
        %dma_start3A_461 = arith.constant 0 : i32
        %dma_start3A_462 = tpu.memref_slice %arg8[%dma_start3A_458, %dma_start3A_459, %dma_start3A_460, %dma_start3A_461] : memref<2x4x80x64xf32, #tpu.memory_space<vmem>> -> memref<1x1x80x64xf32, #tpu.memory_space<vmem>>
        %dma_start3A_463 = tpu.memref_squeeze %dma_start3A_462 : memref<1x1x80x64xf32, #tpu.memory_space<vmem>> -> memref<80x64xf32, #tpu.memory_space<vmem>>
        %dma_start3A_464 = arith.constant 0 : i32
        %dma_start3A_465 = tpu.memref_slice %arg6[%add3A_456, %dma_start3A_457, %dma_start3A_464] : memref<32x4x80xi32, #tpu.memory_space<vmem>> -> memref<1x1x80xi32, #tpu.memory_space<vmem>>
        %dma_start3A_466 = tpu.memref_squeeze %dma_start3A_465 : memref<1x1x80xi32, #tpu.memory_space<vmem>> -> memref<80xi32, #tpu.memory_space<vmem>>
        %dma_start3A_467 = arith.constant 0 : i32
        %dma_start3A_468 = arith.constant 0 : i32
        %dma_start3A_469 = tpu.memref_slice %arg4[%dma_start3A_467, %dma_start3A_468] : memref<1000000x64xf32, #tpu.memory_space<hbm>> -> memref<1000000x64xf32, #tpu.memory_space<hbm>>
        tpu.enqueue_indirect_dma source(%dma_start3A_469 : memref<1000000x64xf32, #tpu.memory_space<hbm>>) target(%dma_start3A_463 : memref<80x64xf32, #tpu.memory_space<vmem>>) offsets(%dma_start3A_466 : memref<80xi32, #tpu.memory_space<vmem>>) semaphore(%arg12 : memref<!tpu.dma_semaphore, #tpu.memory_space<semaphore_mem>>)
        %add3A_470 = arith.constant 2 : i32
        %add3A_471 = arith.addi %add3A_274, %add3A_470 : i32
        %dma_start3A_472 = arith.constant 3 : i32
        %dma_start3A_473 = arith.constant 1 : i32
        %dma_start3A_474 = arith.constant 3 : i32
        %dma_start3A_475 = arith.constant 0 : i32
        %dma_start3A_476 = arith.constant 0 : i32
        %dma_start3A_477 = tpu.memref_slice %arg8[%dma_start3A_473, %dma_start3A_474, %dma_start3A_475, %dma_start3A_476] : memref<2x4x80x64xf32, #tpu.memory_space<vmem>> -> memref<1x1x80x64xf32, #tpu.memory_space<vmem>>
        %dma_start3A_478 = tpu.memref_squeeze %dma_start3A_477 : memref<1x1x80x64xf32, #tpu.memory_space<vmem>> -> memref<80x64xf32, #tpu.memory_space<vmem>>
        %dma_start3A_479 = arith.constant 0 : i32
        %dma_start3A_480 = tpu.memref_slice %arg6[%add3A_471, %dma_start3A_472, %dma_start3A_479] : memref<32x4x80xi32, #tpu.memory_space<vmem>> -> memref<1x1x80xi32, #tpu.memory_space<vmem>>
        %dma_start3A_481 = tpu.memref_squeeze %dma_start3A_480 : memref<1x1x80xi32, #tpu.memory_space<vmem>> -> memref<80xi32, #tpu.memory_space<vmem>>
        %dma_start3A_482 = arith.constant 0 : i32
        %dma_start3A_483 = arith.constant 0 : i32
        %dma_start3A_484 = tpu.memref_slice %arg4[%dma_start3A_482, %dma_start3A_483] : memref<1000000x64xf32, #tpu.memory_space<hbm>> -> memref<1000000x64xf32, #tpu.memory_space<hbm>>
        tpu.enqueue_indirect_dma source(%dma_start3A_484 : memref<1000000x64xf32, #tpu.memory_space<hbm>>) target(%dma_start3A_478 : memref<80x64xf32, #tpu.memory_space<vmem>>) offsets(%dma_start3A_481 : memref<80xi32, #tpu.memory_space<vmem>>) semaphore(%arg12 : memref<!tpu.dma_semaphore, #tpu.memory_space<semaphore_mem>>)
      } else {
      }
    }
    %scan3A_120 = arith.constant 16 : i32
    %mul3A_121 = arith.constant 512 : i32
    %mul3A_122 = arith.muli %add3A, %mul3A_121 : i32
    "tpu.region"() ({
      %run_scoped3A = tpu.sem_alloc : memref<!tpu.dma_semaphore, #tpu.memory_space<semaphore_mem>>
      %dma_start3A_123 = tpu.memref_slice %arg5[%mul3A_122] : memref<16384xf32, #tpu.memory_space<hbm>> -> memref<512xf32, #tpu.memory_space<hbm>>
      %dma_start3A_124 = tpu.memref_slice %arg5[%mul3A_122] : memref<16384xf32, #tpu.memory_space<hbm>> -> memref<512xf32, #tpu.memory_space<hbm>>
      tpu.enqueue_dma source(%arg10 : memref<512xf32, #tpu.memory_space<vmem>>) target(%dma_start3A_124 : memref<512xf32, #tpu.memory_space<hbm>>) target_semaphore(%run_scoped3A : memref<!tpu.dma_semaphore, #tpu.memory_space<semaphore_mem>>)
      %dma_wait3A = tpu.memref_slice %arg5[%mul3A_122] : memref<16384xf32, #tpu.memory_space<hbm>> -> memref<512xf32, #tpu.memory_space<hbm>>
      %dma_wait3A_125 = tpu.memref_slice %arg5[%mul3A_122] : memref<16384xf32, #tpu.memory_space<hbm>> -> memref<512xf32, #tpu.memory_space<hbm>>
      tpu.wait_dma2 semaphore(%run_scoped3A : memref<!tpu.dma_semaphore, #tpu.memory_space<semaphore_mem>>) src(%arg10 : memref<512xf32, #tpu.memory_space<vmem>>) dst(%dma_wait3A_125 : memref<512xf32, #tpu.memory_space<hbm>>)
      tpu.yield
    }) : () -> ()
    return
  }
}

</mosaic_0001>

<sc_bundles>
// kernel: gather_offload_async_start
scs
__scs_entry_jumppad:
0x0: {  	(pc) =	sbr.rel $0x88, $3  }
0x1: {  	(tag) =	ssettag $0x0;
	lr =	simm.s32 $0x1  }
0x2: {  	[smem:$0x3F9E] =	sst lr;
	_ =	strace $0xD0000000  }
0x3: {  	_ = 	snop  }
0x4: {  	_ = 	snop  }
0x5: {  	_ = 	snop  }
0x6: {  	_ = 	snop  }
0x7: {  	_ = 	snop  }
__scs_overlays_trampoline_lowered:
0x8: {  	[smem:$0x3FAD] =	sst s0  }
0x9: {  	[smem:$0x3FAE] =	sst s1  }
0xa: {  	[smem:$0x3FAF] =	sst s2  }
0xb: {  	[smem:$0x3FB0] =	sst s3  }
0xc: {  	[smem:$0x3FB1] =	sst s4  }
0xd: {  	[smem:$0x3FB2] =	sst s5  }
0xe: {  	[smem:$0x3FB3] =	sst s6  }
0xf: {  	[smem:$0x3FB4] =	sst s7  }
0x10: {  	[smem:$0x3FB5] =	sst s8  }
0x11: {  	[smem:$0x3FB6] =	sst s9;
	s0 =	simm.s32 @!p0 $0x0  }
0x12: {  	s1 =	sld [smem:$0x3F9C];
	s0 =	simm.s32 @p0 $0x1  }
0x13: {  	[smem:$0x3FB7] =	sst s0;
	s0 =	simm.s32 @!p1 $0x0  }
0x14: {  	s2 =	sld [smem:$0x3F9B];
	s0 =	simm.s32 @p1 $0x1  }
0x15: {  	[smem:$0x3FB8] =	sst s0;
	s0 =	simm.s32 @!p2 $0x0  }
0x16: {  	s3 =	sld [smem:$0x3FDB];
	s0 =	simm.s32 @p2 $0x1  }
0x17: {  	s4 =	simm.s32 $0x1BF5;
	[smem:$0x3FBA] =	sst s0  }
0x18: {  	s0 =	sld [smem:$0x3F9D];
	_ =	swait.ge [sflag:s4], $0x0  }
0x19: {  	s7 =	sld [smem:$0x3F9E]  }
0x1a: {  	s8 =	sadd.s32 $0xFFFFE003, lr  }
0x1b: {  	s9 =	sadd.s32 $0xFFFFFEF7, lr;
	s5 =	simm.s32 $0xFFFFFFFF;
	p2 =	slt.u32 s8, $0xFFFFF086  }
0x1c: {  	p1 =	slt.u32 s9, $0xF7A;
	s5 =	simm.s32 @!p2 $0x0  }
0x1d: {  	s5 =	simm.s32 @p1 $0x1;
	p0 =	seq.s32 s7, s2  }
0x1e: {  	s7 =	smul.u32 @!p0 $0xF7A, s2;
	p2 =	seq.s32 @!p0 s5, $0x0  }
0x1f: {  	s9 =	smul.u32 $0xF7A, s1;
	s8 =	simm.s32 @!p0 $0x1BF5;
	p2 =	por !p2, p0  }
0x20: {  	[sflag:s8] =	ssyncset.s32 @!p0 $0xFFFFF086;
	s6 =	sadd.s32 @!p0 s3, s7;
	s7 =	simm.s32 @!p0 $0x108  }
0x21: {  	s3 =	sadd.s32 s3, s9;
	s6 =	sadd.s32 @!p0 $0x88, s6;
	s7 =	simm.s32 @p2 $0x1082  }
0x22: {  	[simem:s7], [sflag:s8] =	dma.local @!p0 [hbm:s6], $0xF7A  }
0x23: {  	s9 =	sor.u32 $0xD0000000, s2;
	s6 =	simm.s32 $0x108;
	_ =	swait.ge @!p0 [sflag:s8], $0x0  }
0x24: {  	s3 =	sadd.s32 $0x88, s3;
	s6 =	simm.s32 @!p1 $0x1082;
	[sflag:s4] =	ssyncset.s32 $0xFFFFF086  }
0x25: {  	[simem:s6], [sflag:s4] =	dma.local [hbm:s3], $0xF7A  }
0x26: {  	[smem:$0x3F9E] =	sst s1;
	(tag) =	ssettag s2;
	_ =	strace s9  }
0x27: {  	s1 =	sld [smem:$0x3FAE]  }
0x28: {  	s2 =	sld [smem:$0x3FAF]  }
0x29: {  	s4 =	sld [smem:$0x3FB1]  }
0x2a: {  	p0 =	seq.s32 s5, $0x0;
	s5 =	sld [smem:$0x3FB2]  }
0x2b: {  	s6 =	sld [smem:$0x3FB3]  }
0x2c: {  	s7 =	sld [smem:$0x3FB4]  }
0x2d: {  	s3 =	simm.s32 $0x108;
	s8 =	sld [smem:$0x3FB5]  }
0x2e: {  	s3 =	simm.s32 @!p0 $0x1082;
	s9 =	sld [smem:$0x3FB6]  }
0x2f: {  	lr =	sadd.s32 s0, s3;
	s0 =	sld [smem:$0x3FAD]  }
0x30: {  	s3 =	sld [smem:$0x3FB0]  }
0x31: {  	[smem:$0x3FB9] =	sst s10  }
0x32: {  	s10 =	sld [smem:$0x3FB7];
	_ =	sdelay $0x3  }
0x33: {  	p0 =	seq.s32 s10, $0x1;
	s10 =	sld [smem:$0x3FB9];
	_ =	sdelay $0x3  }
0x34: {  	[smem:$0x3FB9] =	sst s10  }
0x35: {  	s10 =	sld [smem:$0x3FB8];
	_ =	sdelay $0x3  }
0x36: {  	p1 =	seq.s32 s10, $0x1;
	s10 =	sld [smem:$0x3FB9];
	_ =	sdelay $0x3  }
0x37: {  	[smem:$0x3FB9] =	sst s10  }
0x38: {  	s10 =	sld [smem:$0x3FBA]  }
0x39: {  	_ = 	snop;
	(pc) =	sbr.ind lr, $3  }
0x3a: {  	_ = 	snop  }
0x3b: {  	_ = 	snop  }
0x3c: {  	p2 =	seq.s32 s10, $0x1;
	s10 =	sld [smem:$0x3FB9]  }
0x3d: {  	_ =	shalt  }
0x3e: {  	_ =	shalt  }
0x3f: {  	_ =	shalt  }
0x40: {  	_ =	shalt  }
0x41: {  	_ =	shalt  }
0x42: {  	_ =	shalt  }
0x43: {  	_ =	shalt  }
0x44: {  	_ =	shalt  }
0x45: {  	_ =	shalt  }
0x46: {  	_ =	shalt  }
0x47: {  	_ =	shalt  }
0x48: {  	_ =	shalt  }
0x49: {  	_ =	shalt  }
0x4a: {  	_ =	shalt  }
0x4b: {  	_ =	shalt  }
0x4c: {  	_ =	shalt  }
0x4d: {  	_ =	shalt  }
0x4e: {  	_ =	shalt  }
0x4f: {  	_ =	shalt  }
0x50: {  	_ =	shalt  }
0x51: {  	_ =	shalt  }
0x52: {  	_ =	shalt  }
0x53: {  	_ =	shalt  }
0x54: {  	_ =	shalt  }
0x55: {  	_ =	shalt  }
0x56: {  	_ =	shalt  }
0x57: {  	_ =	shalt  }
0x58: {  	_ =	shalt  }
0x59: {  	_ =	shalt  }
0x5a: {  	_ =	shalt  }
0x5b: {  	_ =	shalt  }
0x5c: {  	_ =	shalt  }
0x5d: {  	_ =	shalt  }
0x5e: {  	_ =	shalt  }
0x5f: {  	_ =	shalt  }
0x60: {  	_ =	shalt  }
0x61: {  	_ =	shalt  }
0x62: {  	_ =	shalt  }
0x63: {  	_ =	shalt  }
0x64: {  	_ =	shalt  }
0x65: {  	_ =	shalt  }
0x66: {  	_ =	shalt  }
0x67: {  	_ =	shalt  }
0x68: {  	_ =	shalt  }
0x69: {  	_ =	shalt  }
0x6a: {  	_ =	shalt  }
0x6b: {  	_ =	shalt  }
0x6c: {  	_ =	shalt  }
0x6d: {  	_ =	shalt  }
0x6e: {  	_ =	shalt  }
0x6f: {  	_ =	shalt  }
0x70: {  	_ =	shalt  }
0x71: {  	_ =	shalt  }
0x72: {  	_ =	shalt  }
0x73: {  	_ =	shalt  }
0x74: {  	_ =	shalt  }
0x75: {  	_ =	shalt  }
0x76: {  	_ =	shalt  }
0x77: {  	_ =	shalt  }
0x78: {  	_ =	shalt  }
0x79: {  	_ =	shalt  }
0x7a: {  	_ =	shalt  }
0x7b: {  	_ =	shalt  }
0x7c: {  	_ =	shalt  }
0x7d: {  	_ =	shalt  }
0x7e: {  	_ =	shalt  }
0x7f: {  	_ =	shalt  }
0x80: {  	_ =	shalt  }
0x81: {  	_ =	shalt  }
0x82: {  	_ =	shalt  }
0x83: {  	_ =	shalt  }
0x84: {  	_ =	shalt  }
0x85: {  	_ =	shalt  }
0x86: {  	_ =	shalt  }
0x87: {  	_ =	shalt  }
.Lfunc_end0:
.L_simem_size_0:
called_computation_lowered:
.L_overlay_start_0:
0x88: {  	s2 =	sld [smem:$0x3FD9]  }
0x89: {  	s3 =	sld [smem:$0x3FFE];
	_ =	sdelay $0x1  }
0x8a: {  	s1 =	srdreg.scid  }
0x8b: {  	s0 =	sand.u32 $0x1, s1  }
0x8c: {  	s17 =	sshll.u32 s0, $0xA;
	s2 =	sadd.s32 s3, s2  }
0x8d: {  	s2 =	sadd.s32 s2, s17  }
0x8e: {  	[smem:$0x3FC5] =	sst s2  }
0x8f: {  	_ = 	snop  }
0x90: {  	s2 =	sld [smem:$0x3FD0];
	(tm) =	ssettm $0x1  }
0x91: {  	s18 =	sld [smem:$0x3FFB];
	_ =	sdelay $0x3  }
0x92: {  	_ =	strace s18  }
0x93: {  	s3 =	sld [smem:$0x3FFC];
	_ =	sdelay $0x3  }
0x94: {  	_ =	strace s3  }
0x95: {  	s3 =	sld [smem:$0x3FFD];
	_ =	sdelay $0x3  }
0x96: {  	_ =	strace s3  }
0x97: {  	_ =	strace $0x8FFFFFFF  }
0x98: {  	s19 =	sld [smem:$0x3FDB];
	_ =	sdelay $0x1  }
0x99: {  	s4 =	simm.s32 $_scs_section_size  }
0x9a: {  	s5 =	simm.s32 $_size__tile_overlayer_lowered;
	s6 =	simm.s32 $_tile_overlayer_lowered  }
0x9b: {  	s22 =	simm.s32 $0x1BFF;
	s21 =	sshll.u32 s6, $0x1;
	s3 =	sadd.s32 s4, s19  }
0x9c: {  	s7 =	simm.s32 $0x0;
	s20 =	sshll.u32 s5, $0x1;
	s5 =	sadd.s32 s21, s3  }
0x9d: {  	[timem:s7], [sflag:s22] =	dma.local [hbm:s5], s20  }
0x9e: {  	_ =	swait.ge [sflag:s22], s20  }
0x9f: {  	s4 =	ssub.s32 $0x0, s20;
	[sflag:s22] =	ssyncset.done $0x0  }
0xa0: {  	[sflag:s22] =	ssyncadd.s32 s4;
	_ =	sdelay $0x1  }
0xa1: {  	s23 =	simm.s32 $0x1B8B  }
0xa2: {  	_ =	swait.ge [sflag:s23], $0x1  }
0xa3: {  	[sflag:s23] =	ssyncset.done $0x0  }
0xa4: {  	s25 =	simm.s32 $0x1B8E;
	s24 =	sld [smem:$0x3FFE];
	[sflag:s23] =	ssyncadd.s32 $0xFFFFFFFF  }
0xa5: {  	s26 =	simm.s32 $execute0_lowered;
	[smem:$0x3FD2] =	sst s25  }
0xa6: {  	s5 =	sshll.u32 s26, $0x1;
	_ =	strace $0x80000046;
	[dreg:$0x1] =	wrdreg $0xFFFFFFFF  }
0xa7: {  	s28 =	simm.s32 $_size_execute0_lowered;
	s3 =	sadd.s32 s3, s5;
	[dreg:$0x0] =	wrdreg $0x0  }
0xa8: {  	s5 =	sshll.u32 s28, $0x1;
	[dreg:$0x2] =	wrdreg s3  }
0xa9: {  	[dreg:$0x3] =	wrdreg s5  }
0xaa: {  	[dreg:$0x4] =	wrdreg $0xC0  }
0xab: {  	_ =	task [dreg:s7], $0x5FFFF  }
0xac: {  	[dreg:$0x1] =	wrdreg $0xFFFFFFFF  }
0xad: {  	[dreg:$0x0] =	wrdreg $0x60  }
0xae: {  	[dreg:$0x2] =	wrdreg s24  }
0xaf: {  	[dreg:$0x3] =	wrdreg s2  }
0xb0: {  	[dreg:$0x4] =	wrdreg $0x9  }
0xb1: {  	_ =	task.clear_ibuf [dreg:s7], $0x5FFFF;
	_ =	strace $0x90000046  }
0xb2: {  	s29 =	simm.s32 $0x9;
	_ =	strace $0x80000048  }
0xb3: {  	_ =	swait.ge [sflag:s29], $0x1  }
0xb4: {  	[sflag:s29] =	ssyncadd.s32 $0xFFFFFFFF  }
0xb5: {  	_ =	strace $0x90000048  }
0xb6: {  	_ =	sfence  }
0xb7: {  	s30 =	sld [smem:$0x0];
	_ =	sdelay $0x2  }
0xb8: {  	s31 =	sshll.u32 s1, $0xD;
	s1 =	sshrl.u32 s1, $0x2  }
0xb9: {  	s3 =	sand.u32 $0x4000, s31;
	s1 =	sadd.s32 s1, s30  }
0xba: {  	s0 =	sor.u32 s3, s0;
	s1 =	sshll.u32 s1, $0x11  }
0xbb: {  	s0 =	sor.u32 s1, s0  }
0xbc: {  	s0 =	sadd.s32 $0x8F2B, s0  }
0xbd: {  	[sflag:s0] =	ssyncadd.remote.s32 $0x1  }
0xbe: {  	_ =	sfence.sel $0xFFFF  }
0xbf: {  	[dreg:$0x0] =	wrdreg $0xFFFFFFFF;
	(pc) =	sbr.abs _section_cstart, $3  }
0xc0: {  	[dreg:$0x1] =	wrdreg $0xFFFFFFFF  }
0xc1: {  	_ =	task.clear_ibuf [dreg:s7], $0x2FFFF;
	_ =	strace $0x9FFFFFFF  }
0xc2: {  	(tm) =	ssettm $0x7FFFFFFF  }
0xc3: {  	_ =	shalt  }
tec
execute0_lowered:
.L_overlay_start_1:
0x0: {  	(tag) =	ssettag $0x1  }
0x1: {  	s7 =	rddreg [dreg:$0x0]  }
0x2: {  	s2 =	rddreg [dreg:$0x1]  }
0x3: {  	s0 =	rddreg [dreg:$0x2]  }
0x4: {  	s1 =	srdreg.scid;
	_ =	strace $0x80000047;
	s4 =	simm.s32 $0x1  }
0x5: {  	s9 =	simm.s32 $0x3;
	s11 =	simm.s32 $0x0;
	s5 =	sshll.u32 s1, $0x4  }
.Ltmp0:
0x6: {  	s1 =	stileid.u32;
	s5 =	sand.u32 $0x10, s5;
	(pc) =	sbr.rel .LBB2_1-.Ltmp0, $4  }
0x7: {  	p0 =	por $0x0, $0x0;
	s3 =	sadd.s32 $0xE00, s7;
	s6 =	sor.u32 s1, s5  }
0x8: {  	[sflag:s4] =	ssyncpa.u1 $0x0;
	s5 =	simm.s32 $0x2;
	s6 =	sshll.u32 s6, $0x9  }
0x9: {  	s7 =	sadd.s32 $0xF43200, s7;
	[sflag:s5] =	ssyncpa.u1 $0x0;
	s8 =	sadd.s32 $0x200, s6  }
0xa: {  	vm0 =	vmmov $0xff;
	vm1 =	vcmask $0x3F20;
	[sflag:s9] =	ssyncpa.u1 $0x0;
	s10 =	smov.u32 s6;
	s9 =	simm.s32 $0x0  }
.LBB2_7:
0xb: {  	p1 =	slt.u32 s9, $0x2;
	s11 =	sadd.s32 $0x100, s10  }
0xc: {  	s13 =	smov.u32 s6;
	s9 =	sadd.s32 $0x1, s9;
	p2 =	slt.s32 s11, s8  }
0xd: {  	s13 =	smov.u32 @p2 s11;
	p2 =	sne.s32 s9, $0x4  }
.Ltmp1:
0xe: {  	_ = 	snop;
	(pc) =	sbr.rel @!p2 .LBB2_8-.Ltmp1, $4  }
0xf: {  	s12 =	simm.s32 @!p1 $0x3  }
0x10: {  	_ =	swait.ge @!p1 [sflag:s12], $0x8000  }
0x11: {  	p0 =	por !p0, !p0;
	[sflag:s12] =	ssyncset.done @!p1 $0x0  }
0x12: {  	s11 =	smov.u32 s10;
	s10 =	smov.u32 s13;
	[sflag:s12] =	ssyncadd.s32 @!p1 $0xFFFF8000  }
.LBB2_1:
0x13: {  	p1 =	sgt.u32 s9, $0x1  }
0x14: {  	s12 =	sshll.u32 @!p1 s9, $0x8;
	s13 =	sshrl.u32 @!p1 s10, $0x3  }
0x15: {  	s14 =	sand.u32 @!p1 $0x7, s10;
	s12 =	sxor.u32 @!p1 $0x100, s12;
	s13 =	sadd.s32 @!p1 s2, s13  }
0x16: {  	[tilespmem:s12], [sflag:$0x2] =	stream.linear.gather @!p1 [hbm4b:s13+s14], $0x100, $0x38;
	[tilespmem:$0x10200] =	vst v63  }
0x17: {  	p1 =	seq.s32 s9, $0x0  }
0x18: {  	p2 =	seq.s32 @!p1 s9, $0x3  }
0x19: {  	p1 =	por p1, p2  }
.Ltmp2:
0x1a: {  	_ = 	snop;
	(pc) =	sbr.rel @p1 .LBB2_7-.Ltmp2, $1  }
0x1b: {  	_ =	sdelay $0x3  }
0x1c: {  	s12 =	simm.s32 $0x1  }
0x1d: {  	_ =	swait.ge [sflag:s5], $0x100;
	s12 =	simm.s32 @!p0 $0x0  }
0x1e: {  	[sflag:s5] =	ssyncset.done $0x0;
	s14 =	sshll.u32 s12, $0x8  }
0x1f: {  	[sflag:s5] =	ssyncadd.s32 $0xFFFFFF00;
	s13 =	sadd.s32 $0x0, s14  }
0x20: {  	v0 =	vld.msk [tilespmem:s13+$0x0 ss:$0x1], $0xffff;
	_ =	sdelay $0x4  }
0x21: {  	vm2 =	vgt.s32 v0, $0x0  }
0x22: {  	v0 =	vnsel vm2, $0x0, v0  }
0x23: {  	v0 =	vmin.u32 v0, $0xF423F  }
0x24: {  	v0 =	vshll.u32 v0, $0x4;
	_ =	sdelay $0x2  }
0x25: {  	s12 =	sshll.u32 s12, $0xF  }
0x26: {  	s12 =	sor.u32 $0x200, s12  }
0x27: {  	[tilespmem:s12], [sflag:$0x1] =	stream.indirect_vreg.gather [hbm:s3], $0x80, v0, vm0, $0x38;
	[tilespmem:$0x10200] =	vst v63  }
0x28: {  	s15 =	sadd.s32 $0x10, s14;
	s13 =	sadd.s32 $0x400, s12  }
0x29: {  	[tilespmem:s13], [sflag:$0x1] =	stream.indirect_vreg.gather [hbm:s3], $0x80, v0, vm1, $0x38;
	[tilespmem:$0x10200] =	vst v63  }
0x2a: {  	s16 =	simm.s32 $0x80;
	v0 =	vld.msk [tilespmem:s15+$0x0 ss:$0x1], $0xffff;
	s15 =	smov.u32 s12  }
.LBB2_3:
0x2b: {  	p1 =	sne.s32 s16, $0x3C0;
	_ =	sdelay $0x4  }
0x2c: {  	vm2 =	vgt.s32 v0, $0x0  }
0x2d: {  	v0 =	vnsel vm2, $0x0, v0  }
0x2e: {  	v0 =	vmin.u32 v0, $0xF423F  }
0x2f: {  	v0 =	vshll.u32 v0, $0x4;
	_ =	sdelay $0x3  }
.Ltmp3:
0x30: {  	s17 =	sshra.s32 s16, $0x2;
	s15 =	sadd.s32 $0x800, s15;
	(pc) =	sbr.rel @p1 .LBB2_3-.Ltmp3, $4  }
0x31: {  	[tilespmem:s15], [sflag:$0x1] =	stream.indirect_vreg.gather [hbm:s3], $0x80, v0, vm0, $0x38;
	[tilespmem:$0x10200] =	vst v63  }
0x32: {  	s17 =	sadd.s32 s17, s14;
	s18 =	sadd.s32 $0x400, s15  }
0x33: {  	[tilespmem:s18], [sflag:$0x1] =	stream.indirect_vreg.gather [hbm:s3], $0x80, v0, vm1, $0x38;
	[tilespmem:$0x10200] =	vst v63  }
0x34: {  	s16 =	sadd.s32 $0x40, s16;
	v0 =	vld.msk [tilespmem:s17+$0x0 ss:$0x1], $0xffff  }
0x35: {  	_ =	sdelay $0x3  }
0x36: {  	vm2 =	vgt.s32 v0, $0x0  }
0x37: {  	v0 =	vnsel vm2, $0x0, v0  }
0x38: {  	v0 =	vmin.u32 v0, $0xF423F  }
0x39: {  	v0 =	vshll.u32 v0, $0x4;
	_ =	sdelay $0x3  }
0x3a: {  	s14 =	sadd.s32 $0x800, s15  }
0x3b: {  	[tilespmem:s14], [sflag:$0x1] =	stream.indirect_vreg.gather [hbm:s3], $0x80, v0, vm0, $0x38;
	[tilespmem:$0x10200] =	vst v63  }
0x3c: {  	s14 =	sadd.s32 $0x400, s14  }
0x3d: {  	[tilespmem:s14], [sflag:$0x1] =	stream.indirect_vreg.gather [hbm:s3], $0x80, v0, vm1, $0x38;
	[tilespmem:$0x10200] =	vst v63  }
0x3e: {  	s11 =	sshll.u32 s11, $0x4;
	_ =	swait.ge [sflag:s4], $0x8000  }
0x3f: {  	s11 =	sadd.s32 s11, s7;
	[sflag:s4] =	ssyncset.done $0x0  }
0x40: {  	s15 =	sadd.s32 $0x0, s11;
	s14 =	simm.s32 $0x80;
	[sflag:s4] =	ssyncadd.s32 $0xFFFF8000  }
.LBB2_5:
0x41: {  	[hbm:s15] =	stream.linear.scatter [tilespmem:s12], [sflag:$0x3], $0x400, $0x38;
	[tilespmem:$0x10200] =	vst v63  }
0x42: {  	s15 =	smov.u32 s14;
	s12 =	smov.u32 s13;
	p1 =	sne.s32 s14, $0xF80  }
.Ltmp4:
0x43: {  	s14 =	sadd.s32 $0x80, s14;
	(pc) =	sbr.rel @p1 .LBB2_5-.Ltmp4, $2  }
0x44: {  	_ =	sdelay $0x2  }
0x45: {  	s13 =	sadd.s32 $0x400, s13;
	s15 =	sadd.s32 s15, s11  }
.Ltmp5:
0x46: {  	(pc) =	sbr.rel .LBB2_7-.Ltmp5, $2  }
0x47: {  	_ =	sdelay $0x2  }
0x48: {  	[hbm:s15] =	stream.linear.scatter [tilespmem:s12], [sflag:$0x3], $0x400, $0x38;
	[tilespmem:$0x10200] =	vst v63  }
.LBB2_8:
0x49: {  	_ =	sfence.sel $0x180000  }
0x4a: {  	s2 =	simm.s32 $0x2;
	[bflag:$0x0] =	sbarrier.arrive $0xFFFF  }
0x4b: {  	s30 =	simm.s32 $0x3;
	[sflag:s2] =	ssyncpa.u1 $0x1  }
0x4c: {  	s31 =	simm.s32 $0x1;
	[sflag:s30] =	ssyncpa.u1 $0x1  }
0x4d: {  	[sflag:s31] =	ssyncpa.u1 $0x1  }
0x4e: {  	p0 =	sne.s32 s1, $0x0;
	_ =	strace $0x90000047  }
0x4f: {  	s0 =	sadd.s32 @!p0 $0x100000, s0;
	[bflag:$0x2] =	sbarrier.arrive $0xFFFF  }
0x50: {  	[sflag:s0] =	ssyncadd.tile.s32 @!p0 $0x1;
	_ =	shalt  }
.Lfunc_end2:
_tile_overlayer_lowered:
.L_overlay_start_2:
0x51: {  	(tag) =	ssettag $0x2  }
0x52: {  	s0 =	rddreg [dreg:$0x0];
	s2 =	stileid.u32  }
0x53: {  	s1 =	rddreg [dreg:$0x1];
	p0 =	sne.s32 s2, $0x0  }
0x54: {  	s3 =	rddreg [dreg:$0x2];
	[bflag:$0x3] =	sbarrier.arrive $0xFFFF;
	s2 =	simm.s32 @!p0 $0x1C01  }
0x55: {  	[timem:s3], [sflag:s2] =	dma.local @!p0 [hbm:s0], s1  }
0x56: {  	s0 =	simm.s32 @!p0 $0x1  }
0x57: {  	_ =	swait.ge @!p0 [sflag:s0], s1  }
0x58: {  	s1 =	ssub.s32 @!p0 $0x0, s1;
	[sflag:s0] =	ssyncset.done @!p0 $0x0  }
0x59: {  	[sflag:s0] =	ssyncadd.s32 @!p0 s1  }
0x5a: {  	[bflag:$0x3] =	sbarrier.arrive $0xFFFF  }
0x5b: {  	_ =	shalt  }

// kernel: kernel.3.cloned.1.call-start
scs
__scs_entry_jumppad:
0x0: {  	(pc) =	sbr.rel $0x88, $3  }
0x1: {  	(tag) =	ssettag $0x0;
	lr =	simm.s32 $0x1  }
0x2: {  	[smem:$0x3F9E] =	sst lr;
	_ =	strace $0xD0000000  }
0x3: {  	_ = 	snop  }
0x4: {  	_ = 	snop  }
0x5: {  	_ = 	snop  }
0x6: {  	_ = 	snop  }
0x7: {  	_ = 	snop  }
__scs_overlays_trampoline_lowered:
0x8: {  	[smem:$0x3FAD] =	sst s0  }
0x9: {  	[smem:$0x3FAE] =	sst s1  }
0xa: {  	[smem:$0x3FAF] =	sst s2  }
0xb: {  	[smem:$0x3FB0] =	sst s3  }
0xc: {  	[smem:$0x3FB1] =	sst s4  }
0xd: {  	[smem:$0x3FB2] =	sst s5  }
0xe: {  	[smem:$0x3FB3] =	sst s6  }
0xf: {  	[smem:$0x3FB4] =	sst s7  }
0x10: {  	[smem:$0x3FB5] =	sst s8  }
0x11: {  	[smem:$0x3FB6] =	sst s9;
	s0 =	simm.s32 @!p0 $0x0  }
0x12: {  	s1 =	sld [smem:$0x3F9C];
	s0 =	simm.s32 @p0 $0x1  }
0x13: {  	[smem:$0x3FB7] =	sst s0;
	s0 =	simm.s32 @!p1 $0x0  }
0x14: {  	s2 =	sld [smem:$0x3F9B];
	s0 =	simm.s32 @p1 $0x1  }
0x15: {  	[smem:$0x3FB8] =	sst s0;
	s0 =	simm.s32 @!p2 $0x0  }
0x16: {  	s3 =	sld [smem:$0x3FDB];
	s0 =	simm.s32 @p2 $0x1  }
0x17: {  	s4 =	simm.s32 $0x1BF5;
	[smem:$0x3FBA] =	sst s0  }
0x18: {  	s0 =	sld [smem:$0x3F9D];
	_ =	swait.ge [sflag:s4], $0x0  }
0x19: {  	s7 =	sld [smem:$0x3F9E]  }
0x1a: {  	s8 =	sadd.s32 $0xFFFFE003, lr  }
0x1b: {  	s9 =	sadd.s32 $0xFFFFFEF7, lr;
	s5 =	simm.s32 $0xFFFFFFFF;
	p2 =	slt.u32 s8, $0xFFFFF086  }
0x1c: {  	p1 =	slt.u32 s9, $0xF7A;
	s5 =	simm.s32 @!p2 $0x0  }
0x1d: {  	s5 =	simm.s32 @p1 $0x1;
	p0 =	seq.s32 s7, s2  }
0x1e: {  	s7 =	smul.u32 @!p0 $0xF7A, s2;
	p2 =	seq.s32 @!p0 s5, $0x0  }
0x1f: {  	s9 =	smul.u32 $0xF7A, s1;
	s8 =	simm.s32 @!p0 $0x1BF5;
	p2 =	por !p2, p0  }
0x20: {  	[sflag:s8] =	ssyncset.s32 @!p0 $0xFFFFF086;
	s6 =	sadd.s32 @!p0 s3, s7;
	s7 =	simm.s32 @!p0 $0x108  }
0x21: {  	s3 =	sadd.s32 s3, s9;
	s6 =	sadd.s32 @!p0 $0x88, s6;
	s7 =	simm.s32 @p2 $0x1082  }
0x22: {  	[simem:s7], [sflag:s8] =	dma.local @!p0 [hbm:s6], $0xF7A  }
0x23: {  	s9 =	sor.u32 $0xD0000000, s2;
	s6 =	simm.s32 $0x108;
	_ =	swait.ge @!p0 [sflag:s8], $0x0  }
0x24: {  	s3 =	sadd.s32 $0x88, s3;
	s6 =	simm.s32 @!p1 $0x1082;
	[sflag:s4] =	ssyncset.s32 $0xFFFFF086  }
0x25: {  	[simem:s6], [sflag:s4] =	dma.local [hbm:s3], $0xF7A  }
0x26: {  	[smem:$0x3F9E] =	sst s1;
	(tag) =	ssettag s2;
	_ =	strace s9  }
0x27: {  	s1 =	sld [smem:$0x3FAE]  }
0x28: {  	s2 =	sld [smem:$0x3FAF]  }
0x29: {  	s4 =	sld [smem:$0x3FB1]  }
0x2a: {  	p0 =	seq.s32 s5, $0x0;
	s5 =	sld [smem:$0x3FB2]  }
0x2b: {  	s6 =	sld [smem:$0x3FB3]  }
0x2c: {  	s7 =	sld [smem:$0x3FB4]  }
0x2d: {  	s3 =	simm.s32 $0x108;
	s8 =	sld [smem:$0x3FB5]  }
0x2e: {  	s3 =	simm.s32 @!p0 $0x1082;
	s9 =	sld [smem:$0x3FB6]  }
0x2f: {  	lr =	sadd.s32 s0, s3;
	s0 =	sld [smem:$0x3FAD]  }
0x30: {  	s3 =	sld [smem:$0x3FB0]  }
0x31: {  	[smem:$0x3FB9] =	sst s10  }
0x32: {  	s10 =	sld [smem:$0x3FB7];
	_ =	sdelay $0x3  }
0x33: {  	p0 =	seq.s32 s10, $0x1;
	s10 =	sld [smem:$0x3FB9];
	_ =	sdelay $0x3  }
0x34: {  	[smem:$0x3FB9] =	sst s10  }
0x35: {  	s10 =	sld [smem:$0x3FB8];
	_ =	sdelay $0x3  }
0x36: {  	p1 =	seq.s32 s10, $0x1;
	s10 =	sld [smem:$0x3FB9];
	_ =	sdelay $0x3  }
0x37: {  	[smem:$0x3FB9] =	sst s10  }
0x38: {  	s10 =	sld [smem:$0x3FBA]  }
0x39: {  	_ = 	snop;
	(pc) =	sbr.ind lr, $3  }
0x3a: {  	_ = 	snop  }
0x3b: {  	_ = 	snop  }
0x3c: {  	p2 =	seq.s32 s10, $0x1;
	s10 =	sld [smem:$0x3FB9]  }
0x3d: {  	_ =	shalt  }
0x3e: {  	_ =	shalt  }
0x3f: {  	_ =	shalt  }
0x40: {  	_ =	shalt  }
0x41: {  	_ =	shalt  }
0x42: {  	_ =	shalt  }
0x43: {  	_ =	shalt  }
0x44: {  	_ =	shalt  }
0x45: {  	_ =	shalt  }
0x46: {  	_ =	shalt  }
0x47: {  	_ =	shalt  }
0x48: {  	_ =	shalt  }
0x49: {  	_ =	shalt  }
0x4a: {  	_ =	shalt  }
0x4b: {  	_ =	shalt  }
0x4c: {  	_ =	shalt  }
0x4d: {  	_ =	shalt  }
0x4e: {  	_ =	shalt  }
0x4f: {  	_ =	shalt  }
0x50: {  	_ =	shalt  }
0x51: {  	_ =	shalt  }
0x52: {  	_ =	shalt  }
0x53: {  	_ =	shalt  }
0x54: {  	_ =	shalt  }
0x55: {  	_ =	shalt  }
0x56: {  	_ =	shalt  }
0x57: {  	_ =	shalt  }
0x58: {  	_ =	shalt  }
0x59: {  	_ =	shalt  }
0x5a: {  	_ =	shalt  }
0x5b: {  	_ =	shalt  }
0x5c: {  	_ =	shalt  }
0x5d: {  	_ =	shalt  }
0x5e: {  	_ =	shalt  }
0x5f: {  	_ =	shalt  }
0x60: {  	_ =	shalt  }
0x61: {  	_ =	shalt  }
0x62: {  	_ =	shalt  }
0x63: {  	_ =	shalt  }
0x64: {  	_ =	shalt  }
0x65: {  	_ =	shalt  }
0x66: {  	_ =	shalt  }
0x67: {  	_ =	shalt  }
0x68: {  	_ =	shalt  }
0x69: {  	_ =	shalt  }
0x6a: {  	_ =	shalt  }
0x6b: {  	_ =	shalt  }
0x6c: {  	_ =	shalt  }
0x6d: {  	_ =	shalt  }
0x6e: {  	_ =	shalt  }
0x6f: {  	_ =	shalt  }
0x70: {  	_ =	shalt  }
0x71: {  	_ =	shalt  }
0x72: {  	_ =	shalt  }
0x73: {  	_ =	shalt  }
0x74: {  	_ =	shalt  }
0x75: {  	_ =	shalt  }
0x76: {  	_ =	shalt  }
0x77: {  	_ =	shalt  }
0x78: {  	_ =	shalt  }
0x79: {  	_ =	shalt  }
0x7a: {  	_ =	shalt  }
0x7b: {  	_ =	shalt  }
0x7c: {  	_ =	shalt  }
0x7d: {  	_ =	shalt  }
0x7e: {  	_ =	shalt  }
0x7f: {  	_ =	shalt  }
0x80: {  	_ =	shalt  }
0x81: {  	_ =	shalt  }
0x82: {  	_ =	shalt  }
0x83: {  	_ =	shalt  }
0x84: {  	_ =	shalt  }
0x85: {  	_ =	shalt  }
0x86: {  	_ =	shalt  }
0x87: {  	_ =	shalt  }
.Lfunc_end0:
.L_simem_size_0:
called_computation.1_lowered:
.L_overlay_start_0:
0x88: {  	s2 =	sld [smem:$0x3FD9]  }
0x89: {  	s3 =	sld [smem:$0x3FFE];
	_ =	sdelay $0x1  }
0x8a: {  	s1 =	srdreg.scid  }
0x8b: {  	s0 =	sand.u32 $0x1, s1  }
0x8c: {  	s17 =	sshll.u32 s0, $0xA;
	s2 =	sadd.s32 s3, s2  }
0x8d: {  	s2 =	sadd.s32 s2, s17  }
0x8e: {  	[smem:$0x3FC5] =	sst s2  }
0x8f: {  	_ = 	snop  }
0x90: {  	s2 =	sld [smem:$0x3FD0];
	(tm) =	ssettm $0x1  }
0x91: {  	s18 =	sld [smem:$0x3FFB];
	_ =	sdelay $0x3  }
0x92: {  	_ =	strace s18  }
0x93: {  	s3 =	sld [smem:$0x3FFC];
	_ =	sdelay $0x3  }
0x94: {  	_ =	strace s3  }
0x95: {  	s3 =	sld [smem:$0x3FFD];
	_ =	sdelay $0x3  }
0x96: {  	_ =	strace s3  }
0x97: {  	_ =	strace $0x8FFFFFFF  }
0x98: {  	s19 =	sld [smem:$0x3FDB];
	_ =	sdelay $0x1  }
0x99: {  	s4 =	simm.s32 $_scs_section_size  }
0x9a: {  	s5 =	simm.s32 $_size__tile_overlayer_lowered;
	s6 =	simm.s32 $_tile_overlayer_lowered  }
0x9b: {  	s22 =	simm.s32 $0x1BFF;
	s21 =	sshll.u32 s6, $0x1;
	s3 =	sadd.s32 s4, s19  }
0x9c: {  	s7 =	simm.s32 $0x0;
	s20 =	sshll.u32 s5, $0x1;
	s5 =	sadd.s32 s21, s3  }
0x9d: {  	[timem:s7], [sflag:s22] =	dma.local [hbm:s5], s20  }
0x9e: {  	_ =	swait.ge [sflag:s22], s20  }
0x9f: {  	s4 =	ssub.s32 $0x0, s20;
	[sflag:s22] =	ssyncset.done $0x0  }
0xa0: {  	[sflag:s22] =	ssyncadd.s32 s4;
	_ =	sdelay $0x1  }
0xa1: {  	s23 =	simm.s32 $0x1B8B  }
0xa2: {  	_ =	swait.ge [sflag:s23], $0x1  }
0xa3: {  	[sflag:s23] =	ssyncset.done $0x0  }
0xa4: {  	s25 =	simm.s32 $0x1B8E;
	s24 =	sld [smem:$0x3FFE];
	[sflag:s23] =	ssyncadd.s32 $0xFFFFFFFF  }
0xa5: {  	s26 =	simm.s32 $execute0_lowered;
	[smem:$0x3FD2] =	sst s25  }
0xa6: {  	s5 =	sshll.u32 s26, $0x1;
	_ =	strace $0x80000049;
	[dreg:$0x1] =	wrdreg $0xFFFFFFFF  }
0xa7: {  	s28 =	simm.s32 $_size_execute0_lowered;
	s3 =	sadd.s32 s3, s5;
	[dreg:$0x0] =	wrdreg $0x0  }
0xa8: {  	s5 =	sshll.u32 s28, $0x1;
	[dreg:$0x2] =	wrdreg s3  }
0xa9: {  	[dreg:$0x3] =	wrdreg s5  }
0xaa: {  	[dreg:$0x4] =	wrdreg $0xC0  }
0xab: {  	_ =	task [dreg:s7], $0x5FFFF  }
0xac: {  	[dreg:$0x1] =	wrdreg $0xFFFFFFFF  }
0xad: {  	[dreg:$0x0] =	wrdreg $0x60  }
0xae: {  	[dreg:$0x2] =	wrdreg s24  }
0xaf: {  	[dreg:$0x3] =	wrdreg s2  }
0xb0: {  	[dreg:$0x4] =	wrdreg $0x9  }
0xb1: {  	_ =	task.clear_ibuf [dreg:s7], $0x5FFFF;
	_ =	strace $0x90000049  }
0xb2: {  	s29 =	simm.s32 $0x9;
	_ =	strace $0x8000004B  }
0xb3: {  	_ =	swait.ge [sflag:s29], $0x1  }
0xb4: {  	[sflag:s29] =	ssyncadd.s32 $0xFFFFFFFF  }
0xb5: {  	_ =	strace $0x9000004B  }
0xb6: {  	_ =	sfence  }
0xb7: {  	s30 =	sld [smem:$0x0];
	_ =	sdelay $0x2  }
0xb8: {  	s31 =	sshll.u32 s1, $0xD;
	s1 =	sshrl.u32 s1, $0x2  }
0xb9: {  	s3 =	sand.u32 $0x4000, s31;
	s1 =	sadd.s32 s1, s30  }
0xba: {  	s0 =	sor.u32 s3, s0;
	s1 =	sshll.u32 s1, $0x11  }
0xbb: {  	s0 =	sor.u32 s1, s0  }
0xbc: {  	s0 =	sadd.s32 $0x8F2B, s0  }
0xbd: {  	[sflag:s0] =	ssyncadd.remote.s32 $0x1  }
0xbe: {  	_ =	sfence.sel $0xFFFF  }
0xbf: {  	[dreg:$0x0] =	wrdreg $0xFFFFFFFF;
	(pc) =	sbr.abs _section_cstart, $3  }
0xc0: {  	[dreg:$0x1] =	wrdreg $0xFFFFFFFF  }
0xc1: {  	_ =	task.clear_ibuf [dreg:s7], $0x2FFFF;
	_ =	strace $0x9FFFFFFF  }
0xc2: {  	(tm) =	ssettm $0x7FFFFFFF  }
0xc3: {  	_ =	shalt  }
tec
execute0_lowered:
.L_overlay_start_1:
0x0: {  	(tag) =	ssettag $0x1  }
0x1: {  	s0 =	rddreg [dreg:$0x0];
	s1 =	srdreg.scid  }
0x2: {  	s2 =	stileid.u32;
	s6 =	rddreg [dreg:$0x1]  }
0x3: {  	s10 =	simm.s32 $0x50;
	s16 =	simm.s32 $0xE400;
	s17 =	simm.s32 $0x140  }
0x4: {  	s18 =	simm.s32 $0xF800;
	s19 =	simm.s32 $0x190;
	s20 =	simm.s32 $0x10C00  }
0x5: {  	s21 =	simm.s32 $0x1E0;
	s22 =	simm.s32 $0x12000;
	s23 =	simm.s32 $0x230  }
0x6: {  	s24 =	simm.s32 $0x13400;
	s28 =	simm.s32 $0x2;
	s29 =	simm.s32 $0x14900  }
0x7: {  	v0 =	vlaneseq.u32;
	s1 =	sand.u32 $0x1, s1;
	s3 =	sshll.u32 s2, $0x1;
	s2 =	simm.s32 $0x0  }
0x8: {  	s30 =	simm.s32 $0x0;
	v0 =	vmul.u32 $0x10, v0;
	s7 =	sor.u32 s1, s3;
	[smem:$0x7FF] =	sst s2  }
0x9: {  	s1 =	ssub.s32 $0x2, s1;
	s3 =	smul.u32 $0x500, s7;
	_ =	strace $0x8000004A  }
.Ltmp0:
0xa: {  	s25 =	sshll.u32 s7, $0xC;
	s5 =	sshrl.u32 s1, $0x1;
	v1 =	vor.u32 $0x1, v0;
	v2 =	vor.u32 $0x2, v0;
	v3 =	vor.u32 $0x3, v0;
	(pc) =	sbr.rel .LBB2_1-.Ltmp0, $4  }
0xb: {  	s31 =	sshll.u32 s7, $0x6;
	v4 =	vor.u32 $0x4, v0;
	v5 =	vor.u32 $0x5, v0;
	v6 =	vor.u32 $0x6, v0;
	s8 =	sadd.s32 s25, s0;
	s26 =	ssub.s32 s1, s5  }
0xc: {  	v7 =	vor.u32 $0x7, v0;
	v9 =	vor.u32 $0x9, v0;
	v10 =	vor.u32 $0xA, v0;
	s6 =	sadd.s32 s6, s31;
	s25 =	simm.s32 $0x1;
	s4 =	sadd.s32 s3, s0  }
0xd: {  	v8 =	vor.u32 $0x8, v0;
	v11 =	vor.u32 $0xB, v0;
	v12 =	vor.u32 $0xC, v0;
	s3 =	sadd.s32 $0x1ED1600, s0;
	s5 =	sadd.s32 $0xF8D200, s8;
	s7 =	smax.u32 s26, $0x1  }
0xe: {  	v13 =	vor.u32 $0xD, v0;
	v14 =	vor.u32 $0xE, v0;
	v15 =	vor.u32 $0xF, v0;
	s8 =	simm.s32 $0x3;
	s26 =	simm.s32 $0x14800;
	s4 =	sadd.s32 $0xF83200, s4  }
.LBB2_8:
0xf: {  	s30 =	sadd.s32 $0x1, s30  }
0x10: {  	p0 =	sne.s32 s30, s7  }
.Ltmp1:
0x11: {  	_ = 	snop;
	(pc) =	sbr.rel @!p0 .LBB2_9-.Ltmp1, $4  }
0x12: {  	[hbm4b:s6+s2] =	stream.linear.scatter [tilespmem:s29], [sflag:$0x3], $0x200, $0x38;
	[tilespmem:$0x14B00] =	vst v63  }
0x13: {  	_ =	swait.ge [sflag:s8], $0x200  }
0x14: {  	[sflag:s8] =	ssyncset.done $0x0  }
0x15: {  	[sflag:s8] =	ssyncadd.s32 $0xFFFFFE00  }
.LBB2_1:
0x16: {  	[tilespmem:s2], [sflag:$0x3] =	stream.linear.gather [hbm4b:s4+s2], $0x2800, $0x38;
	[tilespmem:$0x14B00] =	vst v63  }
0x17: {  	_ =	swait.ge [sflag:s8], $0x2800  }
0x18: {  	[sflag:s8] =	ssyncset.done $0x0  }
0x19: {  	s0 =	simm.s32 $0x2800;
	[sflag:s8] =	ssyncadd.s32 $0xFFFFD800  }
0x1a: {  	[tilespmem:s0], [sflag:$0x3] =	stream.linear.gather [hbm4b:s5+s2], $0x8000, $0x38;
	[tilespmem:$0x14B00] =	vst v63  }
0x1b: {  	_ =	swait.ge [sflag:s8], $0x8000  }
0x1c: {  	[sflag:s8] =	ssyncset.done $0x0  }
0x1d: {  	s12 =	simm.s32 $0xA800;
	[sflag:s8] =	ssyncadd.s32 $0xFFFF8000  }
0x1e: {  	[tilespmem:s12], [sflag:$0x1] =	stream.indirect.gather [hbm4b:s3+s10], $0x40, s2, s10, $0xb8;
	[tilespmem:$0x14B00] =	vst v63  }
0x1f: {  	s13 =	simm.s32 $0xBC00  }
0x20: {  	[tilespmem:s13], [sflag:$0x1] =	stream.indirect.gather [hbm4b:s3+s10], $0x40, s10, s10, $0xb8;
	[tilespmem:$0x14B00] =	vst v63  }
0x21: {  	s14 =	simm.s32 $0xA0;
	s1 =	simm.s32 $0xD000  }
0x22: {  	[tilespmem:s1], [sflag:$0x1] =	stream.indirect.gather [hbm4b:s3+s10], $0x40, s14, s10, $0xb8;
	[tilespmem:$0x14B00] =	vst v63  }
0x23: {  	s15 =	simm.s32 $0xF0  }
0x24: {  	[tilespmem:s16], [sflag:$0x1] =	stream.indirect.gather [hbm4b:s3+s10], $0x40, s15, s10, $0xb8;
	[tilespmem:$0x14B00] =	vst v63  }
0x25: {  	_ = 	snop  }
0x26: {  	[tilespmem:s18], [sflag:$0x2] =	stream.indirect.gather [hbm4b:s3+s10], $0x40, s17, s10, $0xb8;
	[tilespmem:$0x14B00] =	vst v63  }
0x27: {  	_ = 	snop  }
0x28: {  	[tilespmem:s20], [sflag:$0x2] =	stream.indirect.gather [hbm4b:s3+s10], $0x40, s19, s10, $0xb8;
	[tilespmem:$0x14B00] =	vst v63  }
0x29: {  	_ = 	snop  }
0x2a: {  	[tilespmem:s22], [sflag:$0x2] =	stream.indirect.gather [hbm4b:s3+s10], $0x40, s21, s10, $0xb8;
	[tilespmem:$0x14B00] =	vst v63  }
0x2b: {  	s31 =	simm.s32 $0x2820;
	s0 =	simm.s32 $0x0;
	s1 =	simm.s32 $0x2C30  }
0x2c: {  	[tilespmem:s24], [sflag:$0x2] =	stream.indirect.gather [hbm4b:s3+s10], $0x40, s23, s10, $0xb8;
	[tilespmem:$0x14B00] =	vst v63  }
.LBB2_2:
0x2d: {  	_ =	swait.ge [sflag:s25], $0x1400  }
0x2e: {  	[sflag:s25] =	ssyncset.done $0x0  }
0x2f: {  	[sflag:s25] =	ssyncadd.s32 $0xFFFFEC00  }
0x30: {  	_ =	swait.ge [sflag:s25], $0x1400  }
0x31: {  	[sflag:s25] =	ssyncset.done $0x0  }
0x32: {  	[sflag:s25] =	ssyncadd.s32 $0xFFFFEC00  }
0x33: {  	_ =	swait.ge [sflag:s25], $0x1400  }
0x34: {  	[sflag:s25] =	ssyncset.done $0x0  }
0x35: {  	s9 =	simm.s32 $0x0;
	s11 =	simm.s32 $0x0;
	[sflag:s25] =	ssyncadd.s32 $0xFFFFEC00  }
0x36: {  	s9 =	sand.u32 $0x3, s9;
	s11 =	smul.u32 $0x5000, s11;
	_ =	swait.ge [sflag:s25], $0x1400  }
0x37: {  	s9 =	smul.u32 $0x1400, s9;
	[sflag:s25] =	ssyncset.done $0x0  }
0x38: {  	[sflag:s25] =	ssyncadd.s32 $0xFFFFEC00  }
0x39: {  	s11 =	sshra.s32 s11, $0x2;
	s9 =	sshrl.u32 s9, $0x2;
	v16 =	vld [tilespmem:s31+$0xFFFFFFF0]  }
0x3a: {  	s9 =	sadd.s32 s9, s11;
	v17 =	vld [tilespmem:s31+$0xFFFFFFE0]  }
0x3b: {  	v18 =	vld [tilespmem:s9+$0xACD0]  }
0x3c: {  	v19 =	vld [tilespmem:s9+$0xACC0]  }
0x3d: {  	v20 =	vld [tilespmem:s9+$0xAC60]  }
0x3e: {  	v21 =	vld [tilespmem:s9+$0xAC80]  }
0x3f: {  	v22 =	vld [tilespmem:s9+$0xAC20]  }
0x40: {  	v23 =	vld [tilespmem:s9+$0xAC40]  }
0x41: {  	v24 =	vld [tilespmem:s9+$0xABE0]  }
0x42: {  	v25 =	vld [tilespmem:s9+$0xAC00]  }
0x43: {  	v26 =	vld [tilespmem:s9+$0xABA0]  }
0x44: {  	v27 =	vld [tilespmem:s9+$0xABC0]  }
0x45: {  	v28 =	vld [tilespmem:s9+$0xAB60]  }
0x46: {  	v29 =	vld [tilespmem:s9+$0xAB80]  }
0x47: {  	v30 =	vld [tilespmem:s9+$0xAB20]  }
0x48: {  	v31 =	vld [tilespmem:s9+$0xAB40]  }
0x49: {  	v32 =	vld [tilespmem:s9+$0xAAE0]  }
0x4a: {  	v33 =	vld [tilespmem:s9+$0xAB00]  }
0x4b: {  	v34 =	vld [tilespmem:s9+$0xAAA0]  }
0x4c: {  	v35 =	vld [tilespmem:s9+$0xAAC0]  }
0x4d: {  	v36 =	vld [tilespmem:s9+$0xAA60]  }
0x4e: {  	v37 =	vld [tilespmem:s9+$0xAA80]  }
0x4f: {  	v38 =	vld [tilespmem:s9+$0xAA20]  }
0x50: {  	v39 =	vld [tilespmem:s9+$0xAA40]  }
0x51: {  	v40 =	vld [tilespmem:s9+$0xA9E0]  }
0x52: {  	v41 =	vld [tilespmem:s9+$0xAA00]  }
0x53: {  	v42 =	vld [tilespmem:s9+$0xA9A0]  }
0x54: {  	v43 =	vld [tilespmem:s9+$0xA9C0]  }
0x55: {  	v44 =	vld [tilespmem:s9+$0xA960]  }
0x56: {  	v45 =	vld [tilespmem:s9+$0xA980]  }
0x57: {  	v46 =	vld [tilespmem:s9+$0xA920]  }
0x58: {  	v47 =	vld [tilespmem:s9+$0xA940]  }
0x59: {  	v48 =	vld [tilespmem:s9+$0xA8E0]  }
0x5a: {  	v49 =	vld [tilespmem:s9+$0xA900]  }
0x5b: {  	v50 =	vld [tilespmem:s9+$0xA8A0]  }
0x5c: {  	v51 =	vld [tilespmem:s9+$0xA8C0]  }
0x5d: {  	v52 =	vld [tilespmem:s9+$0xA860]  }
0x5e: {  	v53 =	vld [tilespmem:s9+$0xA880]  }
0x5f: {  	v54 =	vld [tilespmem:s9+$0xA800]  }
0x60: {  	v55 =	vld [tilespmem:s9+$0xA840]  }
0x61: {  	v56 =	vld [tilespmem:s9+$0xA810]  }
0x62: {  	v57 =	vld [tilespmem:s9+$0xA820]  }
0x63: {  	v58 =	vld [tilespmem:s9+$0xA850]  }
0x64: {  	v59 =	vld [tilespmem:s9+$0xA830];
	v54 =	vadd.f32 $0.0e+00, v54  }
0x65: {  	v60 =	vld [tilespmem:s9+$0xA890]  }
0x66: {  	v56 =	vadd.f32 $0.0e+00, v56;
	v54 =	vadd.f32 v55, v54;
	v55 =	vld [tilespmem:s9+$0xA870]  }
0x67: {  	v61 =	vld [tilespmem:s9+$0xA8D0];
	v57 =	vadd.f32 $0.0e+00, v57  }
0x68: {  	v56 =	vadd.f32 v58, v56;
	v53 =	vadd.f32 v53, v54;
	v54 =	vld [tilespmem:s9+$0xA8B0]  }
0x69: {  	v63 =	vadd.f32 $0.0e+00, v59;
	v52 =	vadd.f32 v52, v57;
	v57 =	vld [tilespmem:s9+$0xA910]  }
0x6a: {  	v56 =	vadd.f32 v60, v56;
	v51 =	vadd.f32 v51, v53;
	v53 =	vld [tilespmem:s9+$0xA8F0]  }
0x6b: {  	v50 =	vadd.f32 v50, v52;
	v60 =	vld [tilespmem:s9+$0xA950];
	v55 =	vadd.f32 v55, v63  }
0x6c: {  	v62 =	vld [tilespmem:s9+$0xA930];
	v56 =	vadd.f32 v61, v56;
	v49 =	vadd.f32 v49, v51  }
0x6d: {  	v48 =	vadd.f32 v48, v50;
	v63 =	vld [tilespmem:s9+$0xA990];
	v54 =	vadd.f32 v54, v55  }
0x6e: {  	v58 =	vld [tilespmem:s9+$0xA970];
	v57 =	vadd.f32 v57, v56;
	v47 =	vadd.f32 v47, v49  }
0x6f: {  	v59 =	vld [tilespmem:s9+$0xA9D0];
	v46 =	vadd.f32 v46, v48;
	v53 =	vadd.f32 v53, v54  }
0x70: {  	v52 =	vadd.f32 v60, v57;
	v60 =	vld [tilespmem:s9+$0xA9B0];
	v45 =	vadd.f32 v45, v47  }
0x71: {  	v61 =	vld [tilespmem:s9+$0xAA10];
	v44 =	vadd.f32 v44, v46;
	v51 =	vadd.f32 v62, v53  }
0x72: {  	v50 =	vadd.f32 v63, v52;
	v62 =	vld [tilespmem:s9+$0xA9F0];
	v43 =	vadd.f32 v43, v45  }
0x73: {  	v42 =	vadd.f32 v42, v44;
	v63 =	vld [tilespmem:s9+$0xAA50];
	v49 =	vadd.f32 v58, v51  }
0x74: {  	v52 =	vld [tilespmem:s9+$0xAA30];
	v48 =	vadd.f32 v59, v50;
	v41 =	vadd.f32 v41, v43  }
0x75: {  	v53 =	vld [tilespmem:s9+$0xAA90];
	v40 =	vadd.f32 v40, v42;
	v47 =	vadd.f32 v60, v49  }
0x76: {  	v54 =	vld [tilespmem:s9+$0xAA70];
	v46 =	vadd.f32 v61, v48;
	v39 =	vadd.f32 v39, v41  }
0x77: {  	v55 =	vld [tilespmem:s9+$0xAAD0];
	v38 =	vadd.f32 v38, v40;
	v45 =	vadd.f32 v62, v47  }
0x78: {  	v56 =	vld [tilespmem:s9+$0xAAB0];
	v44 =	vadd.f32 v63, v46;
	v37 =	vadd.f32 v37, v39  }
0x79: {  	v57 =	vld [tilespmem:s9+$0xAB10];
	v36 =	vadd.f32 v36, v38;
	v43 =	vadd.f32 v52, v45  }
0x7a: {  	v58 =	vld [tilespmem:s9+$0xAAF0];
	v42 =	vadd.f32 v53, v44;
	v35 =	vadd.f32 v35, v37  }
0x7b: {  	v59 =	vld [tilespmem:s9+$0xAB50];
	v34 =	vadd.f32 v34, v36;
	v41 =	vadd.f32 v54, v43  }
0x7c: {  	v60 =	vld [tilespmem:s9+$0xAB30];
	v40 =	vadd.f32 v55, v42;
	v33 =	vadd.f32 v33, v35  }
0x7d: {  	v61 =	vld [tilespmem:s9+$0xAB90];
	v32 =	vadd.f32 v32, v34;
	v39 =	vadd.f32 v56, v41  }
0x7e: {  	v62 =	vld [tilespmem:s9+$0xAB70];
	v38 =	vadd.f32 v57, v40;
	v31 =	vadd.f32 v31, v33  }
0x7f: {  	v63 =	vld [tilespmem:s9+$0xABD0];
	v30 =	vadd.f32 v30, v32;
	v37 =	vadd.f32 v58, v39  }
0x80: {  	v36 =	vadd.f32 v59, v38;
	v29 =	vadd.f32 v29, v31;
	v31 =	vld [tilespmem:s9+$0xABB0]  }
0x81: {  	v28 =	vadd.f32 v28, v30;
	v30 =	vld [tilespmem:s9+$0xAC10];
	v35 =	vadd.f32 v60, v37  }
0x82: {  	v34 =	vadd.f32 v61, v36;
	v27 =	vadd.f32 v27, v29;
	v29 =	vld [tilespmem:s9+$0xABF0]  }
0x83: {  	v26 =	vadd.f32 v26, v28;
	v28 =	vld [tilespmem:s9+$0xAC50];
	v33 =	vadd.f32 v62, v35  }
0x84: {  	v32 =	vadd.f32 v63, v34;
	v25 =	vadd.f32 v25, v27;
	v27 =	vld [tilespmem:s9+$0xAC30]  }
0x85: {  	v24 =	vadd.f32 v24, v26;
	v26 =	vld [tilespmem:s9+$0xAC90];
	v31 =	vadd.f32 v31, v33  }
0x86: {  	v30 =	vadd.f32 v30, v32;
	v23 =	vadd.f32 v23, v25;
	v25 =	vld [tilespmem:s9+$0xAC70]  }
0x87: {  	v22 =	vadd.f32 v22, v24;
	v24 =	vld [tilespmem:s9+$0xACA0];
	v29 =	vadd.f32 v29, v31  }
0x88: {  	v28 =	vadd.f32 v28, v30;
	v21 =	vadd.f32 v21, v23;
	v23 =	vld [tilespmem:s9+$0xACB0]  }
0x89: {  	v20 =	vadd.f32 v20, v22;
	v22 =	vld [tilespmem:s9+$0xACE0];
	v27 =	vadd.f32 v27, v29  }
0x8a: {  	v26 =	vadd.f32 v26, v28;
	v19 =	vadd.f32 v19, v21;
	v21 =	vld [tilespmem:s31+$0x0]  }
0x8b: {  	v25 =	vadd.f32 v25, v27;
	v27 =	vld [tilespmem:s9+$0xACF0]  }
0x8c: {  	v20 =	vadd.f32 v24, v20;
	v18 =	vadd.f32 v18, v26;
	v17 =	vmul.f32 v17, v19  }
0x8d: {  	v19 =	vadd.f32 v23, v25;
	v23 =	vld [tilespmem:s31+$0x10]  }
0x8e: {  	v20 =	vadd.f32 v22, v20;
	v16 =	vmul.f32 v16, v18;
	v17 =	vadd.f32 $0.0e+00, v17;
	_ =	sdelay $0x1  }
0x8f: {  	v18 =	vadd.f32 v27, v19;
	v16 =	vadd.f32 v16, v17;
	v17 =	vmul.f32 v21, v20;
	_ =	sdelay $0x1  }
0x90: {  	v16 =	vadd.f32 v17, v16;
	v17 =	vmul.f32 v23, v18  }
0x91: {  	s14 =	simm.s32 $0x1;
	s15 =	simm.s32 $0x0  }
0x92: {  	s12 =	sand.u32 $0x3, s14;
	s13 =	smul.u32 $0x5000, s15;
	v16 =	vadd.f32 v17, v16  }
0x93: {  	s12 =	smul.u32 $0x1400, s12;
	s9 =	simm.s32 $0x14800  }
0x94: {  	s11 =	sadd.s32 $0x40, s31;
	[tilespmem:s9+$0x0] =	vst v16  }
0x95: {  	s13 =	sshra.s32 s13, $0x2;
	s12 =	sshrl.u32 s12, $0x2;
	v16 =	vld [tilespmem:s11+$0xFFFFFFF0]  }
0x96: {  	s12 =	sadd.s32 s12, s13;
	v17 =	vld [tilespmem:s11+$0xFFFFFFE0]  }
0x97: {  	v18 =	vld [tilespmem:s12+$0xACD0]  }
0x98: {  	v19 =	vld [tilespmem:s12+$0xACC0]  }
0x99: {  	v20 =	vld [tilespmem:s12+$0xAC60]  }
0x9a: {  	v21 =	vld [tilespmem:s12+$0xAC80]  }
0x9b: {  	v22 =	vld [tilespmem:s12+$0xAC20]  }
0x9c: {  	v23 =	vld [tilespmem:s12+$0xAC40]  }
0x9d: {  	v24 =	vld [tilespmem:s12+$0xABE0]  }
0x9e: {  	v25 =	vld [tilespmem:s12+$0xAC00]  }
0x9f: {  	v26 =	vld [tilespmem:s12+$0xABA0]  }
0xa0: {  	v27 =	vld [tilespmem:s12+$0xABC0]  }
0xa1: {  	v28 =	vld [tilespmem:s12+$0xAB60]  }
0xa2: {  	v29 =	vld [tilespmem:s12+$0xAB80]  }
0xa3: {  	v30 =	vld [tilespmem:s12+$0xAB20]  }
0xa4: {  	v31 =	vld [tilespmem:s12+$0xAB40]  }
0xa5: {  	v32 =	vld [tilespmem:s12+$0xAAE0]  }
0xa6: {  	v33 =	vld [tilespmem:s12+$0xAB00]  }
0xa7: {  	v34 =	vld [tilespmem:s12+$0xAAA0]  }
0xa8: {  	v35 =	vld [tilespmem:s12+$0xAAC0]  }
0xa9: {  	v36 =	vld [tilespmem:s12+$0xAA60]  }
0xaa: {  	v37 =	vld [tilespmem:s12+$0xAA80]  }
0xab: {  	v38 =	vld [tilespmem:s12+$0xAA20]  }
0xac: {  	v39 =	vld [tilespmem:s12+$0xAA40]  }
0xad: {  	v40 =	vld [tilespmem:s12+$0xA9E0]  }
0xae: {  	v41 =	vld [tilespmem:s12+$0xAA00]  }
0xaf: {  	v42 =	vld [tilespmem:s12+$0xA9A0]  }
0xb0: {  	v43 =	vld [tilespmem:s12+$0xA9C0]  }
0xb1: {  	v44 =	vld [tilespmem:s12+$0xA960]  }
0xb2: {  	v45 =	vld [tilespmem:s12+$0xA980]  }
0xb3: {  	v46 =	vld [tilespmem:s12+$0xA920]  }
0xb4: {  	v47 =	vld [tilespmem:s12+$0xA940]  }
0xb5: {  	v48 =	vld [tilespmem:s12+$0xA8E0]  }
0xb6: {  	s13 =	simm.s32 $0x2;
	v49 =	vld [tilespmem:s12+$0xA900]  }
.LBB2_3:
0xb7: {  	p0 =	sne.s32 s13, $0xF;
	v50 =	vld [tilespmem:s12+$0xA8A0]  }
0xb8: {  	v51 =	vld [tilespmem:s12+$0xA8C0]  }
0xb9: {  	v52 =	vld [tilespmem:s12+$0xA860]  }
0xba: {  	v53 =	vld [tilespmem:s12+$0xA880]  }
0xbb: {  	v54 =	vld [tilespmem:s12+$0xA800]  }
0xbc: {  	v55 =	vld [tilespmem:s12+$0xA840]  }
0xbd: {  	v56 =	vld [tilespmem:s12+$0xA810]  }
0xbe: {  	v57 =	vld [tilespmem:s12+$0xA820]  }
0xbf: {  	v58 =	vld [tilespmem:s12+$0xA850]  }
0xc0: {  	v54 =	vadd.f32 $0.0e+00, v54;
	v59 =	vld [tilespmem:s12+$0xA830]  }
0xc1: {  	v60 =	vld [tilespmem:s12+$0xA890]  }
0xc2: {  	v56 =	vadd.f32 $0.0e+00, v56;
	v54 =	vadd.f32 v55, v54;
	v55 =	vld [tilespmem:s12+$0xA870]  }
0xc3: {  	v57 =	vadd.f32 $0.0e+00, v57;
	v61 =	vld [tilespmem:s12+$0xA8D0]  }
0xc4: {  	v56 =	vadd.f32 v58, v56;
	v53 =	vadd.f32 v53, v54;
	v54 =	vld [tilespmem:s12+$0xA8B0]  }
0xc5: {  	v58 =	vadd.f32 $0.0e+00, v59;
	v52 =	vadd.f32 v52, v57;
	v57 =	vld [tilespmem:s12+$0xA910]  }
0xc6: {  	v56 =	vadd.f32 v60, v56;
	v51 =	vadd.f32 v51, v53;
	v53 =	vld [tilespmem:s12+$0xA8F0]  }
0xc7: {  	v55 =	vadd.f32 v55, v58;
	v50 =	vadd.f32 v50, v52;
	v52 =	vld [tilespmem:s12+$0xA950]  }
0xc8: {  	v56 =	vadd.f32 v61, v56;
	v49 =	vadd.f32 v49, v51;
	v51 =	vld [tilespmem:s12+$0xA930]  }
0xc9: {  	v54 =	vadd.f32 v54, v55;
	v48 =	vadd.f32 v48, v50;
	v50 =	vld [tilespmem:s12+$0xA990]  }
0xca: {  	v55 =	vadd.f32 v57, v56;
	v47 =	vadd.f32 v47, v49;
	v49 =	vld [tilespmem:s12+$0xA970]  }
0xcb: {  	v53 =	vadd.f32 v53, v54;
	v46 =	vadd.f32 v46, v48;
	v48 =	vld [tilespmem:s12+$0xA9D0]  }
0xcc: {  	v52 =	vadd.f32 v52, v55;
	v45 =	vadd.f32 v45, v47;
	v47 =	vld [tilespmem:s12+$0xA9B0]  }
0xcd: {  	v51 =	vadd.f32 v51, v53;
	v44 =	vadd.f32 v44, v46;
	v46 =	vld [tilespmem:s12+$0xAA10]  }
0xce: {  	v50 =	vadd.f32 v50, v52;
	v43 =	vadd.f32 v43, v45;
	v45 =	vld [tilespmem:s12+$0xA9F0]  }
0xcf: {  	v49 =	vadd.f32 v49, v51;
	v42 =	vadd.f32 v42, v44;
	v44 =	vld [tilespmem:s12+$0xAA50]  }
0xd0: {  	v48 =	vadd.f32 v48, v50;
	v41 =	vadd.f32 v41, v43;
	v43 =	vld [tilespmem:s12+$0xAA30]  }
0xd1: {  	v47 =	vadd.f32 v47, v49;
	v40 =	vadd.f32 v40, v42;
	v42 =	vld [tilespmem:s12+$0xAA90]  }
0xd2: {  	v46 =	vadd.f32 v46, v48;
	v39 =	vadd.f32 v39, v41;
	v41 =	vld [tilespmem:s12+$0xAA70]  }
0xd3: {  	v45 =	vadd.f32 v45, v47;
	v38 =	vadd.f32 v38, v40;
	v40 =	vld [tilespmem:s12+$0xAAD0]  }
0xd4: {  	v44 =	vadd.f32 v44, v46;
	v37 =	vadd.f32 v37, v39;
	v39 =	vld [tilespmem:s12+$0xAAB0]  }
0xd5: {  	v43 =	vadd.f32 v43, v45;
	v36 =	vadd.f32 v36, v38;
	v38 =	vld [tilespmem:s12+$0xAB10]  }
0xd6: {  	v42 =	vadd.f32 v42, v44;
	v35 =	vadd.f32 v35, v37;
	v37 =	vld [tilespmem:s12+$0xAAF0]  }
0xd7: {  	v41 =	vadd.f32 v41, v43;
	v34 =	vadd.f32 v34, v36;
	v36 =	vld [tilespmem:s12+$0xAB50]  }
0xd8: {  	v40 =	vadd.f32 v40, v42;
	v33 =	vadd.f32 v33, v35;
	v35 =	vld [tilespmem:s12+$0xAB30]  }
0xd9: {  	v39 =	vadd.f32 v39, v41;
	v32 =	vadd.f32 v32, v34;
	v34 =	vld [tilespmem:s12+$0xAB90]  }
0xda: {  	v38 =	vadd.f32 v38, v40;
	v31 =	vadd.f32 v31, v33;
	v33 =	vld [tilespmem:s12+$0xAB70]  }
0xdb: {  	v37 =	vadd.f32 v37, v39;
	v30 =	vadd.f32 v30, v32;
	v32 =	vld [tilespmem:s12+$0xABD0]  }
0xdc: {  	v36 =	vadd.f32 v36, v38;
	v29 =	vadd.f32 v29, v31;
	v31 =	vld [tilespmem:s12+$0xABB0]  }
0xdd: {  	v35 =	vadd.f32 v35, v37;
	v28 =	vadd.f32 v28, v30;
	v30 =	vld [tilespmem:s12+$0xAC10]  }
0xde: {  	v34 =	vadd.f32 v34, v36;
	v27 =	vadd.f32 v27, v29;
	v29 =	vld [tilespmem:s12+$0xABF0]  }
0xdf: {  	v33 =	vadd.f32 v33, v35;
	v26 =	vadd.f32 v26, v28;
	v28 =	vld [tilespmem:s12+$0xAC50]  }
0xe0: {  	v32 =	vadd.f32 v32, v34;
	v25 =	vadd.f32 v25, v27;
	v27 =	vld [tilespmem:s12+$0xAC30]  }
0xe1: {  	v31 =	vadd.f32 v31, v33;
	v24 =	vadd.f32 v24, v26;
	v26 =	vld [tilespmem:s12+$0xAC90]  }
0xe2: {  	v30 =	vadd.f32 v30, v32;
	v23 =	vadd.f32 v23, v25;
	v25 =	vld [tilespmem:s12+$0xAC70]  }
0xe3: {  	v29 =	vadd.f32 v29, v31;
	v22 =	vadd.f32 v22, v24;
	v24 =	vld [tilespmem:s12+$0xACA0]  }
0xe4: {  	v28 =	vadd.f32 v28, v30;
	v21 =	vadd.f32 v21, v23;
	v23 =	vld [tilespmem:s12+$0xACB0]  }
0xe5: {  	v27 =	vadd.f32 v27, v29;
	v20 =	vadd.f32 v20, v22;
	v22 =	vld [tilespmem:s12+$0xACE0]  }
0xe6: {  	v26 =	vadd.f32 v26, v28;
	v19 =	vadd.f32 v19, v21;
	v21 =	vld [tilespmem:s11+$0x0]  }
0xe7: {  	v25 =	vadd.f32 v25, v27;
	v27 =	vld [tilespmem:s12+$0xACF0]  }
0xe8: {  	v20 =	vadd.f32 v24, v20;
	v18 =	vadd.f32 v18, v26;
	v17 =	vmul.f32 v17, v19  }
0xe9: {  	v19 =	vadd.f32 v23, v25;
	v23 =	vld [tilespmem:s11+$0x10]  }
0xea: {  	v20 =	vadd.f32 v22, v20;
	v17 =	vadd.f32 $0.0e+00, v17;
	v16 =	vmul.f32 v16, v18;
	_ =	sdelay $0x1  }
0xeb: {  	v18 =	vadd.f32 v27, v19;
	v16 =	vadd.f32 v16, v17;
	v17 =	vmul.f32 v21, v20;
	_ =	sdelay $0x1  }
0xec: {  	v16 =	vadd.f32 v17, v16;
	v17 =	vmul.f32 v23, v18  }
0xed: {  	s12 =	sshrl.u32 s13, $0x2  }
0xee: {  	s14 =	sand.u32 $0x3, s13;
	s12 =	smul.u32 $0x5000, s12;
	v16 =	vadd.f32 v17, v16  }
0xef: {  	s9 =	sadd.s32 $0x10, s9;
	s14 =	smul.u32 $0x1400, s14  }
0xf0: {  	s11 =	sadd.s32 $0x40, s11;
	[tilespmem:s9+$0x0] =	vst v16  }
0xf1: {  	s14 =	sshrl.u32 s14, $0x2;
	s12 =	sshra.s32 s12, $0x2;
	v16 =	vld [tilespmem:s11+$0xFFFFFFF0]  }
0xf2: {  	s12 =	sadd.s32 s14, s12;
	v17 =	vld [tilespmem:s11+$0xFFFFFFE0]  }
0xf3: {  	v18 =	vld [tilespmem:s12+$0xACD0]  }
0xf4: {  	v19 =	vld [tilespmem:s12+$0xACC0]  }
0xf5: {  	v20 =	vld [tilespmem:s12+$0xAC60]  }
0xf6: {  	v21 =	vld [tilespmem:s12+$0xAC80]  }
0xf7: {  	v22 =	vld [tilespmem:s12+$0xAC20]  }
0xf8: {  	v23 =	vld [tilespmem:s12+$0xAC40]  }
0xf9: {  	v24 =	vld [tilespmem:s12+$0xABE0]  }
0xfa: {  	v25 =	vld [tilespmem:s12+$0xAC00]  }
0xfb: {  	v26 =	vld [tilespmem:s12+$0xABA0]  }
0xfc: {  	v27 =	vld [tilespmem:s12+$0xABC0]  }
0xfd: {  	v28 =	vld [tilespmem:s12+$0xAB60]  }
0xfe: {  	v29 =	vld [tilespmem:s12+$0xAB80]  }
0xff: {  	v30 =	vld [tilespmem:s12+$0xAB20]  }
0x100: {  	v31 =	vld [tilespmem:s12+$0xAB40]  }
0x101: {  	v32 =	vld [tilespmem:s12+$0xAAE0]  }
0x102: {  	v33 =	vld [tilespmem:s12+$0xAB00]  }
0x103: {  	v34 =	vld [tilespmem:s12+$0xAAA0]  }
0x104: {  	v35 =	vld [tilespmem:s12+$0xAAC0]  }
0x105: {  	v36 =	vld [tilespmem:s12+$0xAA60]  }
0x106: {  	v37 =	vld [tilespmem:s12+$0xAA80]  }
0x107: {  	v38 =	vld [tilespmem:s12+$0xAA20]  }
0x108: {  	v39 =	vld [tilespmem:s12+$0xAA40]  }
0x109: {  	v40 =	vld [tilespmem:s12+$0xA9E0]  }
0x10a: {  	v41 =	vld [tilespmem:s12+$0xAA00]  }
0x10b: {  	v42 =	vld [tilespmem:s12+$0xA9A0]  }
0x10c: {  	v43 =	vld [tilespmem:s12+$0xA9C0]  }
0x10d: {  	v44 =	vld [tilespmem:s12+$0xA960]  }
.Ltmp2:
0x10e: {  	v45 =	vld [tilespmem:s12+$0xA980];
	(pc) =	sbr.rel @p0 .LBB2_3-.Ltmp2, $4  }
0x10f: {  	v46 =	vld [tilespmem:s12+$0xA920]  }
0x110: {  	v47 =	vld [tilespmem:s12+$0xA940]  }
0x111: {  	v48 =	vld [tilespmem:s12+$0xA8E0]  }
0x112: {  	s13 =	sadd.s32 $0x1, s13;
	v49 =	vld [tilespmem:s12+$0xA900]  }
0x113: {  	v50 =	vld [tilespmem:s12+$0xA8A0]  }
0x114: {  	v51 =	vld [tilespmem:s12+$0xA8C0]  }
0x115: {  	v52 =	vld [tilespmem:s12+$0xA860]  }
0x116: {  	v53 =	vld [tilespmem:s12+$0xA880]  }
0x117: {  	v54 =	vld [tilespmem:s12+$0xA800]  }
0x118: {  	v55 =	vld [tilespmem:s12+$0xA840]  }
0x119: {  	v56 =	vld [tilespmem:s12+$0xA810]  }
0x11a: {  	v57 =	vld [tilespmem:s12+$0xA820]  }
0x11b: {  	v58 =	vld [tilespmem:s12+$0xA850]  }
0x11c: {  	v59 =	vld [tilespmem:s12+$0xA830];
	v54 =	vadd.f32 $0.0e+00, v54  }
0x11d: {  	v60 =	vld [tilespmem:s12+$0xA890]  }
0x11e: {  	v56 =	vadd.f32 $0.0e+00, v56;
	v54 =	vadd.f32 v55, v54;
	v55 =	vld [tilespmem:s12+$0xA870]  }
0x11f: {  	v61 =	vld [tilespmem:s12+$0xA8D0];
	v57 =	vadd.f32 $0.0e+00, v57  }
0x120: {  	v56 =	vadd.f32 v58, v56;
	v53 =	vadd.f32 v53, v54;
	v54 =	vld [tilespmem:s12+$0xA8B0]  }
0x121: {  	v63 =	vadd.f32 $0.0e+00, v59;
	v52 =	vadd.f32 v52, v57;
	v57 =	vld [tilespmem:s12+$0xA910]  }
0x122: {  	v56 =	vadd.f32 v60, v56;
	v51 =	vadd.f32 v51, v53;
	v53 =	vld [tilespmem:s12+$0xA8F0]  }
0x123: {  	v50 =	vadd.f32 v50, v52;
	v60 =	vld [tilespmem:s12+$0xA950];
	v55 =	vadd.f32 v55, v63  }
0x124: {  	v62 =	vld [tilespmem:s12+$0xA930];
	v56 =	vadd.f32 v61, v56;
	v49 =	vadd.f32 v49, v51  }
0x125: {  	v48 =	vadd.f32 v48, v50;
	v63 =	vld [tilespmem:s12+$0xA990];
	v54 =	vadd.f32 v54, v55  }
0x126: {  	v58 =	vld [tilespmem:s12+$0xA970];
	v57 =	vadd.f32 v57, v56;
	v47 =	vadd.f32 v47, v49  }
0x127: {  	v59 =	vld [tilespmem:s12+$0xA9D0];
	v46 =	vadd.f32 v46, v48;
	v53 =	vadd.f32 v53, v54  }
0x128: {  	v52 =	vadd.f32 v60, v57;
	v60 =	vld [tilespmem:s12+$0xA9B0];
	v45 =	vadd.f32 v45, v47  }
0x129: {  	v61 =	vld [tilespmem:s12+$0xAA10];
	v44 =	vadd.f32 v44, v46;
	v51 =	vadd.f32 v62, v53  }
0x12a: {  	v50 =	vadd.f32 v63, v52;
	v62 =	vld [tilespmem:s12+$0xA9F0];
	v43 =	vadd.f32 v43, v45  }
0x12b: {  	v42 =	vadd.f32 v42, v44;
	v63 =	vld [tilespmem:s12+$0xAA50];
	v49 =	vadd.f32 v58, v51  }
0x12c: {  	v48 =	vadd.f32 v59, v50;
	v50 =	vld [tilespmem:s12+$0xAA30];
	v41 =	vadd.f32 v41, v43  }
0x12d: {  	v40 =	vadd.f32 v40, v42;
	v51 =	vld [tilespmem:s12+$0xAA90];
	v47 =	vadd.f32 v60, v49  }
0x12e: {  	v52 =	vld [tilespmem:s12+$0xAA70];
	v46 =	vadd.f32 v61, v48;
	v39 =	vadd.f32 v39, v41  }
0x12f: {  	v53 =	vld [tilespmem:s12+$0xAAD0];
	v38 =	vadd.f32 v38, v40;
	v45 =	vadd.f32 v62, v47  }
0x130: {  	v54 =	vld [tilespmem:s12+$0xAAB0];
	v44 =	vadd.f32 v63, v46;
	v37 =	vadd.f32 v37, v39  }
0x131: {  	v55 =	vld [tilespmem:s12+$0xAB10];
	v36 =	vadd.f32 v36, v38;
	v43 =	vadd.f32 v50, v45  }
0x132: {  	v56 =	vld [tilespmem:s12+$0xAAF0];
	v42 =	vadd.f32 v51, v44;
	v35 =	vadd.f32 v35, v37  }
0x133: {  	v57 =	vld [tilespmem:s12+$0xAB50];
	v34 =	vadd.f32 v34, v36;
	v41 =	vadd.f32 v52, v43  }
0x134: {  	v58 =	vld [tilespmem:s12+$0xAB30];
	v40 =	vadd.f32 v53, v42;
	v33 =	vadd.f32 v33, v35  }
0x135: {  	v59 =	vld [tilespmem:s12+$0xAB90];
	v32 =	vadd.f32 v32, v34;
	v39 =	vadd.f32 v54, v41  }
0x136: {  	v60 =	vld [tilespmem:s12+$0xAB70];
	v38 =	vadd.f32 v55, v40;
	v31 =	vadd.f32 v31, v33  }
0x137: {  	v61 =	vld [tilespmem:s12+$0xABD0];
	v30 =	vadd.f32 v30, v32;
	v37 =	vadd.f32 v56, v39  }
0x138: {  	v36 =	vadd.f32 v57, v38;
	v29 =	vadd.f32 v29, v31;
	v31 =	vld [tilespmem:s12+$0xABB0]  }
0x139: {  	v28 =	vadd.f32 v28, v30;
	v30 =	vld [tilespmem:s12+$0xAC10];
	v35 =	vadd.f32 v58, v37  }
0x13a: {  	v34 =	vadd.f32 v59, v36;
	v27 =	vadd.f32 v27, v29;
	v29 =	vld [tilespmem:s12+$0xABF0]  }
0x13b: {  	v26 =	vadd.f32 v26, v28;
	v28 =	vld [tilespmem:s12+$0xAC50];
	v33 =	vadd.f32 v60, v35  }
0x13c: {  	v32 =	vadd.f32 v61, v34;
	v25 =	vadd.f32 v25, v27;
	v27 =	vld [tilespmem:s12+$0xAC30]  }
0x13d: {  	v24 =	vadd.f32 v24, v26;
	v26 =	vld [tilespmem:s12+$0xAC90];
	v31 =	vadd.f32 v31, v33  }
0x13e: {  	v30 =	vadd.f32 v30, v32;
	v23 =	vadd.f32 v23, v25;
	v25 =	vld [tilespmem:s12+$0xAC70]  }
0x13f: {  	v22 =	vadd.f32 v22, v24;
	v24 =	vld [tilespmem:s12+$0xACA0];
	v29 =	vadd.f32 v29, v31  }
0x140: {  	v28 =	vadd.f32 v28, v30;
	v21 =	vadd.f32 v21, v23;
	v23 =	vld [tilespmem:s12+$0xACB0]  }
0x141: {  	v20 =	vadd.f32 v20, v22;
	v22 =	vld [tilespmem:s12+$0xACE0];
	v27 =	vadd.f32 v27, v29  }
0x142: {  	v26 =	vadd.f32 v26, v28;
	v19 =	vadd.f32 v19, v21;
	v21 =	vld [tilespmem:s11+$0x0]  }
0x143: {  	v25 =	vadd.f32 v25, v27;
	v27 =	vld [tilespmem:s12+$0xACF0]  }
0x144: {  	v20 =	vadd.f32 v24, v20;
	v18 =	vadd.f32 v18, v26;
	v17 =	vmul.f32 v17, v19  }
0x145: {  	v19 =	vadd.f32 v23, v25;
	v23 =	vld [tilespmem:s11+$0x10]  }
0x146: {  	v20 =	vadd.f32 v22, v20;
	v16 =	vmul.f32 v16, v18;
	v17 =	vadd.f32 $0.0e+00, v17;
	_ =	sdelay $0x1  }
0x147: {  	v18 =	vadd.f32 v27, v19;
	v16 =	vadd.f32 v16, v17;
	v17 =	vmul.f32 v21, v20;
	_ =	sdelay $0x1  }
0x148: {  	v16 =	vadd.f32 v17, v16;
	v17 =	vmul.f32 v23, v18;
	_ =	sdelay $0x1  }
0x149: {  	v16 =	vadd.f32 v17, v16  }
0x14a: {  	s9 =	sadd.s32 $0x10, s9  }
0x14b: {  	[tilespmem:s9+$0x0] =	vst v16  }
0x14c: {  	v16 =	vld.idx.msk [tilespmem:v0+s26+$0x0], $0xffff;
	_ =	sdelay $0x1  }
0x14d: {  	v17 =	vld.idx.msk [tilespmem:v1+s26+$0x0], $0xffff;
	_ =	sdelay $0x1  }
0x14e: {  	v18 =	vld.idx.msk [tilespmem:v2+s26+$0x0], $0xffff  }
0x14f: {  	v16 =	vadd.f32 $0.0e+00, v16  }
0x150: {  	v19 =	vld.idx.msk [tilespmem:v3+s26+$0x0], $0xffff  }
0x151: {  	v16 =	vadd.f32 v17, v16  }
0x152: {  	v17 =	vld.idx.msk [tilespmem:v4+s26+$0x0], $0xffff  }
0x153: {  	v16 =	vadd.f32 v18, v16  }
0x154: {  	v18 =	vld.idx.msk [tilespmem:v5+s26+$0x0], $0xffff  }
0x155: {  	v16 =	vadd.f32 v19, v16  }
0x156: {  	v19 =	vld.idx.msk [tilespmem:v6+s26+$0x0], $0xffff  }
0x157: {  	v16 =	vadd.f32 v17, v16  }
0x158: {  	v17 =	vld.idx.msk [tilespmem:v7+s26+$0x0], $0xffff  }
0x159: {  	v16 =	vadd.f32 v18, v16  }
0x15a: {  	v18 =	vld.idx.msk [tilespmem:v8+s26+$0x0], $0xffff  }
0x15b: {  	v16 =	vadd.f32 v19, v16  }
0x15c: {  	v19 =	vld.idx.msk [tilespmem:v9+s26+$0x0], $0xffff  }
0x15d: {  	v16 =	vadd.f32 v17, v16  }
0x15e: {  	v17 =	vld.idx.msk [tilespmem:v10+s26+$0x0], $0xffff  }
0x15f: {  	v16 =	vadd.f32 v18, v16  }
0x160: {  	v18 =	vld.idx.msk [tilespmem:v11+s26+$0x0], $0xffff  }
0x161: {  	v16 =	vadd.f32 v19, v16  }
0x162: {  	v19 =	vld.idx.msk [tilespmem:v12+s26+$0x0], $0xffff  }
0x163: {  	v16 =	vadd.f32 v17, v16  }
0x164: {  	v17 =	vld.idx.msk [tilespmem:v13+s26+$0x0], $0xffff  }
0x165: {  	v16 =	vadd.f32 v18, v16  }
0x166: {  	v18 =	vld.idx.msk [tilespmem:v14+s26+$0x0], $0xffff  }
0x167: {  	v16 =	vadd.f32 v19, v16  }
0x168: {  	v19 =	vld.idx.msk [tilespmem:v15+s26+$0x0], $0xffff  }
0x169: {  	v16 =	vadd.f32 v17, v16;
	_ =	sdelay $0x1  }
0x16a: {  	v16 =	vadd.f32 v18, v16;
	_ =	sdelay $0x1  }
0x16b: {  	p0 =	seq.s32 s0, $0xF;
	v16 =	vadd.f32 v19, v16  }
0x16c: {  	s9 =	smul.u32 @!p0 $0xA00, s0  }
0x16d: {  	s13 =	sshll.u32 s0, $0x5;
	v16 =	vmul.f32 $5.000000070e-02, v16  }
0x16e: {  	s11 =	sand.u32 $0x3FFFFFE0, s13;
	s9 =	sshra.s32 @!p0 s9, $0x2  }
0x16f: {  	s12 =	simm.s32 @!p0 $0x50;
	s13 =	simm.s32 @!p0 $0xA800;
	[tilespmem:s11+$0x14900] =	vst v16;
	s11 =	sadd.s32 @!p0 $0x280, s9  }
0x170: {  	[tilespmem:s13], [sflag:$0x1] =	stream.indirect.gather @!p0 [hbm4b:s3+s12], $0x40, s11, s12, $0xb8;
	[tilespmem:$0x14B00] =	vst v63  }
0x171: {  	s11 =	sadd.s32 @!p0 $0x2D0, s9;
	s13 =	simm.s32 @!p0 $0xBC00  }
0x172: {  	[tilespmem:s13], [sflag:$0x1] =	stream.indirect.gather @!p0 [hbm4b:s3+s12], $0x40, s11, s12, $0xb8;
	[tilespmem:$0x14B00] =	vst v63  }
0x173: {  	s11 =	sadd.s32 @!p0 $0x320, s9;
	s13 =	simm.s32 @!p0 $0xD000  }
0x174: {  	[tilespmem:s13], [sflag:$0x1] =	stream.indirect.gather @!p0 [hbm4b:s3+s12], $0x40, s11, s12, $0xb8;
	[tilespmem:$0x14B00] =	vst v63  }
0x175: {  	s9 =	sadd.s32 @!p0 $0x370, s9;
	s11 =	simm.s32 @!p0 $0xE400  }
0x176: {  	[tilespmem:s11], [sflag:$0x1] =	stream.indirect.gather @!p0 [hbm4b:s3+s12], $0x40, s9, s12, $0xb8;
	[tilespmem:$0x14B00] =	vst v63  }
0x177: {  	_ =	swait.ge [sflag:s28], $0x1400  }
0x178: {  	[sflag:s28] =	ssyncset.done $0x0  }
0x179: {  	[sflag:s28] =	ssyncadd.s32 $0xFFFFEC00  }
0x17a: {  	_ =	swait.ge [sflag:s28], $0x1400  }
0x17b: {  	[sflag:s28] =	ssyncset.done $0x0  }
0x17c: {  	[sflag:s28] =	ssyncadd.s32 $0xFFFFEC00  }
0x17d: {  	_ =	swait.ge [sflag:s28], $0x1400  }
0x17e: {  	[sflag:s28] =	ssyncset.done $0x0  }
0x17f: {  	s14 =	simm.s32 $0x0;
	s15 =	simm.s32 $0x0;
	[sflag:s28] =	ssyncadd.s32 $0xFFFFEC00  }
0x180: {  	s9 =	sand.u32 $0x3, s14;
	s11 =	smul.u32 $0x5000, s15;
	_ =	swait.ge [sflag:s28], $0x1400  }
0x181: {  	s9 =	smul.u32 $0x1400, s9;
	[sflag:s28] =	ssyncset.done $0x0  }
0x182: {  	[sflag:s28] =	ssyncadd.s32 $0xFFFFEC00  }
0x183: {  	s11 =	sshra.s32 s11, $0x2;
	s9 =	sshrl.u32 s9, $0x2;
	v16 =	vld [tilespmem:s1+$0xFFFFFFE0]  }
0x184: {  	s9 =	sadd.s32 s9, s11;
	v17 =	vld [tilespmem:s1+$0xFFFFFFD0]  }
0x185: {  	v18 =	vld [tilespmem:s9+$0xFCD0]  }
0x186: {  	v19 =	vld [tilespmem:s9+$0xFCC0]  }
0x187: {  	v20 =	vld [tilespmem:s9+$0xFC60]  }
0x188: {  	v21 =	vld [tilespmem:s9+$0xFC80]  }
0x189: {  	v22 =	vld [tilespmem:s9+$0xFC20]  }
0x18a: {  	v23 =	vld [tilespmem:s9+$0xFC40]  }
0x18b: {  	v24 =	vld [tilespmem:s9+$0xFBE0]  }
0x18c: {  	v25 =	vld [tilespmem:s9+$0xFC00]  }
0x18d: {  	v26 =	vld [tilespmem:s9+$0xFBA0]  }
0x18e: {  	v27 =	vld [tilespmem:s9+$0xFBC0]  }
0x18f: {  	v28 =	vld [tilespmem:s9+$0xFB60]  }
0x190: {  	v29 =	vld [tilespmem:s9+$0xFB80]  }
0x191: {  	v30 =	vld [tilespmem:s9+$0xFB20]  }
0x192: {  	v31 =	vld [tilespmem:s9+$0xFB40]  }
0x193: {  	v32 =	vld [tilespmem:s9+$0xFAE0]  }
0x194: {  	v33 =	vld [tilespmem:s9+$0xFB00]  }
0x195: {  	v34 =	vld [tilespmem:s9+$0xFAA0]  }
0x196: {  	v35 =	vld [tilespmem:s9+$0xFAC0]  }
0x197: {  	v36 =	vld [tilespmem:s9+$0xFA60]  }
0x198: {  	v37 =	vld [tilespmem:s9+$0xFA80]  }
0x199: {  	v38 =	vld [tilespmem:s9+$0xFA20]  }
0x19a: {  	v39 =	vld [tilespmem:s9+$0xFA40]  }
0x19b: {  	v40 =	vld [tilespmem:s9+$0xF9E0]  }
0x19c: {  	v41 =	vld [tilespmem:s9+$0xFA00]  }
0x19d: {  	v42 =	vld [tilespmem:s9+$0xF9A0]  }
0x19e: {  	v43 =	vld [tilespmem:s9+$0xF9C0]  }
0x19f: {  	v44 =	vld [tilespmem:s9+$0xF960]  }
0x1a0: {  	v45 =	vld [tilespmem:s9+$0xF980]  }
0x1a1: {  	v46 =	vld [tilespmem:s9+$0xF920]  }
0x1a2: {  	v47 =	vld [tilespmem:s9+$0xF940]  }
0x1a3: {  	v48 =	vld [tilespmem:s9+$0xF8E0]  }
0x1a4: {  	v49 =	vld [tilespmem:s9+$0xF900]  }
0x1a5: {  	v50 =	vld [tilespmem:s9+$0xF8A0]  }
0x1a6: {  	v51 =	vld [tilespmem:s9+$0xF8C0]  }
0x1a7: {  	v52 =	vld [tilespmem:s9+$0xF860]  }
0x1a8: {  	v53 =	vld [tilespmem:s9+$0xF880]  }
0x1a9: {  	v62 =	vld [tilespmem:s9+$0xF800]  }
0x1aa: {  	v55 =	vld [tilespmem:s9+$0xF840]  }
0x1ab: {  	v56 =	vld [tilespmem:s9+$0xF810]  }
0x1ac: {  	v57 =	vld [tilespmem:s9+$0xF820]  }
0x1ad: {  	v58 =	vld [tilespmem:s9+$0xF850]  }
0x1ae: {  	v59 =	vld [tilespmem:s9+$0xF830];
	v54 =	vadd.f32 $0.0e+00, v62  }
0x1af: {  	v60 =	vld [tilespmem:s9+$0xF890]  }
0x1b0: {  	v56 =	vadd.f32 $0.0e+00, v56;
	v54 =	vadd.f32 v55, v54;
	v55 =	vld [tilespmem:s9+$0xF870]  }
0x1b1: {  	v61 =	vld [tilespmem:s9+$0xF8D0];
	v57 =	vadd.f32 $0.0e+00, v57  }
0x1b2: {  	v56 =	vadd.f32 v58, v56;
	v53 =	vadd.f32 v53, v54;
	v54 =	vld [tilespmem:s9+$0xF8B0]  }
0x1b3: {  	v63 =	vadd.f32 $0.0e+00, v59;
	v52 =	vadd.f32 v52, v57;
	v57 =	vld [tilespmem:s9+$0xF910]  }
0x1b4: {  	v56 =	vadd.f32 v60, v56;
	v51 =	vadd.f32 v51, v53;
	v53 =	vld [tilespmem:s9+$0xF8F0]  }
0x1b5: {  	v50 =	vadd.f32 v50, v52;
	v60 =	vld [tilespmem:s9+$0xF950];
	v55 =	vadd.f32 v55, v63  }
0x1b6: {  	v62 =	vld [tilespmem:s9+$0xF930];
	v56 =	vadd.f32 v61, v56;
	v49 =	vadd.f32 v49, v51  }
0x1b7: {  	v48 =	vadd.f32 v48, v50;
	v63 =	vld [tilespmem:s9+$0xF990];
	v54 =	vadd.f32 v54, v55  }
0x1b8: {  	v58 =	vld [tilespmem:s9+$0xF970];
	v57 =	vadd.f32 v57, v56;
	v47 =	vadd.f32 v47, v49  }
0x1b9: {  	v59 =	vld [tilespmem:s9+$0xF9D0];
	v46 =	vadd.f32 v46, v48;
	v53 =	vadd.f32 v53, v54  }
0x1ba: {  	v52 =	vadd.f32 v60, v57;
	v60 =	vld [tilespmem:s9+$0xF9B0];
	v45 =	vadd.f32 v45, v47  }
0x1bb: {  	v61 =	vld [tilespmem:s9+$0xFA10];
	v44 =	vadd.f32 v44, v46;
	v51 =	vadd.f32 v62, v53  }
0x1bc: {  	v50 =	vadd.f32 v63, v52;
	v62 =	vld [tilespmem:s9+$0xF9F0];
	v43 =	vadd.f32 v43, v45  }
0x1bd: {  	v42 =	vadd.f32 v42, v44;
	v63 =	vld [tilespmem:s9+$0xFA50];
	v49 =	vadd.f32 v58, v51  }
0x1be: {  	v52 =	vld [tilespmem:s9+$0xFA30];
	v48 =	vadd.f32 v59, v50;
	v41 =	vadd.f32 v41, v43  }
0x1bf: {  	v53 =	vld [tilespmem:s9+$0xFA90];
	v40 =	vadd.f32 v40, v42;
	v47 =	vadd.f32 v60, v49  }
0x1c0: {  	v54 =	vld [tilespmem:s9+$0xFA70];
	v46 =	vadd.f32 v61, v48;
	v39 =	vadd.f32 v39, v41  }
0x1c1: {  	v55 =	vld [tilespmem:s9+$0xFAD0];
	v38 =	vadd.f32 v38, v40;
	v45 =	vadd.f32 v62, v47  }
0x1c2: {  	v56 =	vld [tilespmem:s9+$0xFAB0];
	v44 =	vadd.f32 v63, v46;
	v37 =	vadd.f32 v37, v39  }
0x1c3: {  	v57 =	vld [tilespmem:s9+$0xFB10];
	v36 =	vadd.f32 v36, v38;
	v43 =	vadd.f32 v52, v45  }
0x1c4: {  	v58 =	vld [tilespmem:s9+$0xFAF0];
	v42 =	vadd.f32 v53, v44;
	v35 =	vadd.f32 v35, v37  }
0x1c5: {  	v59 =	vld [tilespmem:s9+$0xFB50];
	v34 =	vadd.f32 v34, v36;
	v41 =	vadd.f32 v54, v43  }
0x1c6: {  	v60 =	vld [tilespmem:s9+$0xFB30];
	v40 =	vadd.f32 v55, v42;
	v33 =	vadd.f32 v33, v35  }
0x1c7: {  	v61 =	vld [tilespmem:s9+$0xFB90];
	v32 =	vadd.f32 v32, v34;
	v39 =	vadd.f32 v56, v41  }
0x1c8: {  	v62 =	vld [tilespmem:s9+$0xFB70];
	v38 =	vadd.f32 v57, v40;
	v31 =	vadd.f32 v31, v33  }
0x1c9: {  	v63 =	vld [tilespmem:s9+$0xFBD0];
	v30 =	vadd.f32 v30, v32;
	v37 =	vadd.f32 v58, v39  }
0x1ca: {  	v36 =	vadd.f32 v59, v38;
	v29 =	vadd.f32 v29, v31;
	v31 =	vld [tilespmem:s9+$0xFBB0]  }
0x1cb: {  	v28 =	vadd.f32 v28, v30;
	v30 =	vld [tilespmem:s9+$0xFC10];
	v35 =	vadd.f32 v60, v37  }
0x1cc: {  	v34 =	vadd.f32 v61, v36;
	v27 =	vadd.f32 v27, v29;
	v29 =	vld [tilespmem:s9+$0xFBF0]  }
0x1cd: {  	v26 =	vadd.f32 v26, v28;
	v28 =	vld [tilespmem:s9+$0xFC50];
	v33 =	vadd.f32 v62, v35  }
0x1ce: {  	v32 =	vadd.f32 v63, v34;
	v25 =	vadd.f32 v25, v27;
	v27 =	vld [tilespmem:s9+$0xFC30]  }
0x1cf: {  	v24 =	vadd.f32 v24, v26;
	v26 =	vld [tilespmem:s9+$0xFC90];
	v31 =	vadd.f32 v31, v33  }
0x1d0: {  	v30 =	vadd.f32 v30, v32;
	v23 =	vadd.f32 v23, v25;
	v25 =	vld [tilespmem:s9+$0xFC70]  }
0x1d1: {  	v22 =	vadd.f32 v22, v24;
	v24 =	vld [tilespmem:s9+$0xFCA0];
	v29 =	vadd.f32 v29, v31  }
0x1d2: {  	v28 =	vadd.f32 v28, v30;
	v21 =	vadd.f32 v21, v23;
	v23 =	vld [tilespmem:s9+$0xFCB0]  }
0x1d3: {  	v20 =	vadd.f32 v20, v22;
	v22 =	vld [tilespmem:s9+$0xFCE0];
	v27 =	vadd.f32 v27, v29  }
0x1d4: {  	v26 =	vadd.f32 v26, v28;
	v19 =	vadd.f32 v19, v21;
	v21 =	vld [tilespmem:s1+$0xFFFFFFF0]  }
0x1d5: {  	v25 =	vadd.f32 v25, v27;
	v27 =	vld [tilespmem:s9+$0xFCF0]  }
0x1d6: {  	v20 =	vadd.f32 v24, v20;
	v18 =	vadd.f32 v18, v26;
	v17 =	vmul.f32 v17, v19  }
0x1d7: {  	v19 =	vadd.f32 v23, v25;
	v23 =	vld [tilespmem:s1+$0x0]  }
0x1d8: {  	v20 =	vadd.f32 v22, v20;
	v16 =	vmul.f32 v16, v18;
	v17 =	vadd.f32 $0.0e+00, v17;
	_ =	sdelay $0x1  }
0x1d9: {  	v18 =	vadd.f32 v27, v19;
	v16 =	vadd.f32 v16, v17;
	v17 =	vmul.f32 v21, v20;
	_ =	sdelay $0x1  }
0x1da: {  	v16 =	vadd.f32 v17, v16;
	v17 =	vmul.f32 v23, v18  }
0x1db: {  	s12 =	simm.s32 $0x0;
	s11 =	simm.s32 $0x1  }
0x1dc: {  	s13 =	sand.u32 $0x3, s11;
	s11 =	smul.u32 $0x5000, s12;
	v16 =	vadd.f32 v17, v16  }
0x1dd: {  	s14 =	smul.u32 $0x1400, s13;
	s9 =	simm.s32 $0x14800  }
0x1de: {  	s12 =	sadd.s32 $0x40, s1;
	[tilespmem:s9+$0x0] =	vst v16  }
0x1df: {  	s11 =	sshra.s32 s11, $0x2;
	s13 =	sshrl.u32 s14, $0x2;
	v16 =	vld [tilespmem:s12+$0xFFFFFFE0]  }
0x1e0: {  	s13 =	sadd.s32 s13, s11;
	v17 =	vld [tilespmem:s12+$0xFFFFFFD0]  }
0x1e1: {  	v18 =	vld [tilespmem:s13+$0xFCD0]  }
0x1e2: {  	v19 =	vld [tilespmem:s13+$0xFCC0]  }
0x1e3: {  	v20 =	vld [tilespmem:s13+$0xFC60]  }
0x1e4: {  	v21 =	vld [tilespmem:s13+$0xFC80]  }
0x1e5: {  	v22 =	vld [tilespmem:s13+$0xFC20]  }
0x1e6: {  	v23 =	vld [tilespmem:s13+$0xFC40]  }
0x1e7: {  	v24 =	vld [tilespmem:s13+$0xFBE0]  }
0x1e8: {  	v25 =	vld [tilespmem:s13+$0xFC00]  }
0x1e9: {  	v26 =	vld [tilespmem:s13+$0xFBA0]  }
0x1ea: {  	v27 =	vld [tilespmem:s13+$0xFBC0]  }
0x1eb: {  	v28 =	vld [tilespmem:s13+$0xFB60]  }
0x1ec: {  	v29 =	vld [tilespmem:s13+$0xFB80]  }
0x1ed: {  	v30 =	vld [tilespmem:s13+$0xFB20]  }
0x1ee: {  	v31 =	vld [tilespmem:s13+$0xFB40]  }
0x1ef: {  	v32 =	vld [tilespmem:s13+$0xFAE0]  }
0x1f0: {  	v33 =	vld [tilespmem:s13+$0xFB00]  }
0x1f1: {  	v34 =	vld [tilespmem:s13+$0xFAA0]  }
0x1f2: {  	v35 =	vld [tilespmem:s13+$0xFAC0]  }
0x1f3: {  	v36 =	vld [tilespmem:s13+$0xFA60]  }
0x1f4: {  	v37 =	vld [tilespmem:s13+$0xFA80]  }
0x1f5: {  	v38 =	vld [tilespmem:s13+$0xFA20]  }
0x1f6: {  	v39 =	vld [tilespmem:s13+$0xFA40]  }
0x1f7: {  	v40 =	vld [tilespmem:s13+$0xF9E0]  }
0x1f8: {  	v41 =	vld [tilespmem:s13+$0xFA00]  }
0x1f9: {  	v42 =	vld [tilespmem:s13+$0xF9A0]  }
0x1fa: {  	v43 =	vld [tilespmem:s13+$0xF9C0]  }
0x1fb: {  	v44 =	vld [tilespmem:s13+$0xF960]  }
0x1fc: {  	v45 =	vld [tilespmem:s13+$0xF980]  }
0x1fd: {  	v46 =	vld [tilespmem:s13+$0xF920]  }
0x1fe: {  	v47 =	vld [tilespmem:s13+$0xF940]  }
0x1ff: {  	s15 =	sshll.u32 s0, $0x1;
	v48 =	vld [tilespmem:s13+$0xF8E0]  }
0x200: {  	s14 =	simm.s32 $0x2;
	s11 =	sor.u32 $0x1, s15;
	v49 =	vld [tilespmem:s13+$0xF900]  }
.LBB2_5:
0x201: {  	p1 =	sne.s32 s14, $0xF;
	v50 =	vld [tilespmem:s13+$0xF8A0]  }
0x202: {  	v51 =	vld [tilespmem:s13+$0xF8C0]  }
0x203: {  	v52 =	vld [tilespmem:s13+$0xF860]  }
0x204: {  	v53 =	vld [tilespmem:s13+$0xF880]  }
0x205: {  	v54 =	vld [tilespmem:s13+$0xF800]  }
0x206: {  	v55 =	vld [tilespmem:s13+$0xF840]  }
0x207: {  	v56 =	vld [tilespmem:s13+$0xF810]  }
0x208: {  	v57 =	vld [tilespmem:s13+$0xF820]  }
0x209: {  	v58 =	vld [tilespmem:s13+$0xF850]  }
0x20a: {  	v54 =	vadd.f32 $0.0e+00, v54;
	v59 =	vld [tilespmem:s13+$0xF830]  }
0x20b: {  	v60 =	vld [tilespmem:s13+$0xF890]  }
0x20c: {  	v56 =	vadd.f32 $0.0e+00, v56;
	v54 =	vadd.f32 v55, v54;
	v55 =	vld [tilespmem:s13+$0xF870]  }
0x20d: {  	v57 =	vadd.f32 $0.0e+00, v57;
	v61 =	vld [tilespmem:s13+$0xF8D0]  }
0x20e: {  	v56 =	vadd.f32 v58, v56;
	v53 =	vadd.f32 v53, v54;
	v54 =	vld [tilespmem:s13+$0xF8B0]  }
0x20f: {  	v58 =	vadd.f32 $0.0e+00, v59;
	v52 =	vadd.f32 v52, v57;
	v57 =	vld [tilespmem:s13+$0xF910]  }
0x210: {  	v56 =	vadd.f32 v60, v56;
	v51 =	vadd.f32 v51, v53;
	v53 =	vld [tilespmem:s13+$0xF8F0]  }
0x211: {  	v55 =	vadd.f32 v55, v58;
	v50 =	vadd.f32 v50, v52;
	v52 =	vld [tilespmem:s13+$0xF950]  }
0x212: {  	v56 =	vadd.f32 v61, v56;
	v49 =	vadd.f32 v49, v51;
	v51 =	vld [tilespmem:s13+$0xF930]  }
0x213: {  	v54 =	vadd.f32 v54, v55;
	v48 =	vadd.f32 v48, v50;
	v50 =	vld [tilespmem:s13+$0xF990]  }
0x214: {  	v55 =	vadd.f32 v57, v56;
	v47 =	vadd.f32 v47, v49;
	v49 =	vld [tilespmem:s13+$0xF970]  }
0x215: {  	v53 =	vadd.f32 v53, v54;
	v46 =	vadd.f32 v46, v48;
	v48 =	vld [tilespmem:s13+$0xF9D0]  }
0x216: {  	v52 =	vadd.f32 v52, v55;
	v45 =	vadd.f32 v45, v47;
	v47 =	vld [tilespmem:s13+$0xF9B0]  }
0x217: {  	v51 =	vadd.f32 v51, v53;
	v44 =	vadd.f32 v44, v46;
	v46 =	vld [tilespmem:s13+$0xFA10]  }
0x218: {  	v50 =	vadd.f32 v50, v52;
	v43 =	vadd.f32 v43, v45;
	v45 =	vld [tilespmem:s13+$0xF9F0]  }
0x219: {  	v49 =	vadd.f32 v49, v51;
	v42 =	vadd.f32 v42, v44;
	v44 =	vld [tilespmem:s13+$0xFA50]  }
0x21a: {  	v48 =	vadd.f32 v48, v50;
	v41 =	vadd.f32 v41, v43;
	v43 =	vld [tilespmem:s13+$0xFA30]  }
0x21b: {  	v47 =	vadd.f32 v47, v49;
	v40 =	vadd.f32 v40, v42;
	v42 =	vld [tilespmem:s13+$0xFA90]  }
0x21c: {  	v46 =	vadd.f32 v46, v48;
	v39 =	vadd.f32 v39, v41;
	v41 =	vld [tilespmem:s13+$0xFA70]  }
0x21d: {  	v45 =	vadd.f32 v45, v47;
	v38 =	vadd.f32 v38, v40;
	v40 =	vld [tilespmem:s13+$0xFAD0]  }
0x21e: {  	v44 =	vadd.f32 v44, v46;
	v37 =	vadd.f32 v37, v39;
	v39 =	vld [tilespmem:s13+$0xFAB0]  }
0x21f: {  	v43 =	vadd.f32 v43, v45;
	v36 =	vadd.f32 v36, v38;
	v38 =	vld [tilespmem:s13+$0xFB10]  }
0x220: {  	v42 =	vadd.f32 v42, v44;
	v35 =	vadd.f32 v35, v37;
	v37 =	vld [tilespmem:s13+$0xFAF0]  }
0x221: {  	v41 =	vadd.f32 v41, v43;
	v34 =	vadd.f32 v34, v36;
	v36 =	vld [tilespmem:s13+$0xFB50]  }
0x222: {  	v40 =	vadd.f32 v40, v42;
	v33 =	vadd.f32 v33, v35;
	v35 =	vld [tilespmem:s13+$0xFB30]  }
0x223: {  	v39 =	vadd.f32 v39, v41;
	v32 =	vadd.f32 v32, v34;
	v34 =	vld [tilespmem:s13+$0xFB90]  }
0x224: {  	v38 =	vadd.f32 v38, v40;
	v31 =	vadd.f32 v31, v33;
	v33 =	vld [tilespmem:s13+$0xFB70]  }
0x225: {  	v37 =	vadd.f32 v37, v39;
	v30 =	vadd.f32 v30, v32;
	v32 =	vld [tilespmem:s13+$0xFBD0]  }
0x226: {  	v36 =	vadd.f32 v36, v38;
	v29 =	vadd.f32 v29, v31;
	v31 =	vld [tilespmem:s13+$0xFBB0]  }
0x227: {  	v35 =	vadd.f32 v35, v37;
	v28 =	vadd.f32 v28, v30;
	v30 =	vld [tilespmem:s13+$0xFC10]  }
0x228: {  	v34 =	vadd.f32 v34, v36;
	v27 =	vadd.f32 v27, v29;
	v29 =	vld [tilespmem:s13+$0xFBF0]  }
0x229: {  	v33 =	vadd.f32 v33, v35;
	v26 =	vadd.f32 v26, v28;
	v28 =	vld [tilespmem:s13+$0xFC50]  }
0x22a: {  	v32 =	vadd.f32 v32, v34;
	v25 =	vadd.f32 v25, v27;
	v27 =	vld [tilespmem:s13+$0xFC30]  }
0x22b: {  	v31 =	vadd.f32 v31, v33;
	v24 =	vadd.f32 v24, v26;
	v26 =	vld [tilespmem:s13+$0xFC90]  }
0x22c: {  	v30 =	vadd.f32 v30, v32;
	v23 =	vadd.f32 v23, v25;
	v25 =	vld [tilespmem:s13+$0xFC70]  }
0x22d: {  	v29 =	vadd.f32 v29, v31;
	v22 =	vadd.f32 v22, v24;
	v24 =	vld [tilespmem:s13+$0xFCA0]  }
0x22e: {  	v28 =	vadd.f32 v28, v30;
	v21 =	vadd.f32 v21, v23;
	v23 =	vld [tilespmem:s13+$0xFCB0]  }
0x22f: {  	v27 =	vadd.f32 v27, v29;
	v20 =	vadd.f32 v20, v22;
	v22 =	vld [tilespmem:s13+$0xFCE0]  }
0x230: {  	v26 =	vadd.f32 v26, v28;
	v19 =	vadd.f32 v19, v21;
	v21 =	vld [tilespmem:s12+$0xFFFFFFF0]  }
0x231: {  	v25 =	vadd.f32 v25, v27;
	v27 =	vld [tilespmem:s13+$0xFCF0]  }
0x232: {  	v20 =	vadd.f32 v24, v20;
	v18 =	vadd.f32 v18, v26;
	v17 =	vmul.f32 v17, v19  }
0x233: {  	v19 =	vadd.f32 v23, v25;
	v23 =	vld [tilespmem:s12+$0x0]  }
0x234: {  	v20 =	vadd.f32 v22, v20;
	v17 =	vadd.f32 $0.0e+00, v17;
	v16 =	vmul.f32 v16, v18;
	_ =	sdelay $0x1  }
0x235: {  	v18 =	vadd.f32 v27, v19;
	v16 =	vadd.f32 v16, v17;
	v17 =	vmul.f32 v21, v20;
	_ =	sdelay $0x1  }
0x236: {  	v16 =	vadd.f32 v17, v16;
	v17 =	vmul.f32 v23, v18  }
0x237: {  	s13 =	sshrl.u32 s14, $0x2  }
0x238: {  	s15 =	sand.u32 $0x3, s14;
	s13 =	smul.u32 $0x5000, s13;
	v16 =	vadd.f32 v17, v16  }
0x239: {  	s9 =	sadd.s32 $0x10, s9;
	s15 =	smul.u32 $0x1400, s15  }
0x23a: {  	s12 =	sadd.s32 $0x40, s12;
	[tilespmem:s9+$0x0] =	vst v16  }
0x23b: {  	s15 =	sshrl.u32 s15, $0x2;
	s13 =	sshra.s32 s13, $0x2;
	v16 =	vld [tilespmem:s12+$0xFFFFFFE0]  }
0x23c: {  	s13 =	sadd.s32 s15, s13;
	v17 =	vld [tilespmem:s12+$0xFFFFFFD0]  }
0x23d: {  	v18 =	vld [tilespmem:s13+$0xFCD0]  }
0x23e: {  	v19 =	vld [tilespmem:s13+$0xFCC0]  }
0x23f: {  	v20 =	vld [tilespmem:s13+$0xFC60]  }
0x240: {  	v21 =	vld [tilespmem:s13+$0xFC80]  }
0x241: {  	v22 =	vld [tilespmem:s13+$0xFC20]  }
0x242: {  	v23 =	vld [tilespmem:s13+$0xFC40]  }
0x243: {  	v24 =	vld [tilespmem:s13+$0xFBE0]  }
0x244: {  	v25 =	vld [tilespmem:s13+$0xFC00]  }
0x245: {  	v26 =	vld [tilespmem:s13+$0xFBA0]  }
0x246: {  	v27 =	vld [tilespmem:s13+$0xFBC0]  }
0x247: {  	v28 =	vld [tilespmem:s13+$0xFB60]  }
0x248: {  	v29 =	vld [tilespmem:s13+$0xFB80]  }
0x249: {  	v30 =	vld [tilespmem:s13+$0xFB20]  }
0x24a: {  	v31 =	vld [tilespmem:s13+$0xFB40]  }
0x24b: {  	v32 =	vld [tilespmem:s13+$0xFAE0]  }
0x24c: {  	v33 =	vld [tilespmem:s13+$0xFB00]  }
0x24d: {  	v34 =	vld [tilespmem:s13+$0xFAA0]  }
0x24e: {  	v35 =	vld [tilespmem:s13+$0xFAC0]  }
0x24f: {  	v36 =	vld [tilespmem:s13+$0xFA60]  }
0x250: {  	v37 =	vld [tilespmem:s13+$0xFA80]  }
0x251: {  	v38 =	vld [tilespmem:s13+$0xFA20]  }
0x252: {  	v39 =	vld [tilespmem:s13+$0xFA40]  }
0x253: {  	v40 =	vld [tilespmem:s13+$0xF9E0]  }
0x254: {  	v41 =	vld [tilespmem:s13+$0xFA00]  }
0x255: {  	v42 =	vld [tilespmem:s13+$0xF9A0]  }
0x256: {  	v43 =	vld [tilespmem:s13+$0xF9C0]  }
0x257: {  	v44 =	vld [tilespmem:s13+$0xF960]  }
.Ltmp3:
0x258: {  	v45 =	vld [tilespmem:s13+$0xF980];
	(pc) =	sbr.rel @p1 .LBB2_5-.Ltmp3, $4  }
0x259: {  	v46 =	vld [tilespmem:s13+$0xF920]  }
0x25a: {  	v47 =	vld [tilespmem:s13+$0xF940]  }
0x25b: {  	v48 =	vld [tilespmem:s13+$0xF8E0]  }
0x25c: {  	s14 =	sadd.s32 $0x1, s14;
	v49 =	vld [tilespmem:s13+$0xF900]  }
0x25d: {  	v50 =	vld [tilespmem:s13+$0xF8A0]  }
0x25e: {  	v51 =	vld [tilespmem:s13+$0xF8C0]  }
0x25f: {  	v52 =	vld [tilespmem:s13+$0xF860]  }
0x260: {  	v54 =	vld [tilespmem:s13+$0xF800]  }
0x261: {  	v55 =	vld [tilespmem:s13+$0xF840]  }
0x262: {  	v56 =	vld [tilespmem:s13+$0xF810]  }
0x263: {  	v57 =	vld [tilespmem:s13+$0xF820]  }
0x264: {  	v58 =	vld [tilespmem:s13+$0xF850]  }
0x265: {  	v53 =	vld [tilespmem:s13+$0xF880]  }
0x266: {  	v60 =	vld [tilespmem:s13+$0xF890];
	v54 =	vadd.f32 $0.0e+00, v54  }
0x267: {  	v59 =	vld [tilespmem:s13+$0xF830];
	v56 =	vadd.f32 $0.0e+00, v56  }
0x268: {  	v61 =	vld [tilespmem:s13+$0xF8D0];
	v57 =	vadd.f32 $0.0e+00, v57;
	v54 =	vadd.f32 v55, v54  }
0x269: {  	v55 =	vld [tilespmem:s13+$0xF870];
	v56 =	vadd.f32 v58, v56  }
0x26a: {  	v52 =	vadd.f32 v52, v57;
	v57 =	vld [tilespmem:s13+$0xF910];
	v53 =	vadd.f32 v53, v54  }
0x26b: {  	v54 =	vld [tilespmem:s13+$0xF8B0];
	v56 =	vadd.f32 v60, v56  }
0x26c: {  	v63 =	vadd.f32 $0.0e+00, v59;
	v60 =	vld [tilespmem:s13+$0xF950];
	v51 =	vadd.f32 v51, v53  }
0x26d: {  	v50 =	vadd.f32 v50, v52;
	v53 =	vld [tilespmem:s13+$0xF8F0];
	v56 =	vadd.f32 v61, v56  }
0x26e: {  	v55 =	vadd.f32 v55, v63;
	v63 =	vld [tilespmem:s13+$0xF990];
	v49 =	vadd.f32 v49, v51  }
0x26f: {  	v62 =	vld [tilespmem:s13+$0xF930];
	v48 =	vadd.f32 v48, v50;
	v57 =	vadd.f32 v57, v56  }
0x270: {  	v59 =	vld [tilespmem:s13+$0xF9D0];
	v54 =	vadd.f32 v54, v55;
	v47 =	vadd.f32 v47, v49  }
0x271: {  	v58 =	vld [tilespmem:s13+$0xF970];
	v46 =	vadd.f32 v46, v48;
	v52 =	vadd.f32 v60, v57  }
0x272: {  	v61 =	vld [tilespmem:s13+$0xFA10];
	v53 =	vadd.f32 v53, v54;
	v45 =	vadd.f32 v45, v47  }
0x273: {  	v60 =	vld [tilespmem:s13+$0xF9B0];
	v44 =	vadd.f32 v44, v46;
	v50 =	vadd.f32 v63, v52  }
0x274: {  	v63 =	vld [tilespmem:s13+$0xFA50];
	v51 =	vadd.f32 v62, v53;
	v43 =	vadd.f32 v43, v45  }
0x275: {  	v42 =	vadd.f32 v42, v44;
	v62 =	vld [tilespmem:s13+$0xF9F0];
	v48 =	vadd.f32 v59, v50  }
0x276: {  	v53 =	vld [tilespmem:s13+$0xFA90];
	v49 =	vadd.f32 v58, v51;
	v41 =	vadd.f32 v41, v43  }
0x277: {  	v52 =	vld [tilespmem:s13+$0xFA30];
	v40 =	vadd.f32 v40, v42;
	v46 =	vadd.f32 v61, v48  }
0x278: {  	v55 =	vld [tilespmem:s13+$0xFAD0];
	v47 =	vadd.f32 v60, v49;
	v39 =	vadd.f32 v39, v41  }
0x279: {  	v54 =	vld [tilespmem:s13+$0xFA70];
	v38 =	vadd.f32 v38, v40;
	v44 =	vadd.f32 v63, v46  }
0x27a: {  	v57 =	vld [tilespmem:s13+$0xFB10];
	v45 =	vadd.f32 v62, v47;
	v37 =	vadd.f32 v37, v39  }
0x27b: {  	v56 =	vld [tilespmem:s13+$0xFAB0];
	v36 =	vadd.f32 v36, v38;
	v42 =	vadd.f32 v53, v44  }
0x27c: {  	v59 =	vld [tilespmem:s13+$0xFB50];
	v43 =	vadd.f32 v52, v45;
	v35 =	vadd.f32 v35, v37  }
0x27d: {  	v58 =	vld [tilespmem:s13+$0xFAF0];
	v34 =	vadd.f32 v34, v36;
	v40 =	vadd.f32 v55, v42  }
0x27e: {  	v61 =	vld [tilespmem:s13+$0xFB90];
	v41 =	vadd.f32 v54, v43;
	v33 =	vadd.f32 v33, v35  }
0x27f: {  	v60 =	vld [tilespmem:s13+$0xFB30];
	v32 =	vadd.f32 v32, v34;
	v38 =	vadd.f32 v57, v40  }
0x280: {  	v63 =	vld [tilespmem:s13+$0xFBD0];
	v39 =	vadd.f32 v56, v41;
	v31 =	vadd.f32 v31, v33  }
0x281: {  	v62 =	vld [tilespmem:s13+$0xFB70];
	v30 =	vadd.f32 v30, v32;
	v36 =	vadd.f32 v59, v38  }
0x282: {  	v40 =	vld [tilespmem:s13+$0xFC10];
	v37 =	vadd.f32 v58, v39;
	v29 =	vadd.f32 v29, v31  }
0x283: {  	v28 =	vadd.f32 v28, v30;
	v39 =	vld [tilespmem:s13+$0xFBB0];
	v34 =	vadd.f32 v61, v36  }
0x284: {  	v42 =	vld [tilespmem:s13+$0xFC50];
	v35 =	vadd.f32 v60, v37;
	v27 =	vadd.f32 v27, v29  }
0x285: {  	v41 =	vld [tilespmem:s13+$0xFBF0];
	v26 =	vadd.f32 v26, v28;
	v32 =	vadd.f32 v63, v34  }
0x286: {  	v44 =	vld [tilespmem:s13+$0xFC90];
	v33 =	vadd.f32 v62, v35;
	v25 =	vadd.f32 v25, v27  }
0x287: {  	v43 =	vld [tilespmem:s13+$0xFC30];
	v24 =	vadd.f32 v24, v26;
	v30 =	vadd.f32 v40, v32  }
0x288: {  	v46 =	vld [tilespmem:s13+$0xFCA0];
	v31 =	vadd.f32 v39, v33;
	v23 =	vadd.f32 v23, v25  }
0x289: {  	v45 =	vld [tilespmem:s13+$0xFC70];
	v22 =	vadd.f32 v22, v24;
	v28 =	vadd.f32 v42, v30  }
0x28a: {  	v48 =	vld [tilespmem:s13+$0xFCE0];
	v29 =	vadd.f32 v41, v31;
	v21 =	vadd.f32 v21, v23  }
0x28b: {  	v47 =	vld [tilespmem:s13+$0xFCB0];
	v20 =	vadd.f32 v20, v22;
	v26 =	vadd.f32 v44, v28  }
0x28c: {  	v50 =	vld [tilespmem:s13+$0xFCF0];
	v27 =	vadd.f32 v43, v29;
	v19 =	vadd.f32 v19, v21  }
0x28d: {  	v49 =	vld [tilespmem:s12+$0xFFFFFFF0];
	v20 =	vadd.f32 v46, v20  }
0x28e: {  	v18 =	vadd.f32 v18, v26;
	v25 =	vadd.f32 v45, v27;
	v17 =	vmul.f32 v17, v19  }
0x28f: {  	v52 =	vld [tilespmem:s12+$0x0];
	v20 =	vadd.f32 v48, v20  }
0x290: {  	v16 =	vmul.f32 v16, v18;
	v51 =	vadd.f32 v47, v25;
	v17 =	vadd.f32 $0.0e+00, v17;
	_ =	sdelay $0x1  }
0x291: {  	v53 =	vadd.f32 v50, v51;
	v16 =	vadd.f32 v16, v17;
	v17 =	vmul.f32 v49, v20;
	_ =	sdelay $0x1  }
0x292: {  	v16 =	vadd.f32 v17, v16;
	v17 =	vmul.f32 v52, v53;
	_ =	sdelay $0x1  }
0x293: {  	v16 =	vadd.f32 v17, v16  }
0x294: {  	s9 =	sadd.s32 $0x10, s9  }
0x295: {  	[tilespmem:s9+$0x0] =	vst v16  }
0x296: {  	v16 =	vld.idx.msk [tilespmem:v0+s26+$0x0], $0xffff;
	_ =	sdelay $0x1  }
0x297: {  	v17 =	vld.idx.msk [tilespmem:v1+s26+$0x0], $0xffff;
	_ =	sdelay $0x1  }
0x298: {  	v54 =	vld.idx.msk [tilespmem:v2+s26+$0x0], $0xffff  }
0x299: {  	v16 =	vadd.f32 $0.0e+00, v16  }
0x29a: {  	v55 =	vld.idx.msk [tilespmem:v3+s26+$0x0], $0xffff  }
0x29b: {  	v16 =	vadd.f32 v17, v16  }
0x29c: {  	v17 =	vld.idx.msk [tilespmem:v4+s26+$0x0], $0xffff  }
0x29d: {  	v16 =	vadd.f32 v54, v16  }
0x29e: {  	v56 =	vld.idx.msk [tilespmem:v5+s26+$0x0], $0xffff  }
0x29f: {  	v16 =	vadd.f32 v55, v16  }
0x2a0: {  	v57 =	vld.idx.msk [tilespmem:v6+s26+$0x0], $0xffff  }
0x2a1: {  	v16 =	vadd.f32 v17, v16  }
0x2a2: {  	v17 =	vld.idx.msk [tilespmem:v7+s26+$0x0], $0xffff  }
0x2a3: {  	v16 =	vadd.f32 v56, v16  }
0x2a4: {  	v58 =	vld.idx.msk [tilespmem:v8+s26+$0x0], $0xffff  }
0x2a5: {  	v16 =	vadd.f32 v57, v16  }
0x2a6: {  	v59 =	vld.idx.msk [tilespmem:v9+s26+$0x0], $0xffff  }
0x2a7: {  	v16 =	vadd.f32 v17, v16  }
0x2a8: {  	v17 =	vld.idx.msk [tilespmem:v10+s26+$0x0], $0xffff  }
0x2a9: {  	v16 =	vadd.f32 v58, v16  }
0x2aa: {  	v60 =	vld.idx.msk [tilespmem:v11+s26+$0x0], $0xffff  }
0x2ab: {  	v16 =	vadd.f32 v59, v16  }
0x2ac: {  	v61 =	vld.idx.msk [tilespmem:v12+s26+$0x0], $0xffff  }
0x2ad: {  	v16 =	vadd.f32 v17, v16  }
0x2ae: {  	v17 =	vld.idx.msk [tilespmem:v13+s26+$0x0], $0xffff  }
0x2af: {  	v16 =	vadd.f32 v60, v16  }
0x2b0: {  	v62 =	vld.idx.msk [tilespmem:v14+s26+$0x0], $0xffff  }
0x2b1: {  	v16 =	vadd.f32 v61, v16  }
0x2b2: {  	v63 =	vld.idx.msk [tilespmem:v15+s26+$0x0], $0xffff  }
0x2b3: {  	v16 =	vadd.f32 v17, v16;
	_ =	sdelay $0x1  }
0x2b4: {  	v16 =	vadd.f32 v62, v16;
	_ =	sdelay $0x1  }
.Ltmp4:
0x2b5: {  	v16 =	vadd.f32 v63, v16;
	(pc) =	sbr.rel @p0 .LBB2_8-.Ltmp4, $4  }
0x2b6: {  	_ = 	snop  }
0x2b7: {  	s15 =	sshll.u32 s11, $0x4;
	v16 =	vmul.f32 $5.000000070e-02, v16  }
0x2b8: {  	s9 =	sand.u32 $0x3FFFFFF0, s15  }
0x2b9: {  	[tilespmem:s9+$0x14900] =	vst v16  }
0x2ba: {  	s9 =	smul.u32 $0xA00, s0;
	_ =	sdelay $0x1  }
0x2bb: {  	s9 =	sshra.s32 s9, $0x2  }
0x2bc: {  	s11 =	sadd.s32 $0x3C0, s9  }
0x2bd: {  	[tilespmem:s18], [sflag:$0x2] =	stream.indirect.gather [hbm4b:s3+s10], $0x40, s11, s10, $0xb8;
	[tilespmem:$0x14B00] =	vst v63  }
0x2be: {  	s14 =	sadd.s32 $0x410, s9  }
0x2bf: {  	[tilespmem:s20], [sflag:$0x2] =	stream.indirect.gather [hbm4b:s3+s10], $0x40, s14, s10, $0xb8;
	[tilespmem:$0x14B00] =	vst v63  }
.Ltmp5:
0x2c0: {  	_ = 	snop;
	(pc) =	sbr.rel .LBB2_2-.Ltmp5, $4  }
0x2c1: {  	s0 =	sadd.s32 $0x1, s0;
	s15 =	sadd.s32 $0x460, s9  }
0x2c2: {  	[tilespmem:s22], [sflag:$0x2] =	stream.indirect.gather [hbm4b:s3+s10], $0x40, s15, s10, $0xb8;
	[tilespmem:$0x14B00] =	vst v63  }
0x2c3: {  	s31 =	sadd.s32 $0x800, s31;
	s1 =	sadd.s32 $0x800, s1;
	s9 =	sadd.s32 $0x4B0, s9  }
0x2c4: {  	[tilespmem:s24], [sflag:$0x2] =	stream.indirect.gather [hbm4b:s3+s10], $0x40, s9, s10, $0xb8;
	[tilespmem:$0x14B00] =	vst v63  }
.LBB2_9:
0x2c5: {  	_ =	sfence.sel $0x180000  }
0x2c6: {  	[bflag:$0x0] =	sbarrier.arrive $0xFFFF  }
0x2c7: {  	_ =	strace $0x9000004A  }
0x2c8: {  	s0 =	stileid.u32;
	[bflag:$0x2] =	sbarrier.arrive $0xFFFF  }
0x2c9: {  	p0 =	sne.s32 s0, $0x0;
	s0 =	rddreg [dreg:$0x2]  }
0x2ca: {  	s0 =	sadd.s32 @!p0 $0x100000, s0  }
0x2cb: {  	[sflag:s0] =	ssyncadd.tile.s32 @!p0 $0x1;
	_ =	shalt  }
.Lfunc_end2:
_tile_overlayer_lowered:
.L_overlay_start_2:
0x2cc: {  	(tag) =	ssettag $0x2  }
0x2cd: {  	s0 =	rddreg [dreg:$0x0];
	s2 =	stileid.u32  }
0x2ce: {  	s1 =	rddreg [dreg:$0x1];
	p0 =	sne.s32 s2, $0x0  }
0x2cf: {  	s3 =	rddreg [dreg:$0x2];
	[bflag:$0x3] =	sbarrier.arrive $0xFFFF;
	s2 =	simm.s32 @!p0 $0x1C03  }
0x2d0: {  	[timem:s3], [sflag:s2] =	dma.local @!p0 [hbm:s0], s1  }
0x2d1: {  	s0 =	simm.s32 @!p0 $0x3  }
0x2d2: {  	_ =	swait.ge @!p0 [sflag:s0], s1  }
0x2d3: {  	s1 =	ssub.s32 @!p0 $0x0, s1;
	[sflag:s0] =	ssyncset.done @!p0 $0x0  }
0x2d4: {  	[sflag:s0] =	ssyncadd.s32 @!p0 s1  }
0x2d5: {  	[bflag:$0x3] =	sbarrier.arrive $0xFFFF  }
0x2d6: {  	_ =	shalt  }

</sc_bundles>
